<compile_context>
chip_gen: v7x
topology: tpu7x:2x2x1
jax: 0.10.2.dev20260603
libtpu: 0.0.44.dev20260713+nightly
codegen_flags: <defaults>
</compile_context>

<pallas_src>
import functools

import jax
import jax.numpy as jnp
from jax import lax
from jax.experimental import pallas as pl
from jax.experimental.pallas import tpu as pltpu
from jax.experimental.pallas import tpu_sc as plsc

BATCH = 16384
EMBED = 64
NUM_CORES = 2
NUM_SUBCORES = 16
NW = NUM_CORES * NUM_SUBCORES
B_PER_W = BATCH // NW
HALF = B_PER_W // 2
CHUNK = 128
NCH = B_PER_W // CHUNK


def _mesh():
    return plsc.VectorSubcoreMesh(core_axis_name="c", subcore_axis_name="s")


def _user_body(idx_hbm, tab, out_u, idx_v, rows_v, sem):
    wid = lax.axis_index("s") * NUM_CORES + lax.axis_index("c")
    base = wid * B_PER_W
    pltpu.sync_copy(idx_hbm.at[wid], idx_v)
    copies = [
        pltpu.async_copy(
            tab.at[idx_v.at[c]], rows_v.at[pl.ds(c * CHUNK, CHUNK)], sem
        )
        for c in range(NCH)
    ]
    for cp in copies:
        cp.wait()
    pltpu.sync_copy(rows_v, out_u.at[pl.ds(base, B_PER_W)])


def _item_body(idx_hbm, item_tab, out_p, out_n, idx_v, rows_v, sem0, sem1):
    wid = lax.axis_index("s") * NUM_CORES + lax.axis_index("c")
    base = wid * B_PER_W
    pltpu.sync_copy(idx_hbm.at[wid], idx_v)
    sems = (sem0, sem1)
    outs = (out_p, out_n)
    for h in range(2):
        for k in range(2):
            def issue(g, carry, sem=sems[k], k=k, h=h):
                vec = idx_v[pl.ds(k * B_PER_W + h * HALF + g * 16, 16)]
                for l in range(16):
                    row = vec[l]
                    pltpu.async_copy(
                        item_tab.at[row], rows_v.at[k, g * 16 + l], sem
                    )
                return carry

            lax.fori_loop(0, HALF // 16, issue, 0)
        for k in range(2):
            pltpu.make_async_copy(
                item_tab.at[pl.ds(0, HALF)], rows_v.at[k], sems[k]
            ).wait()
            pltpu.sync_copy(
                rows_v.at[k], outs[k].at[pl.ds(base + h * HALF, HALF)]
            )


@jax.jit
def _sbpr(idx_u, idx_pn, embed_user, embed_item):
    out = jax.ShapeDtypeStruct((BATCH, EMBED), jnp.float32)
    out_p, out_n = pl.kernel(
        _item_body,
        out_type=(out, out),
        mesh=_mesh(),
        scratch_types=[
            pltpu.VMEM((2 * B_PER_W,), jnp.int32),
            pltpu.VMEM((2, HALF, EMBED), jnp.float32),
            pltpu.SemaphoreType.DMA,
            pltpu.SemaphoreType.DMA,
        ],
    )(idx_pn, embed_item)
    out_u = pl.kernel(
        _user_body,
        out_type=(out,),
        mesh=_mesh(),
        scratch_types=[
            pltpu.VMEM((NCH, CHUNK), jnp.int32),
            pltpu.VMEM((B_PER_W, EMBED), jnp.float32),
            pltpu.SemaphoreType.DMA,
        ],
        compiler_params=pltpu.CompilerParams(use_tc_tiling_on_sc=False),
    )(idx_u, embed_user)[0]
    return out_u, out_p, out_n


def kernel(batch_user, batch_pos_item, batch_neg_item, embed_user, embed_item):
    idx_u = batch_user.reshape(NW, NCH, CHUNK)
    idx_pn = (
        jnp.stack([batch_pos_item, batch_neg_item])
        .reshape(2, NW, B_PER_W)
        .transpose(1, 0, 2)
        .reshape(NW, 2 * B_PER_W)
    )
    return _sbpr(idx_u, idx_pn, embed_user, embed_item)

# --- scband reference (transcript-rebuilt; emitter-appended) ---
"""Pipeline reference for scband-sbpr-66383014527122 (READ-ONLY COPY).

The authoritative reference and input builder live on the scoring server;
editing this copy changes nothing except your own understanding.
"""

import jax, jax.numpy as jnp
import numpy as np

NUM_USERS = 100000
NUM_ITEMS = 1000000
EMBED = 64
BATCH = 16384


def setup_inputs(seed: int = 0) -> dict:
    key = jax.random.key(seed)
    k1, k2, k3, k4, k5 = jax.random.split(key, 5)
    # xavier_uniform init like nn.init.xavier_uniform_
    su = float(np.sqrt(6.0 / (NUM_USERS + EMBED)))
    sv = float(np.sqrt(6.0 / (NUM_ITEMS + EMBED)))
    embed_user = jax.random.uniform(k1, (NUM_USERS, EMBED), minval=-su, maxval=su, dtype=jnp.float32)
    embed_item = jax.random.uniform(k2, (NUM_ITEMS, EMBED), minval=-sv, maxval=sv, dtype=jnp.float32)
    batch_user = jax.random.randint(k3, (BATCH,), 0, NUM_USERS, dtype=jnp.int32)
    batch_pos_item = jax.random.randint(k4, (BATCH,), 0, NUM_ITEMS, dtype=jnp.int32)
    batch_neg_item = jax.random.randint(k5, (BATCH,), 0, NUM_ITEMS, dtype=jnp.int32)
    return {
        "batch_user": batch_user,
        "batch_pos_item": batch_pos_item,
        "batch_neg_item": batch_neg_item,
        "embed_user": embed_user,
        "embed_item": embed_item,
    }


def reference(batch_user, batch_pos_item, batch_neg_item, embed_user, embed_item):
    # U[batch_user, :], V[batch_pos_item, :], V[batch_neg_item, :]
    batch_user_embeddings = jnp.take(embed_user, batch_user, axis=0)
    batch_pos_items_embeddings = jnp.take(embed_item, batch_pos_item, axis=0)
    batch_neg_items_embeddings = jnp.take(embed_item, batch_neg_item, axis=0)
    return (batch_user_embeddings, batch_pos_items_embeddings, batch_neg_items_embeddings)

if __name__ == "__main__":
    import jax
    _d = setup_inputs()
    print(jax.jit(kernel)(*tuple(_d.values())))

</pallas_src>

<mosaic_0001>
#map = affine_map<(d0, d1) -> (0, 0)>
module attributes {stable_mosaic.version = 14 : i64} {
  func.func @_item_body(%arg0: i32, %arg1: i32, %arg2: memref<32x1024xi32, #tpu.memory_space<hbm>>, %arg3: memref<1000000x64xf32, #tpu.memory_space<hbm>>, %arg4: memref<16384x64xf32, #tpu.memory_space<hbm>>, %arg5: memref<16384x64xf32, #tpu.memory_space<hbm>>, %arg6: memref<1024xi32, #tpu.memory_space<vmem>>, %arg7: memref<2x256x64xf32, #tpu.memory_space<vmem>>, %arg8: memref<!tpu.dma_semaphore, #tpu.memory_space<semaphore_mem>>, %arg9: memref<!tpu.dma_semaphore, #tpu.memory_space<semaphore_mem>>) attributes {dimension_semantics = [#tpu.dimension_semantics<core_parallel>, #tpu.dimension_semantics<subcore_parallel>], iteration_bounds = array<i64: 2, 16>, scalar_prefetch = 0 : i64, scratch_operands = 4 : i64, tpu.core_type = #tpu.core_type<sc_vector_subcore>, window_params = [{transform_indices = #map}, {transform_indices = #map}, {transform_indices = #map}, {transform_indices = #map}]} {
    %mul3A = arith.constant 2 : i32
    %mul3A_0 = arith.muli %arg1, %mul3A : i32
    %add3A = arith.addi %mul3A_0, %arg0 : i32
    %mul3A_1 = arith.constant 512 : i32
    %mul3A_2 = arith.muli %add3A, %mul3A_1 : i32
    "tpu.region"() ({
      %run_scoped3A_96 = tpu.sem_alloc : memref<!tpu.dma_semaphore, #tpu.memory_space<semaphore_mem>>
      %dma_start3A = arith.constant 0 : i32
      %dma_start3A_97 = tpu.memref_slice %arg2[%add3A, %dma_start3A] : memref<32x1024xi32, #tpu.memory_space<hbm>> -> memref<1x1024xi32, #tpu.memory_space<hbm>>
      %dma_start3A_98 = tpu.memref_squeeze %dma_start3A_97 : memref<1x1024xi32, #tpu.memory_space<hbm>> -> memref<1024xi32, #tpu.memory_space<hbm>>
      %dma_start3A_99 = arith.constant 0 : i32
      %dma_start3A_100 = tpu.memref_slice %arg2[%add3A, %dma_start3A_99] : memref<32x1024xi32, #tpu.memory_space<hbm>> -> memref<1x1024xi32, #tpu.memory_space<hbm>>
      %dma_start3A_101 = tpu.memref_squeeze %dma_start3A_100 : memref<1x1024xi32, #tpu.memory_space<hbm>> -> memref<1024xi32, #tpu.memory_space<hbm>>
      tpu.enqueue_dma source(%dma_start3A_101 : memref<1024xi32, #tpu.memory_space<hbm>>) target(%arg6 : memref<1024xi32, #tpu.memory_space<vmem>>) target_semaphore(%run_scoped3A_96 : memref<!tpu.dma_semaphore, #tpu.memory_space<semaphore_mem>>)
      %dma_wait3A_102 = arith.constant 0 : i32
      %dma_wait3A_103 = tpu.memref_slice %arg2[%add3A, %dma_wait3A_102] : memref<32x1024xi32, #tpu.memory_space<hbm>> -> memref<1x1024xi32, #tpu.memory_space<hbm>>
      %dma_wait3A_104 = tpu.memref_squeeze %dma_wait3A_103 : memref<1x1024xi32, #tpu.memory_space<hbm>> -> memref<1024xi32, #tpu.memory_space<hbm>>
      %dma_wait3A_105 = arith.constant 0 : i32
      %dma_wait3A_106 = tpu.memref_slice %arg2[%add3A, %dma_wait3A_105] : memref<32x1024xi32, #tpu.memory_space<hbm>> -> memref<1x1024xi32, #tpu.memory_space<hbm>>
      %dma_wait3A_107 = tpu.memref_squeeze %dma_wait3A_106 : memref<1x1024xi32, #tpu.memory_space<hbm>> -> memref<1024xi32, #tpu.memory_space<hbm>>
      tpu.wait_dma2 semaphore(%run_scoped3A_96 : memref<!tpu.dma_semaphore, #tpu.memory_space<semaphore_mem>>) src(%dma_wait3A_107 : memref<1024xi32, #tpu.memory_space<hbm>>) dst(%arg6 : memref<1024xi32, #tpu.memory_space<vmem>>)
      tpu.yield
    }) : () -> ()
    %scan3A = arith.constant 0 : i32
    %scan3A_3 = arith.constant 0 : i32
    %scan3A_4 = arith.constant 16 : i32
    %scan3A_5 = arith.addi %scan3A_3, %scan3A_4 : i32
    %scan3A_6 = arith.constant 1 : i32
    scf.for %scan3A_96 = %scan3A_3 to %scan3A_5 step %scan3A_6  : i32 {
      %mul3A_97 = arith.constant 16 : i32
      %mul3A_98 = arith.muli %scan3A_96, %mul3A_97 : i32
      %add3A_99 = arith.constant 0 : i32
      %add3A_100 = arith.addi %add3A_99, %mul3A_98 : i32
      %get3A = arith.index_cast %add3A_100 : i32 to index
      %get3A_101 = tpu.vector_load %arg6[%get3A] {strides = array<i32>} : memref<1024xi32, #tpu.memory_space<vmem>>, vector<16xi32>,
      %get3A_102 = vector.shape_cast %get3A_101 : vector<16xi32> to vector<16xi32>
      %slice3A = vector.extract_strided_slice %get3A_102 {offsets = [0], sizes = [1], strides = [1]} : vector<16xi32> to vector<1xi32>
      %squeeze3A = vector.extract %slice3A[0] : i32 from vector<1xi32>
      %mul3A_103 = arith.constant 16 : i32
      %mul3A_104 = arith.muli %scan3A_96, %mul3A_103 : i32
      %add3A_105 = arith.constant 0 : i32
      %add3A_106 = arith.addi %mul3A_104, %add3A_105 : i32
      %dma_start3A = arith.constant 0 : i32
      %dma_start3A_107 = arith.constant 0 : i32
      %dma_start3A_108 = tpu.memref_slice %arg7[%dma_start3A, %add3A_106, %dma_start3A_107] : memref<2x256x64xf32, #tpu.memory_space<vmem>> -> memref<1x1x64xf32, #tpu.memory_space<vmem>>
      %dma_start3A_109 = tpu.memref_squeeze %dma_start3A_108 : memref<1x1x64xf32, #tpu.memory_space<vmem>> -> memref<64xf32, #tpu.memory_space<vmem>>
      %dma_start3A_110 = arith.constant 0 : i32
      %dma_start3A_111 = tpu.memref_slice %arg3[%squeeze3A, %dma_start3A_110] : memref<1000000x64xf32, #tpu.memory_space<hbm>> -> memref<1x64xf32, #tpu.memory_space<hbm>>
      %dma_start3A_112 = tpu.memref_squeeze %dma_start3A_111 : memref<1x64xf32, #tpu.memory_space<hbm>> -> memref<64xf32, #tpu.memory_space<hbm>>
      %dma_start3A_113 = arith.constant 0 : i32
      %dma_start3A_114 = tpu.memref_slice %arg7[%dma_start3A, %add3A_106, %dma_start3A_113] : memref<2x256x64xf32, #tpu.memory_space<vmem>> -> memref<1x1x64xf32, #tpu.memory_space<vmem>>
      %dma_start3A_115 = tpu.memref_squeeze %dma_start3A_114 : memref<1x1x64xf32, #tpu.memory_space<vmem>> -> memref<64xf32, #tpu.memory_space<vmem>>
      %dma_start3A_116 = arith.constant 0 : i32
      %dma_start3A_117 = tpu.memref_slice %arg3[%squeeze3A, %dma_start3A_116] : memref<1000000x64xf32, #tpu.memory_space<hbm>> -> memref<1x64xf32, #tpu.memory_space<hbm>>
      %dma_start3A_118 = tpu.memref_squeeze %dma_start3A_117 : memref<1x64xf32, #tpu.memory_space<hbm>> -> memref<64xf32, #tpu.memory_space<hbm>>
      tpu.enqueue_dma source(%dma_start3A_118 : memref<64xf32, #tpu.memory_space<hbm>>) target(%dma_start3A_115 : memref<64xf32, #tpu.memory_space<vmem>>) target_semaphore(%arg8 : memref<!tpu.dma_semaphore, #tpu.memory_space<semaphore_mem>>)
      %slice3A_119 = vector.extract_strided_slice %get3A_102 {offsets = [1], sizes = [1], strides = [1]} : vector<16xi32> to vector<1xi32>
      %squeeze3A_120 = vector.extract %slice3A_119[0] : i32 from vector<1xi32>
      %mul3A_121 = arith.constant 16 : i32
      %mul3A_122 = arith.muli %scan3A_96, %mul3A_121 : i32
      %add3A_123 = arith.constant 1 : i32
      %add3A_124 = arith.addi %mul3A_122, %add3A_123 : i32
      %dma_start3A_125 = arith.constant 0 : i32
      %dma_start3A_126 = arith.constant 0 : i32
      %dma_start3A_127 = tpu.memref_slice %arg7[%dma_start3A_125, %add3A_124, %dma_start3A_126] : memref<2x256x64xf32, #tpu.memory_space<vmem>> -> memref<1x1x64xf32, #tpu.memory_space<vmem>>
      %dma_start3A_128 = tpu.memref_squeeze %dma_start3A_127 : memref<1x1x64xf32, #tpu.memory_space<vmem>> -> memref<64xf32, #tpu.memory_space<vmem>>
      %dma_start3A_129 = arith.constant 0 : i32
      %dma_start3A_130 = tpu.memref_slice %arg3[%squeeze3A_120, %dma_start3A_129] : memref<1000000x64xf32, #tpu.memory_space<hbm>> -> memref<1x64xf32, #tpu.memory_space<hbm>>
      %dma_start3A_131 = tpu.memref_squeeze %dma_start3A_130 : memref<1x64xf32, #tpu.memory_space<hbm>> -> memref<64xf32, #tpu.memory_space<hbm>>
      %dma_start3A_132 = arith.constant 0 : i32
      %dma_start3A_133 = tpu.memref_slice %arg7[%dma_start3A_125, %add3A_124, %dma_start3A_132] : memref<2x256x64xf32, #tpu.memory_space<vmem>> -> memref<1x1x64xf32, #tpu.memory_space<vmem>>
      %dma_start3A_134 = tpu.memref_squeeze %dma_start3A_133 : memref<1x1x64xf32, #tpu.memory_space<vmem>> -> memref<64xf32, #tpu.memory_space<vmem>>
      %dma_start3A_135 = arith.constant 0 : i32
      %dma_start3A_136 = tpu.memref_slice %arg3[%squeeze3A_120, %dma_start3A_135] : memref<1000000x64xf32, #tpu.memory_space<hbm>> -> memref<1x64xf32, #tpu.memory_space<hbm>>
      %dma_start3A_137 = tpu.memref_squeeze %dma_start3A_136 : memref<1x64xf32, #tpu.memory_space<hbm>> -> memref<64xf32, #tpu.memory_space<hbm>>
      tpu.enqueue_dma source(%dma_start3A_137 : memref<64xf32, #tpu.memory_space<hbm>>) target(%dma_start3A_134 : memref<64xf32, #tpu.memory_space<vmem>>) target_semaphore(%arg8 : memref<!tpu.dma_semaphore, #tpu.memory_space<semaphore_mem>>)
      %slice3A_138 = vector.extract_strided_slice %get3A_102 {offsets = [2], sizes = [1], strides = [1]} : vector<16xi32> to vector<1xi32>
      %squeeze3A_139 = vector.extract %slice3A_138[0] : i32 from vector<1xi32>
      %mul3A_140 = arith.constant 16 : i32
      %mul3A_141 = arith.muli %scan3A_96, %mul3A_140 : i32
      %add3A_142 = arith.constant 2 : i32
      %add3A_143 = arith.addi %mul3A_141, %add3A_142 : i32
      %dma_start3A_144 = arith.constant 0 : i32
      %dma_start3A_145 = arith.constant 0 : i32
      %dma_start3A_146 = tpu.memref_slice %arg7[%dma_start3A_144, %add3A_143, %dma_start3A_145] : memref<2x256x64xf32, #tpu.memory_space<vmem>> -> memref<1x1x64xf32, #tpu.memory_space<vmem>>
      %dma_start3A_147 = tpu.memref_squeeze %dma_start3A_146 : memref<1x1x64xf32, #tpu.memory_space<vmem>> -> memref<64xf32, #tpu.memory_space<vmem>>
      %dma_start3A_148 = arith.constant 0 : i32
      %dma_start3A_149 = tpu.memref_slice %arg3[%squeeze3A_139, %dma_start3A_148] : memref<1000000x64xf32, #tpu.memory_space<hbm>> -> memref<1x64xf32, #tpu.memory_space<hbm>>
      %dma_start3A_150 = tpu.memref_squeeze %dma_start3A_149 : memref<1x64xf32, #tpu.memory_space<hbm>> -> memref<64xf32, #tpu.memory_space<hbm>>
      %dma_start3A_151 = arith.constant 0 : i32
      %dma_start3A_152 = tpu.memref_slice %arg7[%dma_start3A_144, %add3A_143, %dma_start3A_151] : memref<2x256x64xf32, #tpu.memory_space<vmem>> -> memref<1x1x64xf32, #tpu.memory_space<vmem>>
      %dma_start3A_153 = tpu.memref_squeeze %dma_start3A_152 : memref<1x1x64xf32, #tpu.memory_space<vmem>> -> memref<64xf32, #tpu.memory_space<vmem>>
      %dma_start3A_154 = arith.constant 0 : i32
      %dma_start3A_155 = tpu.memref_slice %arg3[%squeeze3A_139, %dma_start3A_154] : memref<1000000x64xf32, #tpu.memory_space<hbm>> -> memref<1x64xf32, #tpu.memory_space<hbm>>
      %dma_start3A_156 = tpu.memref_squeeze %dma_start3A_155 : memref<1x64xf32, #tpu.memory_space<hbm>> -> memref<64xf32, #tpu.memory_space<hbm>>
      tpu.enqueue_dma source(%dma_start3A_156 : memref<64xf32, #tpu.memory_space<hbm>>) target(%dma_start3A_153 : memref<64xf32, #tpu.memory_space<vmem>>) target_semaphore(%arg8 : memref<!tpu.dma_semaphore, #tpu.memory_space<semaphore_mem>>)
      %slice3A_157 = vector.extract_strided_slice %get3A_102 {offsets = [3], sizes = [1], strides = [1]} : vector<16xi32> to vector<1xi32>
      %squeeze3A_158 = vector.extract %slice3A_157[0] : i32 from vector<1xi32>
      %mul3A_159 = arith.constant 16 : i32
      %mul3A_160 = arith.muli %scan3A_96, %mul3A_159 : i32
      %add3A_161 = arith.constant 3 : i32
      %add3A_162 = arith.addi %mul3A_160, %add3A_161 : i32
      %dma_start3A_163 = arith.constant 0 : i32
      %dma_start3A_164 = arith.constant 0 : i32
      %dma_start3A_165 = tpu.memref_slice %arg7[%dma_start3A_163, %add3A_162, %dma_start3A_164] : memref<2x256x64xf32, #tpu.memory_space<vmem>> -> memref<1x1x64xf32, #tpu.memory_space<vmem>>
      %dma_start3A_166 = tpu.memref_squeeze %dma_start3A_165 : memref<1x1x64xf32, #tpu.memory_space<vmem>> -> memref<64xf32, #tpu.memory_space<vmem>>
      %dma_start3A_167 = arith.constant 0 : i32
      %dma_start3A_168 = tpu.memref_slice %arg3[%squeeze3A_158, %dma_start3A_167] : memref<1000000x64xf32, #tpu.memory_space<hbm>> -> memref<1x64xf32, #tpu.memory_space<hbm>>
      %dma_start3A_169 = tpu.memref_squeeze %dma_start3A_168 : memref<1x64xf32, #tpu.memory_space<hbm>> -> memref<64xf32, #tpu.memory_space<hbm>>
      %dma_start3A_170 = arith.constant 0 : i32
      %dma_start3A_171 = tpu.memref_slice %arg7[%dma_start3A_163, %add3A_162, %dma_start3A_170] : memref<2x256x64xf32, #tpu.memory_space<vmem>> -> memref<1x1x64xf32, #tpu.memory_space<vmem>>
      %dma_start3A_172 = tpu.memref_squeeze %dma_start3A_171 : memref<1x1x64xf32, #tpu.memory_space<vmem>> -> memref<64xf32, #tpu.memory_space<vmem>>
      %dma_start3A_173 = arith.constant 0 : i32
      %dma_start3A_174 = tpu.memref_slice %arg3[%squeeze3A_158, %dma_start3A_173] : memref<1000000x64xf32, #tpu.memory_space<hbm>> -> memref<1x64xf32, #tpu.memory_space<hbm>>
      %dma_start3A_175 = tpu.memref_squeeze %dma_start3A_174 : memref<1x64xf32, #tpu.memory_space<hbm>> -> memref<64xf32, #tpu.memory_space<hbm>>
      tpu.enqueue_dma source(%dma_start3A_175 : memref<64xf32, #tpu.memory_space<hbm>>) target(%dma_start3A_172 : memref<64xf32, #tpu.memory_space<vmem>>) target_semaphore(%arg8 : memref<!tpu.dma_semaphore, #tpu.memory_space<semaphore_mem>>)
      %slice3A_176 = vector.extract_strided_slice %get3A_102 {offsets = [4], sizes = [1], strides = [1]} : vector<16xi32> to vector<1xi32>
      %squeeze3A_177 = vector.extract %slice3A_176[0] : i32 from vector<1xi32>
      %mul3A_178 = arith.constant 16 : i32
      %mul3A_179 = arith.muli %scan3A_96, %mul3A_178 : i32
      %add3A_180 = arith.constant 4 : i32
      %add3A_181 = arith.addi %mul3A_179, %add3A_180 : i32
      %dma_start3A_182 = arith.constant 0 : i32
      %dma_start3A_183 = arith.constant 0 : i32
      %dma_start3A_184 = tpu.memref_slice %arg7[%dma_start3A_182, %add3A_181, %dma_start3A_183] : memref<2x256x64xf32, #tpu.memory_space<vmem>> -> memref<1x1x64xf32, #tpu.memory_space<vmem>>
      %dma_start3A_185 = tpu.memref_squeeze %dma_start3A_184 : memref<1x1x64xf32, #tpu.memory_space<vmem>> -> memref<64xf32, #tpu.memory_space<vmem>>
      %dma_start3A_186 = arith.constant 0 : i32
      %dma_start3A_187 = tpu.memref_slice %arg3[%squeeze3A_177, %dma_start3A_186] : memref<1000000x64xf32, #tpu.memory_space<hbm>> -> memref<1x64xf32, #tpu.memory_space<hbm>>
      %dma_start3A_188 = tpu.memref_squeeze %dma_start3A_187 : memref<1x64xf32, #tpu.memory_space<hbm>> -> memref<64xf32, #tpu.memory_space<hbm>>
      %dma_start3A_189 = arith.constant 0 : i32
      %dma_start3A_190 = tpu.memref_slice %arg7[%dma_start3A_182, %add3A_181, %dma_start3A_189] : memref<2x256x64xf32, #tpu.memory_space<vmem>> -> memref<1x1x64xf32, #tpu.memory_space<vmem>>
      %dma_start3A_191 = tpu.memref_squeeze %dma_start3A_190 : memref<1x1x64xf32, #tpu.memory_space<vmem>> -> memref<64xf32, #tpu.memory_space<vmem>>
      %dma_start3A_192 = arith.constant 0 : i32
      %dma_start3A_193 = tpu.memref_slice %arg3[%squeeze3A_177, %dma_start3A_192] : memref<1000000x64xf32, #tpu.memory_space<hbm>> -> memref<1x64xf32, #tpu.memory_space<hbm>>
      %dma_start3A_194 = tpu.memref_squeeze %dma_start3A_193 : memref<1x64xf32, #tpu.memory_space<hbm>> -> memref<64xf32, #tpu.memory_space<hbm>>
      tpu.enqueue_dma source(%dma_start3A_194 : memref<64xf32, #tpu.memory_space<hbm>>) target(%dma_start3A_191 : memref<64xf32, #tpu.memory_space<vmem>>) target_semaphore(%arg8 : memref<!tpu.dma_semaphore, #tpu.memory_space<semaphore_mem>>)
      %slice3A_195 = vector.extract_strided_slice %get3A_102 {offsets = [5], sizes = [1], strides = [1]} : vector<16xi32> to vector<1xi32>
      %squeeze3A_196 = vector.extract %slice3A_195[0] : i32 from vector<1xi32>
      %mul3A_197 = arith.constant 16 : i32
      %mul3A_198 = arith.muli %scan3A_96, %mul3A_197 : i32
      %add3A_199 = arith.constant 5 : i32
      %add3A_200 = arith.addi %mul3A_198, %add3A_199 : i32
      %dma_start3A_201 = arith.constant 0 : i32
      %dma_start3A_202 = arith.constant 0 : i32
      %dma_start3A_203 = tpu.memref_slice %arg7[%dma_start3A_201, %add3A_200, %dma_start3A_202] : memref<2x256x64xf32, #tpu.memory_space<vmem>> -> memref<1x1x64xf32, #tpu.memory_space<vmem>>
      %dma_start3A_204 = tpu.memref_squeeze %dma_start3A_203 : memref<1x1x64xf32, #tpu.memory_space<vmem>> -> memref<64xf32, #tpu.memory_space<vmem>>
      %dma_start3A_205 = arith.constant 0 : i32
      %dma_start3A_206 = tpu.memref_slice %arg3[%squeeze3A_196, %dma_start3A_205] : memref<1000000x64xf32, #tpu.memory_space<hbm>> -> memref<1x64xf32, #tpu.memory_space<hbm>>
      %dma_start3A_207 = tpu.memref_squeeze %dma_start3A_206 : memref<1x64xf32, #tpu.memory_space<hbm>> -> memref<64xf32, #tpu.memory_space<hbm>>
      %dma_start3A_208 = arith.constant 0 : i32
      %dma_start3A_209 = tpu.memref_slice %arg7[%dma_start3A_201, %add3A_200, %dma_start3A_208] : memref<2x256x64xf32, #tpu.memory_space<vmem>> -> memref<1x1x64xf32, #tpu.memory_space<vmem>>
      %dma_start3A_210 = tpu.memref_squeeze %dma_start3A_209 : memref<1x1x64xf32, #tpu.memory_space<vmem>> -> memref<64xf32, #tpu.memory_space<vmem>>
      %dma_start3A_211 = arith.constant 0 : i32
      %dma_start3A_212 = tpu.memref_slice %arg3[%squeeze3A_196, %dma_start3A_211] : memref<1000000x64xf32, #tpu.memory_space<hbm>> -> memref<1x64xf32, #tpu.memory_space<hbm>>
      %dma_start3A_213 = tpu.memref_squeeze %dma_start3A_212 : memref<1x64xf32, #tpu.memory_space<hbm>> -> memref<64xf32, #tpu.memory_space<hbm>>
      tpu.enqueue_dma source(%dma_start3A_213 : memref<64xf32, #tpu.memory_space<hbm>>) target(%dma_start3A_210 : memref<64xf32, #tpu.memory_space<vmem>>) target_semaphore(%arg8 : memref<!tpu.dma_semaphore, #tpu.memory_space<semaphore_mem>>)
      %slice3A_214 = vector.extract_strided_slice %get3A_102 {offsets = [6], sizes = [1], strides = [1]} : vector<16xi32> to vector<1xi32>
      %squeeze3A_215 = vector.extract %slice3A_214[0] : i32 from vector<1xi32>
      %mul3A_216 = arith.constant 16 : i32
      %mul3A_217 = arith.muli %scan3A_96, %mul3A_216 : i32
      %add3A_218 = arith.constant 6 : i32
      %add3A_219 = arith.addi %mul3A_217, %add3A_218 : i32
      %dma_start3A_220 = arith.constant 0 : i32
      %dma_start3A_221 = arith.constant 0 : i32
      %dma_start3A_222 = tpu.memref_slice %arg7[%dma_start3A_220, %add3A_219, %dma_start3A_221] : memref<2x256x64xf32, #tpu.memory_space<vmem>> -> memref<1x1x64xf32, #tpu.memory_space<vmem>>
      %dma_start3A_223 = tpu.memref_squeeze %dma_start3A_222 : memref<1x1x64xf32, #tpu.memory_space<vmem>> -> memref<64xf32, #tpu.memory_space<vmem>>
      %dma_start3A_224 = arith.constant 0 : i32
      %dma_start3A_225 = tpu.memref_slice %arg3[%squeeze3A_215, %dma_start3A_224] : memref<1000000x64xf32, #tpu.memory_space<hbm>> -> memref<1x64xf32, #tpu.memory_space<hbm>>
      %dma_start3A_226 = tpu.memref_squeeze %dma_start3A_225 : memref<1x64xf32, #tpu.memory_space<hbm>> -> memref<64xf32, #tpu.memory_space<hbm>>
      %dma_start3A_227 = arith.constant 0 : i32
      %dma_start3A_228 = tpu.memref_slice %arg7[%dma_start3A_220, %add3A_219, %dma_start3A_227] : memref<2x256x64xf32, #tpu.memory_space<vmem>> -> memref<1x1x64xf32, #tpu.memory_space<vmem>>
      %dma_start3A_229 = tpu.memref_squeeze %dma_start3A_228 : memref<1x1x64xf32, #tpu.memory_space<vmem>> -> memref<64xf32, #tpu.memory_space<vmem>>
      %dma_start3A_230 = arith.constant 0 : i32
      %dma_start3A_231 = tpu.memref_slice %arg3[%squeeze3A_215, %dma_start3A_230] : memref<1000000x64xf32, #tpu.memory_space<hbm>> -> memref<1x64xf32, #tpu.memory_space<hbm>>
      %dma_start3A_232 = tpu.memref_squeeze %dma_start3A_231 : memref<1x64xf32, #tpu.memory_space<hbm>> -> memref<64xf32, #tpu.memory_space<hbm>>
      tpu.enqueue_dma source(%dma_start3A_232 : memref<64xf32, #tpu.memory_space<hbm>>) target(%dma_start3A_229 : memref<64xf32, #tpu.memory_space<vmem>>) target_semaphore(%arg8 : memref<!tpu.dma_semaphore, #tpu.memory_space<semaphore_mem>>)
      %slice3A_233 = vector.extract_strided_slice %get3A_102 {offsets = [7], sizes = [1], strides = [1]} : vector<16xi32> to vector<1xi32>
      %squeeze3A_234 = vector.extract %slice3A_233[0] : i32 from vector<1xi32>
      %mul3A_235 = arith.constant 16 : i32
      %mul3A_236 = arith.muli %scan3A_96, %mul3A_235 : i32
      %add3A_237 = arith.constant 7 : i32
      %add3A_238 = arith.addi %mul3A_236, %add3A_237 : i32
      %dma_start3A_239 = arith.constant 0 : i32
      %dma_start3A_240 = arith.constant 0 : i32
      %dma_start3A_241 = tpu.memref_slice %arg7[%dma_start3A_239, %add3A_238, %dma_start3A_240] : memref<2x256x64xf32, #tpu.memory_space<vmem>> -> memref<1x1x64xf32, #tpu.memory_space<vmem>>
      %dma_start3A_242 = tpu.memref_squeeze %dma_start3A_241 : memref<1x1x64xf32, #tpu.memory_space<vmem>> -> memref<64xf32, #tpu.memory_space<vmem>>
      %dma_start3A_243 = arith.constant 0 : i32
      %dma_start3A_244 = tpu.memref_slice %arg3[%squeeze3A_234, %dma_start3A_243] : memref<1000000x64xf32, #tpu.memory_space<hbm>> -> memref<1x64xf32, #tpu.memory_space<hbm>>
      %dma_start3A_245 = tpu.memref_squeeze %dma_start3A_244 : memref<1x64xf32, #tpu.memory_space<hbm>> -> memref<64xf32, #tpu.memory_space<hbm>>
      %dma_start3A_246 = arith.constant 0 : i32
      %dma_start3A_247 = tpu.memref_slice %arg7[%dma_start3A_239, %add3A_238, %dma_start3A_246] : memref<2x256x64xf32, #tpu.memory_space<vmem>> -> memref<1x1x64xf32, #tpu.memory_space<vmem>>
      %dma_start3A_248 = tpu.memref_squeeze %dma_start3A_247 : memref<1x1x64xf32, #tpu.memory_space<vmem>> -> memref<64xf32, #tpu.memory_space<vmem>>
      %dma_start3A_249 = arith.constant 0 : i32
      %dma_start3A_250 = tpu.memref_slice %arg3[%squeeze3A_234, %dma_start3A_249] : memref<1000000x64xf32, #tpu.memory_space<hbm>> -> memref<1x64xf32, #tpu.memory_space<hbm>>
      %dma_start3A_251 = tpu.memref_squeeze %dma_start3A_250 : memref<1x64xf32, #tpu.memory_space<hbm>> -> memref<64xf32, #tpu.memory_space<hbm>>
      tpu.enqueue_dma source(%dma_start3A_251 : memref<64xf32, #tpu.memory_space<hbm>>) target(%dma_start3A_248 : memref<64xf32, #tpu.memory_space<vmem>>) target_semaphore(%arg8 : memref<!tpu.dma_semaphore, #tpu.memory_space<semaphore_mem>>)
      %slice3A_252 = vector.extract_strided_slice %get3A_102 {offsets = [8], sizes = [1], strides = [1]} : vector<16xi32> to vector<1xi32>
      %squeeze3A_253 = vector.extract %slice3A_252[0] : i32 from vector<1xi32>
      %mul3A_254 = arith.constant 16 : i32
      %mul3A_255 = arith.muli %scan3A_96, %mul3A_254 : i32
      %add3A_256 = arith.constant 8 : i32
      %add3A_257 = arith.addi %mul3A_255, %add3A_256 : i32
      %dma_start3A_258 = arith.constant 0 : i32
      %dma_start3A_259 = arith.constant 0 : i32
      %dma_start3A_260 = tpu.memref_slice %arg7[%dma_start3A_258, %add3A_257, %dma_start3A_259] : memref<2x256x64xf32, #tpu.memory_space<vmem>> -> memref<1x1x64xf32, #tpu.memory_space<vmem>>
      %dma_start3A_261 = tpu.memref_squeeze %dma_start3A_260 : memref<1x1x64xf32, #tpu.memory_space<vmem>> -> memref<64xf32, #tpu.memory_space<vmem>>
      %dma_start3A_262 = arith.constant 0 : i32
      %dma_start3A_263 = tpu.memref_slice %arg3[%squeeze3A_253, %dma_start3A_262] : memref<1000000x64xf32, #tpu.memory_space<hbm>> -> memref<1x64xf32, #tpu.memory_space<hbm>>
      %dma_start3A_264 = tpu.memref_squeeze %dma_start3A_263 : memref<1x64xf32, #tpu.memory_space<hbm>> -> memref<64xf32, #tpu.memory_space<hbm>>
      %dma_start3A_265 = arith.constant 0 : i32
      %dma_start3A_266 = tpu.memref_slice %arg7[%dma_start3A_258, %add3A_257, %dma_start3A_265] : memref<2x256x64xf32, #tpu.memory_space<vmem>> -> memref<1x1x64xf32, #tpu.memory_space<vmem>>
      %dma_start3A_267 = tpu.memref_squeeze %dma_start3A_266 : memref<1x1x64xf32, #tpu.memory_space<vmem>> -> memref<64xf32, #tpu.memory_space<vmem>>
      %dma_start3A_268 = arith.constant 0 : i32
      %dma_start3A_269 = tpu.memref_slice %arg3[%squeeze3A_253, %dma_start3A_268] : memref<1000000x64xf32, #tpu.memory_space<hbm>> -> memref<1x64xf32, #tpu.memory_space<hbm>>
      %dma_start3A_270 = tpu.memref_squeeze %dma_start3A_269 : memref<1x64xf32, #tpu.memory_space<hbm>> -> memref<64xf32, #tpu.memory_space<hbm>>
      tpu.enqueue_dma source(%dma_start3A_270 : memref<64xf32, #tpu.memory_space<hbm>>) target(%dma_start3A_267 : memref<64xf32, #tpu.memory_space<vmem>>) target_semaphore(%arg8 : memref<!tpu.dma_semaphore, #tpu.memory_space<semaphore_mem>>)
      %slice3A_271 = vector.extract_strided_slice %get3A_102 {offsets = [9], sizes = [1], strides = [1]} : vector<16xi32> to vector<1xi32>
      %squeeze3A_272 = vector.extract %slice3A_271[0] : i32 from vector<1xi32>
      %mul3A_273 = arith.constant 16 : i32
      %mul3A_274 = arith.muli %scan3A_96, %mul3A_273 : i32
      %add3A_275 = arith.constant 9 : i32
      %add3A_276 = arith.addi %mul3A_274, %add3A_275 : i32
      %dma_start3A_277 = arith.constant 0 : i32
      %dma_start3A_278 = arith.constant 0 : i32
      %dma_start3A_279 = tpu.memref_slice %arg7[%dma_start3A_277, %add3A_276, %dma_start3A_278] : memref<2x256x64xf32, #tpu.memory_space<vmem>> -> memref<1x1x64xf32, #tpu.memory_space<vmem>>
      %dma_start3A_280 = tpu.memref_squeeze %dma_start3A_279 : memref<1x1x64xf32, #tpu.memory_space<vmem>> -> memref<64xf32, #tpu.memory_space<vmem>>
      %dma_start3A_281 = arith.constant 0 : i32
      %dma_start3A_282 = tpu.memref_slice %arg3[%squeeze3A_272, %dma_start3A_281] : memref<1000000x64xf32, #tpu.memory_space<hbm>> -> memref<1x64xf32, #tpu.memory_space<hbm>>
      %dma_start3A_283 = tpu.memref_squeeze %dma_start3A_282 : memref<1x64xf32, #tpu.memory_space<hbm>> -> memref<64xf32, #tpu.memory_space<hbm>>
      %dma_start3A_284 = arith.constant 0 : i32
      %dma_start3A_285 = tpu.memref_slice %arg7[%dma_start3A_277, %add3A_276, %dma_start3A_284] : memref<2x256x64xf32, #tpu.memory_space<vmem>> -> memref<1x1x64xf32, #tpu.memory_space<vmem>>
      %dma_start3A_286 = tpu.memref_squeeze %dma_start3A_285 : memref<1x1x64xf32, #tpu.memory_space<vmem>> -> memref<64xf32, #tpu.memory_space<vmem>>
      %dma_start3A_287 = arith.constant 0 : i32
      %dma_start3A_288 = tpu.memref_slice %arg3[%squeeze3A_272, %dma_start3A_287] : memref<1000000x64xf32, #tpu.memory_space<hbm>> -> memref<1x64xf32, #tpu.memory_space<hbm>>
      %dma_start3A_289 = tpu.memref_squeeze %dma_start3A_288 : memref<1x64xf32, #tpu.memory_space<hbm>> -> memref<64xf32, #tpu.memory_space<hbm>>
      tpu.enqueue_dma source(%dma_start3A_289 : memref<64xf32, #tpu.memory_space<hbm>>) target(%dma_start3A_286 : memref<64xf32, #tpu.memory_space<vmem>>) target_semaphore(%arg8 : memref<!tpu.dma_semaphore, #tpu.memory_space<semaphore_mem>>)
      %slice3A_290 = vector.extract_strided_slice %get3A_102 {offsets = [10], sizes = [1], strides = [1]} : vector<16xi32> to vector<1xi32>
      %squeeze3A_291 = vector.extract %slice3A_290[0] : i32 from vector<1xi32>
      %mul3A_292 = arith.constant 16 : i32
      %mul3A_293 = arith.muli %scan3A_96, %mul3A_292 : i32
      %add3A_294 = arith.constant 10 : i32
      %add3A_295 = arith.addi %mul3A_293, %add3A_294 : i32
      %dma_start3A_296 = arith.constant 0 : i32
      %dma_start3A_297 = arith.constant 0 : i32
      %dma_start3A_298 = tpu.memref_slice %arg7[%dma_start3A_296, %add3A_295, %dma_start3A_297] : memref<2x256x64xf32, #tpu.memory_space<vmem>> -> memref<1x1x64xf32, #tpu.memory_space<vmem>>
      %dma_start3A_299 = tpu.memref_squeeze %dma_start3A_298 : memref<1x1x64xf32, #tpu.memory_space<vmem>> -> memref<64xf32, #tpu.memory_space<vmem>>
      %dma_start3A_300 = arith.constant 0 : i32
      %dma_start3A_301 = tpu.memref_slice %arg3[%squeeze3A_291, %dma_start3A_300] : memref<1000000x64xf32, #tpu.memory_space<hbm>> -> memref<1x64xf32, #tpu.memory_space<hbm>>
      %dma_start3A_302 = tpu.memref_squeeze %dma_start3A_301 : memref<1x64xf32, #tpu.memory_space<hbm>> -> memref<64xf32, #tpu.memory_space<hbm>>
      %dma_start3A_303 = arith.constant 0 : i32
      %dma_start3A_304 = tpu.memref_slice %arg7[%dma_start3A_296, %add3A_295, %dma_start3A_303] : memref<2x256x64xf32, #tpu.memory_space<vmem>> -> memref<1x1x64xf32, #tpu.memory_space<vmem>>
      %dma_start3A_305 = tpu.memref_squeeze %dma_start3A_304 : memref<1x1x64xf32, #tpu.memory_space<vmem>> -> memref<64xf32, #tpu.memory_space<vmem>>
      %dma_start3A_306 = arith.constant 0 : i32
      %dma_start3A_307 = tpu.memref_slice %arg3[%squeeze3A_291, %dma_start3A_306] : memref<1000000x64xf32, #tpu.memory_space<hbm>> -> memref<1x64xf32, #tpu.memory_space<hbm>>
      %dma_start3A_308 = tpu.memref_squeeze %dma_start3A_307 : memref<1x64xf32, #tpu.memory_space<hbm>> -> memref<64xf32, #tpu.memory_space<hbm>>
      tpu.enqueue_dma source(%dma_start3A_308 : memref<64xf32, #tpu.memory_space<hbm>>) target(%dma_start3A_305 : memref<64xf32, #tpu.memory_space<vmem>>) target_semaphore(%arg8 : memref<!tpu.dma_semaphore, #tpu.memory_space<semaphore_mem>>)
      %slice3A_309 = vector.extract_strided_slice %get3A_102 {offsets = [11], sizes = [1], strides = [1]} : vector<16xi32> to vector<1xi32>
      %squeeze3A_310 = vector.extract %slice3A_309[0] : i32 from vector<1xi32>
      %mul3A_311 = arith.constant 16 : i32
      %mul3A_312 = arith.muli %scan3A_96, %mul3A_311 : i32
      %add3A_313 = arith.constant 11 : i32
      %add3A_314 = arith.addi %mul3A_312, %add3A_313 : i32
      %dma_start3A_315 = arith.constant 0 : i32
      %dma_start3A_316 = arith.constant 0 : i32
      %dma_start3A_317 = tpu.memref_slice %arg7[%dma_start3A_315, %add3A_314, %dma_start3A_316] : memref<2x256x64xf32, #tpu.memory_space<vmem>> -> memref<1x1x64xf32, #tpu.memory_space<vmem>>
      %dma_start3A_318 = tpu.memref_squeeze %dma_start3A_317 : memref<1x1x64xf32, #tpu.memory_space<vmem>> -> memref<64xf32, #tpu.memory_space<vmem>>
      %dma_start3A_319 = arith.constant 0 : i32
      %dma_start3A_320 = tpu.memref_slice %arg3[%squeeze3A_310, %dma_start3A_319] : memref<1000000x64xf32, #tpu.memory_space<hbm>> -> memref<1x64xf32, #tpu.memory_space<hbm>>
      %dma_start3A_321 = tpu.memref_squeeze %dma_start3A_320 : memref<1x64xf32, #tpu.memory_space<hbm>> -> memref<64xf32, #tpu.memory_space<hbm>>
      %dma_start3A_322 = arith.constant 0 : i32
      %dma_start3A_323 = tpu.memref_slice %arg7[%dma_start3A_315, %add3A_314, %dma_start3A_322] : memref<2x256x64xf32, #tpu.memory_space<vmem>> -> memref<1x1x64xf32, #tpu.memory_space<vmem>>
      %dma_start3A_324 = tpu.memref_squeeze %dma_start3A_323 : memref<1x1x64xf32, #tpu.memory_space<vmem>> -> memref<64xf32, #tpu.memory_space<vmem>>
      %dma_start3A_325 = arith.constant 0 : i32
      %dma_start3A_326 = tpu.memref_slice %arg3[%squeeze3A_310, %dma_start3A_325] : memref<1000000x64xf32, #tpu.memory_space<hbm>> -> memref<1x64xf32, #tpu.memory_space<hbm>>
      %dma_start3A_327 = tpu.memref_squeeze %dma_start3A_326 : memref<1x64xf32, #tpu.memory_space<hbm>> -> memref<64xf32, #tpu.memory_space<hbm>>
      tpu.enqueue_dma source(%dma_start3A_327 : memref<64xf32, #tpu.memory_space<hbm>>) target(%dma_start3A_324 : memref<64xf32, #tpu.memory_space<vmem>>) target_semaphore(%arg8 : memref<!tpu.dma_semaphore, #tpu.memory_space<semaphore_mem>>)
      %slice3A_328 = vector.extract_strided_slice %get3A_102 {offsets = [12], sizes = [1], strides = [1]} : vector<16xi32> to vector<1xi32>
      %squeeze3A_329 = vector.extract %slice3A_328[0] : i32 from vector<1xi32>
      %mul3A_330 = arith.constant 16 : i32
      %mul3A_331 = arith.muli %scan3A_96, %mul3A_330 : i32
      %add3A_332 = arith.constant 12 : i32
      %add3A_333 = arith.addi %mul3A_331, %add3A_332 : i32
      %dma_start3A_334 = arith.constant 0 : i32
      %dma_start3A_335 = arith.constant 0 : i32
      %dma_start3A_336 = tpu.memref_slice %arg7[%dma_start3A_334, %add3A_333, %dma_start3A_335] : memref<2x256x64xf32, #tpu.memory_space<vmem>> -> memref<1x1x64xf32, #tpu.memory_space<vmem>>
      %dma_start3A_337 = tpu.memref_squeeze %dma_start3A_336 : memref<1x1x64xf32, #tpu.memory_space<vmem>> -> memref<64xf32, #tpu.memory_space<vmem>>
      %dma_start3A_338 = arith.constant 0 : i32
      %dma_start3A_339 = tpu.memref_slice %arg3[%squeeze3A_329, %dma_start3A_338] : memref<1000000x64xf32, #tpu.memory_space<hbm>> -> memref<1x64xf32, #tpu.memory_space<hbm>>
      %dma_start3A_340 = tpu.memref_squeeze %dma_start3A_339 : memref<1x64xf32, #tpu.memory_space<hbm>> -> memref<64xf32, #tpu.memory_space<hbm>>
      %dma_start3A_341 = arith.constant 0 : i32
      %dma_start3A_342 = tpu.memref_slice %arg7[%dma_start3A_334, %add3A_333, %dma_start3A_341] : memref<2x256x64xf32, #tpu.memory_space<vmem>> -> memref<1x1x64xf32, #tpu.memory_space<vmem>>
      %dma_start3A_343 = tpu.memref_squeeze %dma_start3A_342 : memref<1x1x64xf32, #tpu.memory_space<vmem>> -> memref<64xf32, #tpu.memory_space<vmem>>
      %dma_start3A_344 = arith.constant 0 : i32
      %dma_start3A_345 = tpu.memref_slice %arg3[%squeeze3A_329, %dma_start3A_344] : memref<1000000x64xf32, #tpu.memory_space<hbm>> -> memref<1x64xf32, #tpu.memory_space<hbm>>
      %dma_start3A_346 = tpu.memref_squeeze %dma_start3A_345 : memref<1x64xf32, #tpu.memory_space<hbm>> -> memref<64xf32, #tpu.memory_space<hbm>>
      tpu.enqueue_dma source(%dma_start3A_346 : memref<64xf32, #tpu.memory_space<hbm>>) target(%dma_start3A_343 : memref<64xf32, #tpu.memory_space<vmem>>) target_semaphore(%arg8 : memref<!tpu.dma_semaphore, #tpu.memory_space<semaphore_mem>>)
      %slice3A_347 = vector.extract_strided_slice %get3A_102 {offsets = [13], sizes = [1], strides = [1]} : vector<16xi32> to vector<1xi32>
      %squeeze3A_348 = vector.extract %slice3A_347[0] : i32 from vector<1xi32>
      %mul3A_349 = arith.constant 16 : i32
      %mul3A_350 = arith.muli %scan3A_96, %mul3A_349 : i32
      %add3A_351 = arith.constant 13 : i32
      %add3A_352 = arith.addi %mul3A_350, %add3A_351 : i32
      %dma_start3A_353 = arith.constant 0 : i32
      %dma_start3A_354 = arith.constant 0 : i32
      %dma_start3A_355 = tpu.memref_slice %arg7[%dma_start3A_353, %add3A_352, %dma_start3A_354] : memref<2x256x64xf32, #tpu.memory_space<vmem>> -> memref<1x1x64xf32, #tpu.memory_space<vmem>>
      %dma_start3A_356 = tpu.memref_squeeze %dma_start3A_355 : memref<1x1x64xf32, #tpu.memory_space<vmem>> -> memref<64xf32, #tpu.memory_space<vmem>>
      %dma_start3A_357 = arith.constant 0 : i32
      %dma_start3A_358 = tpu.memref_slice %arg3[%squeeze3A_348, %dma_start3A_357] : memref<1000000x64xf32, #tpu.memory_space<hbm>> -> memref<1x64xf32, #tpu.memory_space<hbm>>
      %dma_start3A_359 = tpu.memref_squeeze %dma_start3A_358 : memref<1x64xf32, #tpu.memory_space<hbm>> -> memref<64xf32, #tpu.memory_space<hbm>>
      %dma_start3A_360 = arith.constant 0 : i32
      %dma_start3A_361 = tpu.memref_slice %arg7[%dma_start3A_353, %add3A_352, %dma_start3A_360] : memref<2x256x64xf32, #tpu.memory_space<vmem>> -> memref<1x1x64xf32, #tpu.memory_space<vmem>>
      %dma_start3A_362 = tpu.memref_squeeze %dma_start3A_361 : memref<1x1x64xf32, #tpu.memory_space<vmem>> -> memref<64xf32, #tpu.memory_space<vmem>>
      %dma_start3A_363 = arith.constant 0 : i32
      %dma_start3A_364 = tpu.memref_slice %arg3[%squeeze3A_348, %dma_start3A_363] : memref<1000000x64xf32, #tpu.memory_space<hbm>> -> memref<1x64xf32, #tpu.memory_space<hbm>>
      %dma_start3A_365 = tpu.memref_squeeze %dma_start3A_364 : memref<1x64xf32, #tpu.memory_space<hbm>> -> memref<64xf32, #tpu.memory_space<hbm>>
      tpu.enqueue_dma source(%dma_start3A_365 : memref<64xf32, #tpu.memory_space<hbm>>) target(%dma_start3A_362 : memref<64xf32, #tpu.memory_space<vmem>>) target_semaphore(%arg8 : memref<!tpu.dma_semaphore, #tpu.memory_space<semaphore_mem>>)
      %slice3A_366 = vector.extract_strided_slice %get3A_102 {offsets = [14], sizes = [1], strides = [1]} : vector<16xi32> to vector<1xi32>
      %squeeze3A_367 = vector.extract %slice3A_366[0] : i32 from vector<1xi32>
      %mul3A_368 = arith.constant 16 : i32
      %mul3A_369 = arith.muli %scan3A_96, %mul3A_368 : i32
      %add3A_370 = arith.constant 14 : i32
      %add3A_371 = arith.addi %mul3A_369, %add3A_370 : i32
      %dma_start3A_372 = arith.constant 0 : i32
      %dma_start3A_373 = arith.constant 0 : i32
      %dma_start3A_374 = tpu.memref_slice %arg7[%dma_start3A_372, %add3A_371, %dma_start3A_373] : memref<2x256x64xf32, #tpu.memory_space<vmem>> -> memref<1x1x64xf32, #tpu.memory_space<vmem>>
      %dma_start3A_375 = tpu.memref_squeeze %dma_start3A_374 : memref<1x1x64xf32, #tpu.memory_space<vmem>> -> memref<64xf32, #tpu.memory_space<vmem>>
      %dma_start3A_376 = arith.constant 0 : i32
      %dma_start3A_377 = tpu.memref_slice %arg3[%squeeze3A_367, %dma_start3A_376] : memref<1000000x64xf32, #tpu.memory_space<hbm>> -> memref<1x64xf32, #tpu.memory_space<hbm>>
      %dma_start3A_378 = tpu.memref_squeeze %dma_start3A_377 : memref<1x64xf32, #tpu.memory_space<hbm>> -> memref<64xf32, #tpu.memory_space<hbm>>
      %dma_start3A_379 = arith.constant 0 : i32
      %dma_start3A_380 = tpu.memref_slice %arg7[%dma_start3A_372, %add3A_371, %dma_start3A_379] : memref<2x256x64xf32, #tpu.memory_space<vmem>> -> memref<1x1x64xf32, #tpu.memory_space<vmem>>
      %dma_start3A_381 = tpu.memref_squeeze %dma_start3A_380 : memref<1x1x64xf32, #tpu.memory_space<vmem>> -> memref<64xf32, #tpu.memory_space<vmem>>
      %dma_start3A_382 = arith.constant 0 : i32
      %dma_start3A_383 = tpu.memref_slice %arg3[%squeeze3A_367, %dma_start3A_382] : memref<1000000x64xf32, #tpu.memory_space<hbm>> -> memref<1x64xf32, #tpu.memory_space<hbm>>
      %dma_start3A_384 = tpu.memref_squeeze %dma_start3A_383 : memref<1x64xf32, #tpu.memory_space<hbm>> -> memref<64xf32, #tpu.memory_space<hbm>>
      tpu.enqueue_dma source(%dma_start3A_384 : memref<64xf32, #tpu.memory_space<hbm>>) target(%dma_start3A_381 : memref<64xf32, #tpu.memory_space<vmem>>) target_semaphore(%arg8 : memref<!tpu.dma_semaphore, #tpu.memory_space<semaphore_mem>>)
      %slice3A_385 = vector.extract_strided_slice %get3A_102 {offsets = [15], sizes = [1], strides = [1]} : vector<16xi32> to vector<1xi32>
      %squeeze3A_386 = vector.extract %slice3A_385[0] : i32 from vector<1xi32>
      %mul3A_387 = arith.constant 16 : i32
      %mul3A_388 = arith.muli %scan3A_96, %mul3A_387 : i32
      %add3A_389 = arith.constant 15 : i32
      %add3A_390 = arith.addi %mul3A_388, %add3A_389 : i32
      %dma_start3A_391 = arith.constant 0 : i32
      %dma_start3A_392 = arith.constant 0 : i32
      %dma_start3A_393 = tpu.memref_slice %arg7[%dma_start3A_391, %add3A_390, %dma_start3A_392] : memref<2x256x64xf32, #tpu.memory_space<vmem>> -> memref<1x1x64xf32, #tpu.memory_space<vmem>>
      %dma_start3A_394 = tpu.memref_squeeze %dma_start3A_393 : memref<1x1x64xf32, #tpu.memory_space<vmem>> -> memref<64xf32, #tpu.memory_space<vmem>>
      %dma_start3A_395 = arith.constant 0 : i32
      %dma_start3A_396 = tpu.memref_slice %arg3[%squeeze3A_386, %dma_start3A_395] : memref<1000000x64xf32, #tpu.memory_space<hbm>> -> memref<1x64xf32, #tpu.memory_space<hbm>>
      %dma_start3A_397 = tpu.memref_squeeze %dma_start3A_396 : memref<1x64xf32, #tpu.memory_space<hbm>> -> memref<64xf32, #tpu.memory_space<hbm>>
      %dma_start3A_398 = arith.constant 0 : i32
      %dma_start3A_399 = tpu.memref_slice %arg7[%dma_start3A_391, %add3A_390, %dma_start3A_398] : memref<2x256x64xf32, #tpu.memory_space<vmem>> -> memref<1x1x64xf32, #tpu.memory_space<vmem>>
      %dma_start3A_400 = tpu.memref_squeeze %dma_start3A_399 : memref<1x1x64xf32, #tpu.memory_space<vmem>> -> memref<64xf32, #tpu.memory_space<vmem>>
      %dma_start3A_401 = arith.constant 0 : i32
      %dma_start3A_402 = tpu.memref_slice %arg3[%squeeze3A_386, %dma_start3A_401] : memref<1000000x64xf32, #tpu.memory_space<hbm>> -> memref<1x64xf32, #tpu.memory_space<hbm>>
      %dma_start3A_403 = tpu.memref_squeeze %dma_start3A_402 : memref<1x64xf32, #tpu.memory_space<hbm>> -> memref<64xf32, #tpu.memory_space<hbm>>
      tpu.enqueue_dma source(%dma_start3A_403 : memref<64xf32, #tpu.memory_space<hbm>>) target(%dma_start3A_400 : memref<64xf32, #tpu.memory_space<vmem>>) target_semaphore(%arg8 : memref<!tpu.dma_semaphore, #tpu.memory_space<semaphore_mem>>)
    }
    %scan3A_7 = arith.constant 16 : i32
    %scan3A_8 = arith.constant 0 : i32
    %scan3A_9 = arith.constant 0 : i32
    %scan3A_10 = arith.constant 16 : i32
    %scan3A_11 = arith.addi %scan3A_9, %scan3A_10 : i32
    %scan3A_12 = arith.constant 1 : i32
    scf.for %scan3A_96 = %scan3A_9 to %scan3A_11 step %scan3A_12  : i32 {
      %mul3A_97 = arith.constant 16 : i32
      %mul3A_98 = arith.muli %scan3A_96, %mul3A_97 : i32
      %add3A_99 = arith.constant 512 : i32
      %add3A_100 = arith.addi %add3A_99, %mul3A_98 : i32
      %get3A = arith.index_cast %add3A_100 : i32 to index
      %get3A_101 = tpu.vector_load %arg6[%get3A] {strides = array<i32>} : memref<1024xi32, #tpu.memory_space<vmem>>, vector<16xi32>,
      %get3A_102 = vector.shape_cast %get3A_101 : vector<16xi32> to vector<16xi32>
      %slice3A = vector.extract_strided_slice %get3A_102 {offsets = [0], sizes = [1], strides = [1]} : vector<16xi32> to vector<1xi32>
      %squeeze3A = vector.extract %slice3A[0] : i32 from vector<1xi32>
      %mul3A_103 = arith.constant 16 : i32
      %mul3A_104 = arith.muli %scan3A_96, %mul3A_103 : i32
      %add3A_105 = arith.constant 0 : i32
      %add3A_106 = arith.addi %mul3A_104, %add3A_105 : i32
      %dma_start3A = arith.constant 1 : i32
      %dma_start3A_107 = arith.constant 0 : i32
      %dma_start3A_108 = tpu.memref_slice %arg7[%dma_start3A, %add3A_106, %dma_start3A_107] : memref<2x256x64xf32, #tpu.memory_space<vmem>> -> memref<1x1x64xf32, #tpu.memory_space<vmem>>
      %dma_start3A_109 = tpu.memref_squeeze %dma_start3A_108 : memref<1x1x64xf32, #tpu.memory_space<vmem>> -> memref<64xf32, #tpu.memory_space<vmem>>
      %dma_start3A_110 = arith.constant 0 : i32
      %dma_start3A_111 = tpu.memref_slice %arg3[%squeeze3A, %dma_start3A_110] : memref<1000000x64xf32, #tpu.memory_space<hbm>> -> memref<1x64xf32, #tpu.memory_space<hbm>>
      %dma_start3A_112 = tpu.memref_squeeze %dma_start3A_111 : memref<1x64xf32, #tpu.memory_space<hbm>> -> memref<64xf32, #tpu.memory_space<hbm>>
      %dma_start3A_113 = arith.constant 0 : i32
      %dma_start3A_114 = tpu.memref_slice %arg7[%dma_start3A, %add3A_106, %dma_start3A_113] : memref<2x256x64xf32, #tpu.memory_space<vmem>> -> memref<1x1x64xf32, #tpu.memory_space<vmem>>
      %dma_start3A_115 = tpu.memref_squeeze %dma_start3A_114 : memref<1x1x64xf32, #tpu.memory_space<vmem>> -> memref<64xf32, #tpu.memory_space<vmem>>
      %dma_start3A_116 = arith.constant 0 : i32
      %dma_start3A_117 = tpu.memref_slice %arg3[%squeeze3A, %dma_start3A_116] : memref<1000000x64xf32, #tpu.memory_space<hbm>> -> memref<1x64xf32, #tpu.memory_space<hbm>>
      %dma_start3A_118 = tpu.memref_squeeze %dma_start3A_117 : memref<1x64xf32, #tpu.memory_space<hbm>> -> memref<64xf32, #tpu.memory_space<hbm>>
      tpu.enqueue_dma source(%dma_start3A_118 : memref<64xf32, #tpu.memory_space<hbm>>) target(%dma_start3A_115 : memref<64xf32, #tpu.memory_space<vmem>>) target_semaphore(%arg9 : memref<!tpu.dma_semaphore, #tpu.memory_space<semaphore_mem>>)
      %slice3A_119 = vector.extract_strided_slice %get3A_102 {offsets = [1], sizes = [1], strides = [1]} : vector<16xi32> to vector<1xi32>
      %squeeze3A_120 = vector.extract %slice3A_119[0] : i32 from vector<1xi32>
      %mul3A_121 = arith.constant 16 : i32
      %mul3A_122 = arith.muli %scan3A_96, %mul3A_121 : i32
      %add3A_123 = arith.constant 1 : i32
      %add3A_124 = arith.addi %mul3A_122, %add3A_123 : i32
      %dma_start3A_125 = arith.constant 1 : i32
      %dma_start3A_126 = arith.constant 0 : i32
      %dma_start3A_127 = tpu.memref_slice %arg7[%dma_start3A_125, %add3A_124, %dma_start3A_126] : memref<2x256x64xf32, #tpu.memory_space<vmem>> -> memref<1x1x64xf32, #tpu.memory_space<vmem>>
      %dma_start3A_128 = tpu.memref_squeeze %dma_start3A_127 : memref<1x1x64xf32, #tpu.memory_space<vmem>> -> memref<64xf32, #tpu.memory_space<vmem>>
      %dma_start3A_129 = arith.constant 0 : i32
      %dma_start3A_130 = tpu.memref_slice %arg3[%squeeze3A_120, %dma_start3A_129] : memref<1000000x64xf32, #tpu.memory_space<hbm>> -> memref<1x64xf32, #tpu.memory_space<hbm>>
      %dma_start3A_131 = tpu.memref_squeeze %dma_start3A_130 : memref<1x64xf32, #tpu.memory_space<hbm>> -> memref<64xf32, #tpu.memory_space<hbm>>
      %dma_start3A_132 = arith.constant 0 : i32
      %dma_start3A_133 = tpu.memref_slice %arg7[%dma_start3A_125, %add3A_124, %dma_start3A_132] : memref<2x256x64xf32, #tpu.memory_space<vmem>> -> memref<1x1x64xf32, #tpu.memory_space<vmem>>
      %dma_start3A_134 = tpu.memref_squeeze %dma_start3A_133 : memref<1x1x64xf32, #tpu.memory_space<vmem>> -> memref<64xf32, #tpu.memory_space<vmem>>
      %dma_start3A_135 = arith.constant 0 : i32
      %dma_start3A_136 = tpu.memref_slice %arg3[%squeeze3A_120, %dma_start3A_135] : memref<1000000x64xf32, #tpu.memory_space<hbm>> -> memref<1x64xf32, #tpu.memory_space<hbm>>
      %dma_start3A_137 = tpu.memref_squeeze %dma_start3A_136 : memref<1x64xf32, #tpu.memory_space<hbm>> -> memref<64xf32, #tpu.memory_space<hbm>>
      tpu.enqueue_dma source(%dma_start3A_137 : memref<64xf32, #tpu.memory_space<hbm>>) target(%dma_start3A_134 : memref<64xf32, #tpu.memory_space<vmem>>) target_semaphore(%arg9 : memref<!tpu.dma_semaphore, #tpu.memory_space<semaphore_mem>>)
      %slice3A_138 = vector.extract_strided_slice %get3A_102 {offsets = [2], sizes = [1], strides = [1]} : vector<16xi32> to vector<1xi32>
      %squeeze3A_139 = vector.extract %slice3A_138[0] : i32 from vector<1xi32>
      %mul3A_140 = arith.constant 16 : i32
      %mul3A_141 = arith.muli %scan3A_96, %mul3A_140 : i32
      %add3A_142 = arith.constant 2 : i32
      %add3A_143 = arith.addi %mul3A_141, %add3A_142 : i32
      %dma_start3A_144 = arith.constant 1 : i32
      %dma_start3A_145 = arith.constant 0 : i32
      %dma_start3A_146 = tpu.memref_slice %arg7[%dma_start3A_144, %add3A_143, %dma_start3A_145] : memref<2x256x64xf32, #tpu.memory_space<vmem>> -> memref<1x1x64xf32, #tpu.memory_space<vmem>>
      %dma_start3A_147 = tpu.memref_squeeze %dma_start3A_146 : memref<1x1x64xf32, #tpu.memory_space<vmem>> -> memref<64xf32, #tpu.memory_space<vmem>>
      %dma_start3A_148 = arith.constant 0 : i32
      %dma_start3A_149 = tpu.memref_slice %arg3[%squeeze3A_139, %dma_start3A_148] : memref<1000000x64xf32, #tpu.memory_space<hbm>> -> memref<1x64xf32, #tpu.memory_space<hbm>>
      %dma_start3A_150 = tpu.memref_squeeze %dma_start3A_149 : memref<1x64xf32, #tpu.memory_space<hbm>> -> memref<64xf32, #tpu.memory_space<hbm>>
      %dma_start3A_151 = arith.constant 0 : i32
      %dma_start3A_152 = tpu.memref_slice %arg7[%dma_start3A_144, %add3A_143, %dma_start3A_151] : memref<2x256x64xf32, #tpu.memory_space<vmem>> -> memref<1x1x64xf32, #tpu.memory_space<vmem>>
      %dma_start3A_153 = tpu.memref_squeeze %dma_start3A_152 : memref<1x1x64xf32, #tpu.memory_space<vmem>> -> memref<64xf32, #tpu.memory_space<vmem>>
      %dma_start3A_154 = arith.constant 0 : i32
      %dma_start3A_155 = tpu.memref_slice %arg3[%squeeze3A_139, %dma_start3A_154] : memref<1000000x64xf32, #tpu.memory_space<hbm>> -> memref<1x64xf32, #tpu.memory_space<hbm>>
      %dma_start3A_156 = tpu.memref_squeeze %dma_start3A_155 : memref<1x64xf32, #tpu.memory_space<hbm>> -> memref<64xf32, #tpu.memory_space<hbm>>
      tpu.enqueue_dma source(%dma_start3A_156 : memref<64xf32, #tpu.memory_space<hbm>>) target(%dma_start3A_153 : memref<64xf32, #tpu.memory_space<vmem>>) target_semaphore(%arg9 : memref<!tpu.dma_semaphore, #tpu.memory_space<semaphore_mem>>)
      %slice3A_157 = vector.extract_strided_slice %get3A_102 {offsets = [3], sizes = [1], strides = [1]} : vector<16xi32> to vector<1xi32>
      %squeeze3A_158 = vector.extract %slice3A_157[0] : i32 from vector<1xi32>
      %mul3A_159 = arith.constant 16 : i32
      %mul3A_160 = arith.muli %scan3A_96, %mul3A_159 : i32
      %add3A_161 = arith.constant 3 : i32
      %add3A_162 = arith.addi %mul3A_160, %add3A_161 : i32
      %dma_start3A_163 = arith.constant 1 : i32
      %dma_start3A_164 = arith.constant 0 : i32
      %dma_start3A_165 = tpu.memref_slice %arg7[%dma_start3A_163, %add3A_162, %dma_start3A_164] : memref<2x256x64xf32, #tpu.memory_space<vmem>> -> memref<1x1x64xf32, #tpu.memory_space<vmem>>
      %dma_start3A_166 = tpu.memref_squeeze %dma_start3A_165 : memref<1x1x64xf32, #tpu.memory_space<vmem>> -> memref<64xf32, #tpu.memory_space<vmem>>
      %dma_start3A_167 = arith.constant 0 : i32
      %dma_start3A_168 = tpu.memref_slice %arg3[%squeeze3A_158, %dma_start3A_167] : memref<1000000x64xf32, #tpu.memory_space<hbm>> -> memref<1x64xf32, #tpu.memory_space<hbm>>
      %dma_start3A_169 = tpu.memref_squeeze %dma_start3A_168 : memref<1x64xf32, #tpu.memory_space<hbm>> -> memref<64xf32, #tpu.memory_space<hbm>>
      %dma_start3A_170 = arith.constant 0 : i32
      %dma_start3A_171 = tpu.memref_slice %arg7[%dma_start3A_163, %add3A_162, %dma_start3A_170] : memref<2x256x64xf32, #tpu.memory_space<vmem>> -> memref<1x1x64xf32, #tpu.memory_space<vmem>>
      %dma_start3A_172 = tpu.memref_squeeze %dma_start3A_171 : memref<1x1x64xf32, #tpu.memory_space<vmem>> -> memref<64xf32, #tpu.memory_space<vmem>>
      %dma_start3A_173 = arith.constant 0 : i32
      %dma_start3A_174 = tpu.memref_slice %arg3[%squeeze3A_158, %dma_start3A_173] : memref<1000000x64xf32, #tpu.memory_space<hbm>> -> memref<1x64xf32, #tpu.memory_space<hbm>>
      %dma_start3A_175 = tpu.memref_squeeze %dma_start3A_174 : memref<1x64xf32, #tpu.memory_space<hbm>> -> memref<64xf32, #tpu.memory_space<hbm>>
      tpu.enqueue_dma source(%dma_start3A_175 : memref<64xf32, #tpu.memory_space<hbm>>) target(%dma_start3A_172 : memref<64xf32, #tpu.memory_space<vmem>>) target_semaphore(%arg9 : memref<!tpu.dma_semaphore, #tpu.memory_space<semaphore_mem>>)
      %slice3A_176 = vector.extract_strided_slice %get3A_102 {offsets = [4], sizes = [1], strides = [1]} : vector<16xi32> to vector<1xi32>
      %squeeze3A_177 = vector.extract %slice3A_176[0] : i32 from vector<1xi32>
      %mul3A_178 = arith.constant 16 : i32
      %mul3A_179 = arith.muli %scan3A_96, %mul3A_178 : i32
      %add3A_180 = arith.constant 4 : i32
      %add3A_181 = arith.addi %mul3A_179, %add3A_180 : i32
      %dma_start3A_182 = arith.constant 1 : i32
      %dma_start3A_183 = arith.constant 0 : i32
      %dma_start3A_184 = tpu.memref_slice %arg7[%dma_start3A_182, %add3A_181, %dma_start3A_183] : memref<2x256x64xf32, #tpu.memory_space<vmem>> -> memref<1x1x64xf32, #tpu.memory_space<vmem>>
      %dma_start3A_185 = tpu.memref_squeeze %dma_start3A_184 : memref<1x1x64xf32, #tpu.memory_space<vmem>> -> memref<64xf32, #tpu.memory_space<vmem>>
      %dma_start3A_186 = arith.constant 0 : i32
      %dma_start3A_187 = tpu.memref_slice %arg3[%squeeze3A_177, %dma_start3A_186] : memref<1000000x64xf32, #tpu.memory_space<hbm>> -> memref<1x64xf32, #tpu.memory_space<hbm>>
      %dma_start3A_188 = tpu.memref_squeeze %dma_start3A_187 : memref<1x64xf32, #tpu.memory_space<hbm>> -> memref<64xf32, #tpu.memory_space<hbm>>
      %dma_start3A_189 = arith.constant 0 : i32
      %dma_start3A_190 = tpu.memref_slice %arg7[%dma_start3A_182, %add3A_181, %dma_start3A_189] : memref<2x256x64xf32, #tpu.memory_space<vmem>> -> memref<1x1x64xf32, #tpu.memory_space<vmem>>
      %dma_start3A_191 = tpu.memref_squeeze %dma_start3A_190 : memref<1x1x64xf32, #tpu.memory_space<vmem>> -> memref<64xf32, #tpu.memory_space<vmem>>
      %dma_start3A_192 = arith.constant 0 : i32
      %dma_start3A_193 = tpu.memref_slice %arg3[%squeeze3A_177, %dma_start3A_192] : memref<1000000x64xf32, #tpu.memory_space<hbm>> -> memref<1x64xf32, #tpu.memory_space<hbm>>
      %dma_start3A_194 = tpu.memref_squeeze %dma_start3A_193 : memref<1x64xf32, #tpu.memory_space<hbm>> -> memref<64xf32, #tpu.memory_space<hbm>>
      tpu.enqueue_dma source(%dma_start3A_194 : memref<64xf32, #tpu.memory_space<hbm>>) target(%dma_start3A_191 : memref<64xf32, #tpu.memory_space<vmem>>) target_semaphore(%arg9 : memref<!tpu.dma_semaphore, #tpu.memory_space<semaphore_mem>>)
      %slice3A_195 = vector.extract_strided_slice %get3A_102 {offsets = [5], sizes = [1], strides = [1]} : vector<16xi32> to vector<1xi32>
      %squeeze3A_196 = vector.extract %slice3A_195[0] : i32 from vector<1xi32>
      %mul3A_197 = arith.constant 16 : i32
      %mul3A_198 = arith.muli %scan3A_96, %mul3A_197 : i32
      %add3A_199 = arith.constant 5 : i32
      %add3A_200 = arith.addi %mul3A_198, %add3A_199 : i32
      %dma_start3A_201 = arith.constant 1 : i32
      %dma_start3A_202 = arith.constant 0 : i32
      %dma_start3A_203 = tpu.memref_slice %arg7[%dma_start3A_201, %add3A_200, %dma_start3A_202] : memref<2x256x64xf32, #tpu.memory_space<vmem>> -> memref<1x1x64xf32, #tpu.memory_space<vmem>>
      %dma_start3A_204 = tpu.memref_squeeze %dma_start3A_203 : memref<1x1x64xf32, #tpu.memory_space<vmem>> -> memref<64xf32, #tpu.memory_space<vmem>>
      %dma_start3A_205 = arith.constant 0 : i32
      %dma_start3A_206 = tpu.memref_slice %arg3[%squeeze3A_196, %dma_start3A_205] : memref<1000000x64xf32, #tpu.memory_space<hbm>> -> memref<1x64xf32, #tpu.memory_space<hbm>>
      %dma_start3A_207 = tpu.memref_squeeze %dma_start3A_206 : memref<1x64xf32, #tpu.memory_space<hbm>> -> memref<64xf32, #tpu.memory_space<hbm>>
      %dma_start3A_208 = arith.constant 0 : i32
      %dma_start3A_209 = tpu.memref_slice %arg7[%dma_start3A_201, %add3A_200, %dma_start3A_208] : memref<2x256x64xf32, #tpu.memory_space<vmem>> -> memref<1x1x64xf32, #tpu.memory_space<vmem>>
      %dma_start3A_210 = tpu.memref_squeeze %dma_start3A_209 : memref<1x1x64xf32, #tpu.memory_space<vmem>> -> memref<64xf32, #tpu.memory_space<vmem>>
      %dma_start3A_211 = arith.constant 0 : i32
      %dma_start3A_212 = tpu.memref_slice %arg3[%squeeze3A_196, %dma_start3A_211] : memref<1000000x64xf32, #tpu.memory_space<hbm>> -> memref<1x64xf32, #tpu.memory_space<hbm>>
      %dma_start3A_213 = tpu.memref_squeeze %dma_start3A_212 : memref<1x64xf32, #tpu.memory_space<hbm>> -> memref<64xf32, #tpu.memory_space<hbm>>
      tpu.enqueue_dma source(%dma_start3A_213 : memref<64xf32, #tpu.memory_space<hbm>>) target(%dma_start3A_210 : memref<64xf32, #tpu.memory_space<vmem>>) target_semaphore(%arg9 : memref<!tpu.dma_semaphore, #tpu.memory_space<semaphore_mem>>)
      %slice3A_214 = vector.extract_strided_slice %get3A_102 {offsets = [6], sizes = [1], strides = [1]} : vector<16xi32> to vector<1xi32>
      %squeeze3A_215 = vector.extract %slice3A_214[0] : i32 from vector<1xi32>
      %mul3A_216 = arith.constant 16 : i32
      %mul3A_217 = arith.muli %scan3A_96, %mul3A_216 : i32
      %add3A_218 = arith.constant 6 : i32
      %add3A_219 = arith.addi %mul3A_217, %add3A_218 : i32
      %dma_start3A_220 = arith.constant 1 : i32
      %dma_start3A_221 = arith.constant 0 : i32
      %dma_start3A_222 = tpu.memref_slice %arg7[%dma_start3A_220, %add3A_219, %dma_start3A_221] : memref<2x256x64xf32, #tpu.memory_space<vmem>> -> memref<1x1x64xf32, #tpu.memory_space<vmem>>
      %dma_start3A_223 = tpu.memref_squeeze %dma_start3A_222 : memref<1x1x64xf32, #tpu.memory_space<vmem>> -> memref<64xf32, #tpu.memory_space<vmem>>
      %dma_start3A_224 = arith.constant 0 : i32
      %dma_start3A_225 = tpu.memref_slice %arg3[%squeeze3A_215, %dma_start3A_224] : memref<1000000x64xf32, #tpu.memory_space<hbm>> -> memref<1x64xf32, #tpu.memory_space<hbm>>
      %dma_start3A_226 = tpu.memref_squeeze %dma_start3A_225 : memref<1x64xf32, #tpu.memory_space<hbm>> -> memref<64xf32, #tpu.memory_space<hbm>>
      %dma_start3A_227 = arith.constant 0 : i32
      %dma_start3A_228 = tpu.memref_slice %arg7[%dma_start3A_220, %add3A_219, %dma_start3A_227] : memref<2x256x64xf32, #tpu.memory_space<vmem>> -> memref<1x1x64xf32, #tpu.memory_space<vmem>>
      %dma_start3A_229 = tpu.memref_squeeze %dma_start3A_228 : memref<1x1x64xf32, #tpu.memory_space<vmem>> -> memref<64xf32, #tpu.memory_space<vmem>>
      %dma_start3A_230 = arith.constant 0 : i32
      %dma_start3A_231 = tpu.memref_slice %arg3[%squeeze3A_215, %dma_start3A_230] : memref<1000000x64xf32, #tpu.memory_space<hbm>> -> memref<1x64xf32, #tpu.memory_space<hbm>>
      %dma_start3A_232 = tpu.memref_squeeze %dma_start3A_231 : memref<1x64xf32, #tpu.memory_space<hbm>> -> memref<64xf32, #tpu.memory_space<hbm>>
      tpu.enqueue_dma source(%dma_start3A_232 : memref<64xf32, #tpu.memory_space<hbm>>) target(%dma_start3A_229 : memref<64xf32, #tpu.memory_space<vmem>>) target_semaphore(%arg9 : memref<!tpu.dma_semaphore, #tpu.memory_space<semaphore_mem>>)
      %slice3A_233 = vector.extract_strided_slice %get3A_102 {offsets = [7], sizes = [1], strides = [1]} : vector<16xi32> to vector<1xi32>
      %squeeze3A_234 = vector.extract %slice3A_233[0] : i32 from vector<1xi32>
      %mul3A_235 = arith.constant 16 : i32
      %mul3A_236 = arith.muli %scan3A_96, %mul3A_235 : i32
      %add3A_237 = arith.constant 7 : i32
      %add3A_238 = arith.addi %mul3A_236, %add3A_237 : i32
      %dma_start3A_239 = arith.constant 1 : i32
      %dma_start3A_240 = arith.constant 0 : i32
      %dma_start3A_241 = tpu.memref_slice %arg7[%dma_start3A_239, %add3A_238, %dma_start3A_240] : memref<2x256x64xf32, #tpu.memory_space<vmem>> -> memref<1x1x64xf32, #tpu.memory_space<vmem>>
      %dma_start3A_242 = tpu.memref_squeeze %dma_start3A_241 : memref<1x1x64xf32, #tpu.memory_space<vmem>> -> memref<64xf32, #tpu.memory_space<vmem>>
      %dma_start3A_243 = arith.constant 0 : i32
      %dma_start3A_244 = tpu.memref_slice %arg3[%squeeze3A_234, %dma_start3A_243] : memref<1000000x64xf32, #tpu.memory_space<hbm>> -> memref<1x64xf32, #tpu.memory_space<hbm>>
      %dma_start3A_245 = tpu.memref_squeeze %dma_start3A_244 : memref<1x64xf32, #tpu.memory_space<hbm>> -> memref<64xf32, #tpu.memory_space<hbm>>
      %dma_start3A_246 = arith.constant 0 : i32
      %dma_start3A_247 = tpu.memref_slice %arg7[%dma_start3A_239, %add3A_238, %dma_start3A_246] : memref<2x256x64xf32, #tpu.memory_space<vmem>> -> memref<1x1x64xf32, #tpu.memory_space<vmem>>
      %dma_start3A_248 = tpu.memref_squeeze %dma_start3A_247 : memref<1x1x64xf32, #tpu.memory_space<vmem>> -> memref<64xf32, #tpu.memory_space<vmem>>
      %dma_start3A_249 = arith.constant 0 : i32
      %dma_start3A_250 = tpu.memref_slice %arg3[%squeeze3A_234, %dma_start3A_249] : memref<1000000x64xf32, #tpu.memory_space<hbm>> -> memref<1x64xf32, #tpu.memory_space<hbm>>
      %dma_start3A_251 = tpu.memref_squeeze %dma_start3A_250 : memref<1x64xf32, #tpu.memory_space<hbm>> -> memref<64xf32, #tpu.memory_space<hbm>>
      tpu.enqueue_dma source(%dma_start3A_251 : memref<64xf32, #tpu.memory_space<hbm>>) target(%dma_start3A_248 : memref<64xf32, #tpu.memory_space<vmem>>) target_semaphore(%arg9 : memref<!tpu.dma_semaphore, #tpu.memory_space<semaphore_mem>>)
      %slice3A_252 = vector.extract_strided_slice %get3A_102 {offsets = [8], sizes = [1], strides = [1]} : vector<16xi32> to vector<1xi32>
      %squeeze3A_253 = vector.extract %slice3A_252[0] : i32 from vector<1xi32>
      %mul3A_254 = arith.constant 16 : i32
      %mul3A_255 = arith.muli %scan3A_96, %mul3A_254 : i32
      %add3A_256 = arith.constant 8 : i32
      %add3A_257 = arith.addi %mul3A_255, %add3A_256 : i32
      %dma_start3A_258 = arith.constant 1 : i32
      %dma_start3A_259 = arith.constant 0 : i32
      %dma_start3A_260 = tpu.memref_slice %arg7[%dma_start3A_258, %add3A_257, %dma_start3A_259] : memref<2x256x64xf32, #tpu.memory_space<vmem>> -> memref<1x1x64xf32, #tpu.memory_space<vmem>>
      %dma_start3A_261 = tpu.memref_squeeze %dma_start3A_260 : memref<1x1x64xf32, #tpu.memory_space<vmem>> -> memref<64xf32, #tpu.memory_space<vmem>>
      %dma_start3A_262 = arith.constant 0 : i32
      %dma_start3A_263 = tpu.memref_slice %arg3[%squeeze3A_253, %dma_start3A_262] : memref<1000000x64xf32, #tpu.memory_space<hbm>> -> memref<1x64xf32, #tpu.memory_space<hbm>>
      %dma_start3A_264 = tpu.memref_squeeze %dma_start3A_263 : memref<1x64xf32, #tpu.memory_space<hbm>> -> memref<64xf32, #tpu.memory_space<hbm>>
      %dma_start3A_265 = arith.constant 0 : i32
      %dma_start3A_266 = tpu.memref_slice %arg7[%dma_start3A_258, %add3A_257, %dma_start3A_265] : memref<2x256x64xf32, #tpu.memory_space<vmem>> -> memref<1x1x64xf32, #tpu.memory_space<vmem>>
      %dma_start3A_267 = tpu.memref_squeeze %dma_start3A_266 : memref<1x1x64xf32, #tpu.memory_space<vmem>> -> memref<64xf32, #tpu.memory_space<vmem>>
      %dma_start3A_268 = arith.constant 0 : i32
      %dma_start3A_269 = tpu.memref_slice %arg3[%squeeze3A_253, %dma_start3A_268] : memref<1000000x64xf32, #tpu.memory_space<hbm>> -> memref<1x64xf32, #tpu.memory_space<hbm>>
      %dma_start3A_270 = tpu.memref_squeeze %dma_start3A_269 : memref<1x64xf32, #tpu.memory_space<hbm>> -> memref<64xf32, #tpu.memory_space<hbm>>
      tpu.enqueue_dma source(%dma_start3A_270 : memref<64xf32, #tpu.memory_space<hbm>>) target(%dma_start3A_267 : memref<64xf32, #tpu.memory_space<vmem>>) target_semaphore(%arg9 : memref<!tpu.dma_semaphore, #tpu.memory_space<semaphore_mem>>)
      %slice3A_271 = vector.extract_strided_slice %get3A_102 {offsets = [9], sizes = [1], strides = [1]} : vector<16xi32> to vector<1xi32>
      %squeeze3A_272 = vector.extract %slice3A_271[0] : i32 from vector<1xi32>
      %mul3A_273 = arith.constant 16 : i32
      %mul3A_274 = arith.muli %scan3A_96, %mul3A_273 : i32
      %add3A_275 = arith.constant 9 : i32
      %add3A_276 = arith.addi %mul3A_274, %add3A_275 : i32
      %dma_start3A_277 = arith.constant 1 : i32
      %dma_start3A_278 = arith.constant 0 : i32
      %dma_start3A_279 = tpu.memref_slice %arg7[%dma_start3A_277, %add3A_276, %dma_start3A_278] : memref<2x256x64xf32, #tpu.memory_space<vmem>> -> memref<1x1x64xf32, #tpu.memory_space<vmem>>
      %dma_start3A_280 = tpu.memref_squeeze %dma_start3A_279 : memref<1x1x64xf32, #tpu.memory_space<vmem>> -> memref<64xf32, #tpu.memory_space<vmem>>
      %dma_start3A_281 = arith.constant 0 : i32
      %dma_start3A_282 = tpu.memref_slice %arg3[%squeeze3A_272, %dma_start3A_281] : memref<1000000x64xf32, #tpu.memory_space<hbm>> -> memref<1x64xf32, #tpu.memory_space<hbm>>
      %dma_start3A_283 = tpu.memref_squeeze %dma_start3A_282 : memref<1x64xf32, #tpu.memory_space<hbm>> -> memref<64xf32, #tpu.memory_space<hbm>>
      %dma_start3A_284 = arith.constant 0 : i32
      %dma_start3A_285 = tpu.memref_slice %arg7[%dma_start3A_277, %add3A_276, %dma_start3A_284] : memref<2x256x64xf32, #tpu.memory_space<vmem>> -> memref<1x1x64xf32, #tpu.memory_space<vmem>>
      %dma_start3A_286 = tpu.memref_squeeze %dma_start3A_285 : memref<1x1x64xf32, #tpu.memory_space<vmem>> -> memref<64xf32, #tpu.memory_space<vmem>>
      %dma_start3A_287 = arith.constant 0 : i32
      %dma_start3A_288 = tpu.memref_slice %arg3[%squeeze3A_272, %dma_start3A_287] : memref<1000000x64xf32, #tpu.memory_space<hbm>> -> memref<1x64xf32, #tpu.memory_space<hbm>>
      %dma_start3A_289 = tpu.memref_squeeze %dma_start3A_288 : memref<1x64xf32, #tpu.memory_space<hbm>> -> memref<64xf32, #tpu.memory_space<hbm>>
      tpu.enqueue_dma source(%dma_start3A_289 : memref<64xf32, #tpu.memory_space<hbm>>) target(%dma_start3A_286 : memref<64xf32, #tpu.memory_space<vmem>>) target_semaphore(%arg9 : memref<!tpu.dma_semaphore, #tpu.memory_space<semaphore_mem>>)
      %slice3A_290 = vector.extract_strided_slice %get3A_102 {offsets = [10], sizes = [1], strides = [1]} : vector<16xi32> to vector<1xi32>
      %squeeze3A_291 = vector.extract %slice3A_290[0] : i32 from vector<1xi32>
      %mul3A_292 = arith.constant 16 : i32
      %mul3A_293 = arith.muli %scan3A_96, %mul3A_292 : i32
      %add3A_294 = arith.constant 10 : i32
      %add3A_295 = arith.addi %mul3A_293, %add3A_294 : i32
      %dma_start3A_296 = arith.constant 1 : i32
      %dma_start3A_297 = arith.constant 0 : i32
      %dma_start3A_298 = tpu.memref_slice %arg7[%dma_start3A_296, %add3A_295, %dma_start3A_297] : memref<2x256x64xf32, #tpu.memory_space<vmem>> -> memref<1x1x64xf32, #tpu.memory_space<vmem>>
      %dma_start3A_299 = tpu.memref_squeeze %dma_start3A_298 : memref<1x1x64xf32, #tpu.memory_space<vmem>> -> memref<64xf32, #tpu.memory_space<vmem>>
      %dma_start3A_300 = arith.constant 0 : i32
      %dma_start3A_301 = tpu.memref_slice %arg3[%squeeze3A_291, %dma_start3A_300] : memref<1000000x64xf32, #tpu.memory_space<hbm>> -> memref<1x64xf32, #tpu.memory_space<hbm>>
      %dma_start3A_302 = tpu.memref_squeeze %dma_start3A_301 : memref<1x64xf32, #tpu.memory_space<hbm>> -> memref<64xf32, #tpu.memory_space<hbm>>
      %dma_start3A_303 = arith.constant 0 : i32
      %dma_start3A_304 = tpu.memref_slice %arg7[%dma_start3A_296, %add3A_295, %dma_start3A_303] : memref<2x256x64xf32, #tpu.memory_space<vmem>> -> memref<1x1x64xf32, #tpu.memory_space<vmem>>
      %dma_start3A_305 = tpu.memref_squeeze %dma_start3A_304 : memref<1x1x64xf32, #tpu.memory_space<vmem>> -> memref<64xf32, #tpu.memory_space<vmem>>
      %dma_start3A_306 = arith.constant 0 : i32
      %dma_start3A_307 = tpu.memref_slice %arg3[%squeeze3A_291, %dma_start3A_306] : memref<1000000x64xf32, #tpu.memory_space<hbm>> -> memref<1x64xf32, #tpu.memory_space<hbm>>
      %dma_start3A_308 = tpu.memref_squeeze %dma_start3A_307 : memref<1x64xf32, #tpu.memory_space<hbm>> -> memref<64xf32, #tpu.memory_space<hbm>>
      tpu.enqueue_dma source(%dma_start3A_308 : memref<64xf32, #tpu.memory_space<hbm>>) target(%dma_start3A_305 : memref<64xf32, #tpu.memory_space<vmem>>) target_semaphore(%arg9 : memref<!tpu.dma_semaphore, #tpu.memory_space<semaphore_mem>>)
      %slice3A_309 = vector.extract_strided_slice %get3A_102 {offsets = [11], sizes = [1], strides = [1]} : vector<16xi32> to vector<1xi32>
      %squeeze3A_310 = vector.extract %slice3A_309[0] : i32 from vector<1xi32>
      %mul3A_311 = arith.constant 16 : i32
      %mul3A_312 = arith.muli %scan3A_96, %mul3A_311 : i32
      %add3A_313 = arith.constant 11 : i32
      %add3A_314 = arith.addi %mul3A_312, %add3A_313 : i32
      %dma_start3A_315 = arith.constant 1 : i32
      %dma_start3A_316 = arith.constant 0 : i32
      %dma_start3A_317 = tpu.memref_slice %arg7[%dma_start3A_315, %add3A_314, %dma_start3A_316] : memref<2x256x64xf32, #tpu.memory_space<vmem>> -> memref<1x1x64xf32, #tpu.memory_space<vmem>>
      %dma_start3A_318 = tpu.memref_squeeze %dma_start3A_317 : memref<1x1x64xf32, #tpu.memory_space<vmem>> -> memref<64xf32, #tpu.memory_space<vmem>>
      %dma_start3A_319 = arith.constant 0 : i32
      %dma_start3A_320 = tpu.memref_slice %arg3[%squeeze3A_310, %dma_start3A_319] : memref<1000000x64xf32, #tpu.memory_space<hbm>> -> memref<1x64xf32, #tpu.memory_space<hbm>>
      %dma_start3A_321 = tpu.memref_squeeze %dma_start3A_320 : memref<1x64xf32, #tpu.memory_space<hbm>> -> memref<64xf32, #tpu.memory_space<hbm>>
      %dma_start3A_322 = arith.constant 0 : i32
      %dma_start3A_323 = tpu.memref_slice %arg7[%dma_start3A_315, %add3A_314, %dma_start3A_322] : memref<2x256x64xf32, #tpu.memory_space<vmem>> -> memref<1x1x64xf32, #tpu.memory_space<vmem>>
      %dma_start3A_324 = tpu.memref_squeeze %dma_start3A_323 : memref<1x1x64xf32, #tpu.memory_space<vmem>> -> memref<64xf32, #tpu.memory_space<vmem>>
      %dma_start3A_325 = arith.constant 0 : i32
      %dma_start3A_326 = tpu.memref_slice %arg3[%squeeze3A_310, %dma_start3A_325] : memref<1000000x64xf32, #tpu.memory_space<hbm>> -> memref<1x64xf32, #tpu.memory_space<hbm>>
      %dma_start3A_327 = tpu.memref_squeeze %dma_start3A_326 : memref<1x64xf32, #tpu.memory_space<hbm>> -> memref<64xf32, #tpu.memory_space<hbm>>
      tpu.enqueue_dma source(%dma_start3A_327 : memref<64xf32, #tpu.memory_space<hbm>>) target(%dma_start3A_324 : memref<64xf32, #tpu.memory_space<vmem>>) target_semaphore(%arg9 : memref<!tpu.dma_semaphore, #tpu.memory_space<semaphore_mem>>)
      %slice3A_328 = vector.extract_strided_slice %get3A_102 {offsets = [12], sizes = [1], strides = [1]} : vector<16xi32> to vector<1xi32>
      %squeeze3A_329 = vector.extract %slice3A_328[0] : i32 from vector<1xi32>
      %mul3A_330 = arith.constant 16 : i32
      %mul3A_331 = arith.muli %scan3A_96, %mul3A_330 : i32
      %add3A_332 = arith.constant 12 : i32
      %add3A_333 = arith.addi %mul3A_331, %add3A_332 : i32
      %dma_start3A_334 = arith.constant 1 : i32
      %dma_start3A_335 = arith.constant 0 : i32
      %dma_start3A_336 = tpu.memref_slice %arg7[%dma_start3A_334, %add3A_333, %dma_start3A_335] : memref<2x256x64xf32, #tpu.memory_space<vmem>> -> memref<1x1x64xf32, #tpu.memory_space<vmem>>
      %dma_start3A_337 = tpu.memref_squeeze %dma_start3A_336 : memref<1x1x64xf32, #tpu.memory_space<vmem>> -> memref<64xf32, #tpu.memory_space<vmem>>
      %dma_start3A_338 = arith.constant 0 : i32
      %dma_start3A_339 = tpu.memref_slice %arg3[%squeeze3A_329, %dma_start3A_338] : memref<1000000x64xf32, #tpu.memory_space<hbm>> -> memref<1x64xf32, #tpu.memory_space<hbm>>
      %dma_start3A_340 = tpu.memref_squeeze %dma_start3A_339 : memref<1x64xf32, #tpu.memory_space<hbm>> -> memref<64xf32, #tpu.memory_space<hbm>>
      %dma_start3A_341 = arith.constant 0 : i32
      %dma_start3A_342 = tpu.memref_slice %arg7[%dma_start3A_334, %add3A_333, %dma_start3A_341] : memref<2x256x64xf32, #tpu.memory_space<vmem>> -> memref<1x1x64xf32, #tpu.memory_space<vmem>>
      %dma_start3A_343 = tpu.memref_squeeze %dma_start3A_342 : memref<1x1x64xf32, #tpu.memory_space<vmem>> -> memref<64xf32, #tpu.memory_space<vmem>>
      %dma_start3A_344 = arith.constant 0 : i32
      %dma_start3A_345 = tpu.memref_slice %arg3[%squeeze3A_329, %dma_start3A_344] : memref<1000000x64xf32, #tpu.memory_space<hbm>> -> memref<1x64xf32, #tpu.memory_space<hbm>>
      %dma_start3A_346 = tpu.memref_squeeze %dma_start3A_345 : memref<1x64xf32, #tpu.memory_space<hbm>> -> memref<64xf32, #tpu.memory_space<hbm>>
      tpu.enqueue_dma source(%dma_start3A_346 : memref<64xf32, #tpu.memory_space<hbm>>) target(%dma_start3A_343 : memref<64xf32, #tpu.memory_space<vmem>>) target_semaphore(%arg9 : memref<!tpu.dma_semaphore, #tpu.memory_space<semaphore_mem>>)
      %slice3A_347 = vector.extract_strided_slice %get3A_102 {offsets = [13], sizes = [1], strides = [1]} : vector<16xi32> to vector<1xi32>
      %squeeze3A_348 = vector.extract %slice3A_347[0] : i32 from vector<1xi32>
      %mul3A_349 = arith.constant 16 : i32
      %mul3A_350 = arith.muli %scan3A_96, %mul3A_349 : i32
      %add3A_351 = arith.constant 13 : i32
      %add3A_352 = arith.addi %mul3A_350, %add3A_351 : i32
      %dma_start3A_353 = arith.constant 1 : i32
      %dma_start3A_354 = arith.constant 0 : i32
      %dma_start3A_355 = tpu.memref_slice %arg7[%dma_start3A_353, %add3A_352, %dma_start3A_354] : memref<2x256x64xf32, #tpu.memory_space<vmem>> -> memref<1x1x64xf32, #tpu.memory_space<vmem>>
      %dma_start3A_356 = tpu.memref_squeeze %dma_start3A_355 : memref<1x1x64xf32, #tpu.memory_space<vmem>> -> memref<64xf32, #tpu.memory_space<vmem>>
      %dma_start3A_357 = arith.constant 0 : i32
      %dma_start3A_358 = tpu.memref_slice %arg3[%squeeze3A_348, %dma_start3A_357] : memref<1000000x64xf32, #tpu.memory_space<hbm>> -> memref<1x64xf32, #tpu.memory_space<hbm>>
      %dma_start3A_359 = tpu.memref_squeeze %dma_start3A_358 : memref<1x64xf32, #tpu.memory_space<hbm>> -> memref<64xf32, #tpu.memory_space<hbm>>
      %dma_start3A_360 = arith.constant 0 : i32
      %dma_start3A_361 = tpu.memref_slice %arg7[%dma_start3A_353, %add3A_352, %dma_start3A_360] : memref<2x256x64xf32, #tpu.memory_space<vmem>> -> memref<1x1x64xf32, #tpu.memory_space<vmem>>
      %dma_start3A_362 = tpu.memref_squeeze %dma_start3A_361 : memref<1x1x64xf32, #tpu.memory_space<vmem>> -> memref<64xf32, #tpu.memory_space<vmem>>
      %dma_start3A_363 = arith.constant 0 : i32
      %dma_start3A_364 = tpu.memref_slice %arg3[%squeeze3A_348, %dma_start3A_363] : memref<1000000x64xf32, #tpu.memory_space<hbm>> -> memref<1x64xf32, #tpu.memory_space<hbm>>
      %dma_start3A_365 = tpu.memref_squeeze %dma_start3A_364 : memref<1x64xf32, #tpu.memory_space<hbm>> -> memref<64xf32, #tpu.memory_space<hbm>>
      tpu.enqueue_dma source(%dma_start3A_365 : memref<64xf32, #tpu.memory_space<hbm>>) target(%dma_start3A_362 : memref<64xf32, #tpu.memory_space<vmem>>) target_semaphore(%arg9 : memref<!tpu.dma_semaphore, #tpu.memory_space<semaphore_mem>>)
      %slice3A_366 = vector.extract_strided_slice %get3A_102 {offsets = [14], sizes = [1], strides = [1]} : vector<16xi32> to vector<1xi32>
      %squeeze3A_367 = vector.extract %slice3A_366[0] : i32 from vector<1xi32>
      %mul3A_368 = arith.constant 16 : i32
      %mul3A_369 = arith.muli %scan3A_96, %mul3A_368 : i32
      %add3A_370 = arith.constant 14 : i32
      %add3A_371 = arith.addi %mul3A_369, %add3A_370 : i32
      %dma_start3A_372 = arith.constant 1 : i32
      %dma_start3A_373 = arith.constant 0 : i32
      %dma_start3A_374 = tpu.memref_slice %arg7[%dma_start3A_372, %add3A_371, %dma_start3A_373] : memref<2x256x64xf32, #tpu.memory_space<vmem>> -> memref<1x1x64xf32, #tpu.memory_space<vmem>>
      %dma_start3A_375 = tpu.memref_squeeze %dma_start3A_374 : memref<1x1x64xf32, #tpu.memory_space<vmem>> -> memref<64xf32, #tpu.memory_space<vmem>>
      %dma_start3A_376 = arith.constant 0 : i32
      %dma_start3A_377 = tpu.memref_slice %arg3[%squeeze3A_367, %dma_start3A_376] : memref<1000000x64xf32, #tpu.memory_space<hbm>> -> memref<1x64xf32, #tpu.memory_space<hbm>>
      %dma_start3A_378 = tpu.memref_squeeze %dma_start3A_377 : memref<1x64xf32, #tpu.memory_space<hbm>> -> memref<64xf32, #tpu.memory_space<hbm>>
      %dma_start3A_379 = arith.constant 0 : i32
      %dma_start3A_380 = tpu.memref_slice %arg7[%dma_start3A_372, %add3A_371, %dma_start3A_379] : memref<2x256x64xf32, #tpu.memory_space<vmem>> -> memref<1x1x64xf32, #tpu.memory_space<vmem>>
      %dma_start3A_381 = tpu.memref_squeeze %dma_start3A_380 : memref<1x1x64xf32, #tpu.memory_space<vmem>> -> memref<64xf32, #tpu.memory_space<vmem>>
      %dma_start3A_382 = arith.constant 0 : i32
      %dma_start3A_383 = tpu.memref_slice %arg3[%squeeze3A_367, %dma_start3A_382] : memref<1000000x64xf32, #tpu.memory_space<hbm>> -> memref<1x64xf32, #tpu.memory_space<hbm>>
      %dma_start3A_384 = tpu.memref_squeeze %dma_start3A_383 : memref<1x64xf32, #tpu.memory_space<hbm>> -> memref<64xf32, #tpu.memory_space<hbm>>
      tpu.enqueue_dma source(%dma_start3A_384 : memref<64xf32, #tpu.memory_space<hbm>>) target(%dma_start3A_381 : memref<64xf32, #tpu.memory_space<vmem>>) target_semaphore(%arg9 : memref<!tpu.dma_semaphore, #tpu.memory_space<semaphore_mem>>)
      %slice3A_385 = vector.extract_strided_slice %get3A_102 {offsets = [15], sizes = [1], strides = [1]} : vector<16xi32> to vector<1xi32>
      %squeeze3A_386 = vector.extract %slice3A_385[0] : i32 from vector<1xi32>
      %mul3A_387 = arith.constant 16 : i32
      %mul3A_388 = arith.muli %scan3A_96, %mul3A_387 : i32
      %add3A_389 = arith.constant 15 : i32
      %add3A_390 = arith.addi %mul3A_388, %add3A_389 : i32
      %dma_start3A_391 = arith.constant 1 : i32
      %dma_start3A_392 = arith.constant 0 : i32
      %dma_start3A_393 = tpu.memref_slice %arg7[%dma_start3A_391, %add3A_390, %dma_start3A_392] : memref<2x256x64xf32, #tpu.memory_space<vmem>> -> memref<1x1x64xf32, #tpu.memory_space<vmem>>
      %dma_start3A_394 = tpu.memref_squeeze %dma_start3A_393 : memref<1x1x64xf32, #tpu.memory_space<vmem>> -> memref<64xf32, #tpu.memory_space<vmem>>
      %dma_start3A_395 = arith.constant 0 : i32
      %dma_start3A_396 = tpu.memref_slice %arg3[%squeeze3A_386, %dma_start3A_395] : memref<1000000x64xf32, #tpu.memory_space<hbm>> -> memref<1x64xf32, #tpu.memory_space<hbm>>
      %dma_start3A_397 = tpu.memref_squeeze %dma_start3A_396 : memref<1x64xf32, #tpu.memory_space<hbm>> -> memref<64xf32, #tpu.memory_space<hbm>>
      %dma_start3A_398 = arith.constant 0 : i32
      %dma_start3A_399 = tpu.memref_slice %arg7[%dma_start3A_391, %add3A_390, %dma_start3A_398] : memref<2x256x64xf32, #tpu.memory_space<vmem>> -> memref<1x1x64xf32, #tpu.memory_space<vmem>>
      %dma_start3A_400 = tpu.memref_squeeze %dma_start3A_399 : memref<1x1x64xf32, #tpu.memory_space<vmem>> -> memref<64xf32, #tpu.memory_space<vmem>>
      %dma_start3A_401 = arith.constant 0 : i32
      %dma_start3A_402 = tpu.memref_slice %arg3[%squeeze3A_386, %dma_start3A_401] : memref<1000000x64xf32, #tpu.memory_space<hbm>> -> memref<1x64xf32, #tpu.memory_space<hbm>>
      %dma_start3A_403 = tpu.memref_squeeze %dma_start3A_402 : memref<1x64xf32, #tpu.memory_space<hbm>> -> memref<64xf32, #tpu.memory_space<hbm>>
      tpu.enqueue_dma source(%dma_start3A_403 : memref<64xf32, #tpu.memory_space<hbm>>) target(%dma_start3A_400 : memref<64xf32, #tpu.memory_space<vmem>>) target_semaphore(%arg9 : memref<!tpu.dma_semaphore, #tpu.memory_space<semaphore_mem>>)
    }
    %scan3A_13 = arith.constant 16 : i32
    %dma_wait3A = arith.constant 0 : i32
    %dma_wait3A_14 = arith.constant 0 : i32
    %dma_wait3A_15 = arith.constant 0 : i32
    %dma_wait3A_16 = tpu.memref_slice %arg7[%dma_wait3A, %dma_wait3A_14, %dma_wait3A_15] : memref<2x256x64xf32, #tpu.memory_space<vmem>> -> memref<1x256x64xf32, #tpu.memory_space<vmem>>
    %dma_wait3A_17 = tpu.memref_squeeze %dma_wait3A_16 : memref<1x256x64xf32, #tpu.memory_space<vmem>> -> memref<256x64xf32, #tpu.memory_space<vmem>>
    %dma_wait3A_18 = arith.constant 0 : i32
    %dma_wait3A_19 = arith.constant 0 : i32
    %dma_wait3A_20 = tpu.memref_slice %arg3[%dma_wait3A_18, %dma_wait3A_19] : memref<1000000x64xf32, #tpu.memory_space<hbm>> -> memref<256x64xf32, #tpu.memory_space<hbm>>
    %dma_wait3A_21 = arith.constant 0 : i32
    %dma_wait3A_22 = arith.constant 0 : i32
    %dma_wait3A_23 = tpu.memref_slice %arg7[%dma_wait3A, %dma_wait3A_21, %dma_wait3A_22] : memref<2x256x64xf32, #tpu.memory_space<vmem>> -> memref<1x256x64xf32, #tpu.memory_space<vmem>>
    %dma_wait3A_24 = tpu.memref_squeeze %dma_wait3A_23 : memref<1x256x64xf32, #tpu.memory_space<vmem>> -> memref<256x64xf32, #tpu.memory_space<vmem>>
    %dma_wait3A_25 = arith.constant 0 : i32
    %dma_wait3A_26 = arith.constant 0 : i32
    %dma_wait3A_27 = tpu.memref_slice %arg3[%dma_wait3A_25, %dma_wait3A_26] : memref<1000000x64xf32, #tpu.memory_space<hbm>> -> memref<256x64xf32, #tpu.memory_space<hbm>>
    tpu.wait_dma2 semaphore(%arg8 : memref<!tpu.dma_semaphore, #tpu.memory_space<semaphore_mem>>) src(%dma_wait3A_27 : memref<256x64xf32, #tpu.memory_space<hbm>>) dst(%dma_wait3A_24 : memref<256x64xf32, #tpu.memory_space<vmem>>)
    %add3A_28 = arith.constant 0 : i32
    %add3A_29 = arith.addi %mul3A_2, %add3A_28 : i32
    %run_scoped3A = arith.constant 0 : i32
    "tpu.region"() ({
      %run_scoped3A_96 = tpu.sem_alloc : memref<!tpu.dma_semaphore, #tpu.memory_space<semaphore_mem>>
      %dma_start3A = arith.constant 0 : i32
      %dma_start3A_97 = arith.constant 0 : i32
      %dma_start3A_98 = tpu.memref_slice %arg7[%run_scoped3A, %dma_start3A, %dma_start3A_97] : memref<2x256x64xf32, #tpu.memory_space<vmem>> -> memref<1x256x64xf32, #tpu.memory_space<vmem>>
      %dma_start3A_99 = tpu.memref_squeeze %dma_start3A_98 : memref<1x256x64xf32, #tpu.memory_space<vmem>> -> memref<256x64xf32, #tpu.memory_space<vmem>>
      %dma_start3A_100 = arith.constant 0 : i32
      %dma_start3A_101 = tpu.memref_slice %arg4[%add3A_29, %dma_start3A_100] : memref<16384x64xf32, #tpu.memory_space<hbm>> -> memref<256x64xf32, #tpu.memory_space<hbm>>
      %dma_start3A_102 = arith.constant 0 : i32
      %dma_start3A_103 = tpu.memref_slice %arg4[%add3A_29, %dma_start3A_102] : memref<16384x64xf32, #tpu.memory_space<hbm>> -> memref<256x64xf32, #tpu.memory_space<hbm>>
      %dma_start3A_104 = arith.constant 0 : i32
      %dma_start3A_105 = arith.constant 0 : i32
      %dma_start3A_106 = tpu.memref_slice %arg7[%run_scoped3A, %dma_start3A_104, %dma_start3A_105] : memref<2x256x64xf32, #tpu.memory_space<vmem>> -> memref<1x256x64xf32, #tpu.memory_space<vmem>>
      %dma_start3A_107 = tpu.memref_squeeze %dma_start3A_106 : memref<1x256x64xf32, #tpu.memory_space<vmem>> -> memref<256x64xf32, #tpu.memory_space<vmem>>
      tpu.enqueue_dma source(%dma_start3A_107 : memref<256x64xf32, #tpu.memory_space<vmem>>) target(%dma_start3A_103 : memref<256x64xf32, #tpu.memory_space<hbm>>) target_semaphore(%run_scoped3A_96 : memref<!tpu.dma_semaphore, #tpu.memory_space<semaphore_mem>>)
      %dma_wait3A_108 = arith.constant 0 : i32
      %dma_wait3A_109 = arith.constant 0 : i32
      %dma_wait3A_110 = tpu.memref_slice %arg7[%run_scoped3A, %dma_wait3A_108, %dma_wait3A_109] : memref<2x256x64xf32, #tpu.memory_space<vmem>> -> memref<1x256x64xf32, #tpu.memory_space<vmem>>
      %dma_wait3A_111 = tpu.memref_squeeze %dma_wait3A_110 : memref<1x256x64xf32, #tpu.memory_space<vmem>> -> memref<256x64xf32, #tpu.memory_space<vmem>>
      %dma_wait3A_112 = arith.constant 0 : i32
      %dma_wait3A_113 = tpu.memref_slice %arg4[%add3A_29, %dma_wait3A_112] : memref<16384x64xf32, #tpu.memory_space<hbm>> -> memref<256x64xf32, #tpu.memory_space<hbm>>
      %dma_wait3A_114 = arith.constant 0 : i32
      %dma_wait3A_115 = tpu.memref_slice %arg4[%add3A_29, %dma_wait3A_114] : memref<16384x64xf32, #tpu.memory_space<hbm>> -> memref<256x64xf32, #tpu.memory_space<hbm>>
      %dma_wait3A_116 = arith.constant 0 : i32
      %dma_wait3A_117 = arith.constant 0 : i32
      %dma_wait3A_118 = tpu.memref_slice %arg7[%run_scoped3A, %dma_wait3A_116, %dma_wait3A_117] : memref<2x256x64xf32, #tpu.memory_space<vmem>> -> memref<1x256x64xf32, #tpu.memory_space<vmem>>
      %dma_wait3A_119 = tpu.memref_squeeze %dma_wait3A_118 : memref<1x256x64xf32, #tpu.memory_space<vmem>> -> memref<256x64xf32, #tpu.memory_space<vmem>>
      tpu.wait_dma2 semaphore(%run_scoped3A_96 : memref<!tpu.dma_semaphore, #tpu.memory_space<semaphore_mem>>) src(%dma_wait3A_119 : memref<256x64xf32, #tpu.memory_space<vmem>>) dst(%dma_wait3A_115 : memref<256x64xf32, #tpu.memory_space<hbm>>)
      tpu.yield
    }) : () -> ()
    %dma_wait3A_30 = arith.constant 1 : i32
    %dma_wait3A_31 = arith.constant 0 : i32
    %dma_wait3A_32 = arith.constant 0 : i32
    %dma_wait3A_33 = tpu.memref_slice %arg7[%dma_wait3A_30, %dma_wait3A_31, %dma_wait3A_32] : memref<2x256x64xf32, #tpu.memory_space<vmem>> -> memref<1x256x64xf32, #tpu.memory_space<vmem>>
    %dma_wait3A_34 = tpu.memref_squeeze %dma_wait3A_33 : memref<1x256x64xf32, #tpu.memory_space<vmem>> -> memref<256x64xf32, #tpu.memory_space<vmem>>
    %dma_wait3A_35 = arith.constant 0 : i32
    %dma_wait3A_36 = arith.constant 0 : i32
    %dma_wait3A_37 = tpu.memref_slice %arg3[%dma_wait3A_35, %dma_wait3A_36] : memref<1000000x64xf32, #tpu.memory_space<hbm>> -> memref<256x64xf32, #tpu.memory_space<hbm>>
    %dma_wait3A_38 = arith.constant 0 : i32
    %dma_wait3A_39 = arith.constant 0 : i32
    %dma_wait3A_40 = tpu.memref_slice %arg7[%dma_wait3A_30, %dma_wait3A_38, %dma_wait3A_39] : memref<2x256x64xf32, #tpu.memory_space<vmem>> -> memref<1x256x64xf32, #tpu.memory_space<vmem>>
    %dma_wait3A_41 = tpu.memref_squeeze %dma_wait3A_40 : memref<1x256x64xf32, #tpu.memory_space<vmem>> -> memref<256x64xf32, #tpu.memory_space<vmem>>
    %dma_wait3A_42 = arith.constant 0 : i32
    %dma_wait3A_43 = arith.constant 0 : i32
    %dma_wait3A_44 = tpu.memref_slice %arg3[%dma_wait3A_42, %dma_wait3A_43] : memref<1000000x64xf32, #tpu.memory_space<hbm>> -> memref<256x64xf32, #tpu.memory_space<hbm>>
    tpu.wait_dma2 semaphore(%arg9 : memref<!tpu.dma_semaphore, #tpu.memory_space<semaphore_mem>>) src(%dma_wait3A_44 : memref<256x64xf32, #tpu.memory_space<hbm>>) dst(%dma_wait3A_41 : memref<256x64xf32, #tpu.memory_space<vmem>>)
    %add3A_45 = arith.constant 0 : i32
    %add3A_46 = arith.addi %mul3A_2, %add3A_45 : i32
    %run_scoped3A_47 = arith.constant 1 : i32
    "tpu.region"() ({
      %run_scoped3A_96 = tpu.sem_alloc : memref<!tpu.dma_semaphore, #tpu.memory_space<semaphore_mem>>
      %dma_start3A = arith.constant 0 : i32
      %dma_start3A_97 = arith.constant 0 : i32
      %dma_start3A_98 = tpu.memref_slice %arg7[%run_scoped3A_47, %dma_start3A, %dma_start3A_97] : memref<2x256x64xf32, #tpu.memory_space<vmem>> -> memref<1x256x64xf32, #tpu.memory_space<vmem>>
      %dma_start3A_99 = tpu.memref_squeeze %dma_start3A_98 : memref<1x256x64xf32, #tpu.memory_space<vmem>> -> memref<256x64xf32, #tpu.memory_space<vmem>>
      %dma_start3A_100 = arith.constant 0 : i32
      %dma_start3A_101 = tpu.memref_slice %arg5[%add3A_46, %dma_start3A_100] : memref<16384x64xf32, #tpu.memory_space<hbm>> -> memref<256x64xf32, #tpu.memory_space<hbm>>
      %dma_start3A_102 = arith.constant 0 : i32
      %dma_start3A_103 = tpu.memref_slice %arg5[%add3A_46, %dma_start3A_102] : memref<16384x64xf32, #tpu.memory_space<hbm>> -> memref<256x64xf32, #tpu.memory_space<hbm>>
      %dma_start3A_104 = arith.constant 0 : i32
      %dma_start3A_105 = arith.constant 0 : i32
      %dma_start3A_106 = tpu.memref_slice %arg7[%run_scoped3A_47, %dma_start3A_104, %dma_start3A_105] : memref<2x256x64xf32, #tpu.memory_space<vmem>> -> memref<1x256x64xf32, #tpu.memory_space<vmem>>
      %dma_start3A_107 = tpu.memref_squeeze %dma_start3A_106 : memref<1x256x64xf32, #tpu.memory_space<vmem>> -> memref<256x64xf32, #tpu.memory_space<vmem>>
      tpu.enqueue_dma source(%dma_start3A_107 : memref<256x64xf32, #tpu.memory_space<vmem>>) target(%dma_start3A_103 : memref<256x64xf32, #tpu.memory_space<hbm>>) target_semaphore(%run_scoped3A_96 : memref<!tpu.dma_semaphore, #tpu.memory_space<semaphore_mem>>)
      %dma_wait3A_108 = arith.constant 0 : i32
      %dma_wait3A_109 = arith.constant 0 : i32
      %dma_wait3A_110 = tpu.memref_slice %arg7[%run_scoped3A_47, %dma_wait3A_108, %dma_wait3A_109] : memref<2x256x64xf32, #tpu.memory_space<vmem>> -> memref<1x256x64xf32, #tpu.memory_space<vmem>>
      %dma_wait3A_111 = tpu.memref_squeeze %dma_wait3A_110 : memref<1x256x64xf32, #tpu.memory_space<vmem>> -> memref<256x64xf32, #tpu.memory_space<vmem>>
      %dma_wait3A_112 = arith.constant 0 : i32
      %dma_wait3A_113 = tpu.memref_slice %arg5[%add3A_46, %dma_wait3A_112] : memref<16384x64xf32, #tpu.memory_space<hbm>> -> memref<256x64xf32, #tpu.memory_space<hbm>>
      %dma_wait3A_114 = arith.constant 0 : i32
      %dma_wait3A_115 = tpu.memref_slice %arg5[%add3A_46, %dma_wait3A_114] : memref<16384x64xf32, #tpu.memory_space<hbm>> -> memref<256x64xf32, #tpu.memory_space<hbm>>
      %dma_wait3A_116 = arith.constant 0 : i32
      %dma_wait3A_117 = arith.constant 0 : i32
      %dma_wait3A_118 = tpu.memref_slice %arg7[%run_scoped3A_47, %dma_wait3A_116, %dma_wait3A_117] : memref<2x256x64xf32, #tpu.memory_space<vmem>> -> memref<1x256x64xf32, #tpu.memory_space<vmem>>
      %dma_wait3A_119 = tpu.memref_squeeze %dma_wait3A_118 : memref<1x256x64xf32, #tpu.memory_space<vmem>> -> memref<256x64xf32, #tpu.memory_space<vmem>>
      tpu.wait_dma2 semaphore(%run_scoped3A_96 : memref<!tpu.dma_semaphore, #tpu.memory_space<semaphore_mem>>) src(%dma_wait3A_119 : memref<256x64xf32, #tpu.memory_space<vmem>>) dst(%dma_wait3A_115 : memref<256x64xf32, #tpu.memory_space<hbm>>)
      tpu.yield
    }) : () -> ()
    %scan3A_48 = arith.constant 0 : i32
    %scan3A_49 = arith.constant 0 : i32
    %scan3A_50 = arith.constant 16 : i32
    %scan3A_51 = arith.addi %scan3A_49, %scan3A_50 : i32
    %scan3A_52 = arith.constant 1 : i32
    scf.for %scan3A_96 = %scan3A_49 to %scan3A_51 step %scan3A_52  : i32 {
      %mul3A_97 = arith.constant 16 : i32
      %mul3A_98 = arith.muli %scan3A_96, %mul3A_97 : i32
      %add3A_99 = arith.constant 256 : i32
      %add3A_100 = arith.addi %add3A_99, %mul3A_98 : i32
      %get3A = arith.index_cast %add3A_100 : i32 to index
      %get3A_101 = tpu.vector_load %arg6[%get3A] {strides = array<i32>} : memref<1024xi32, #tpu.memory_space<vmem>>, vector<16xi32>,
      %get3A_102 = vector.shape_cast %get3A_101 : vector<16xi32> to vector<16xi32>
      %slice3A = vector.extract_strided_slice %get3A_102 {offsets = [0], sizes = [1], strides = [1]} : vector<16xi32> to vector<1xi32>
      %squeeze3A = vector.extract %slice3A[0] : i32 from vector<1xi32>
      %mul3A_103 = arith.constant 16 : i32
      %mul3A_104 = arith.muli %scan3A_96, %mul3A_103 : i32
      %add3A_105 = arith.constant 0 : i32
      %add3A_106 = arith.addi %mul3A_104, %add3A_105 : i32
      %dma_start3A = arith.constant 0 : i32
      %dma_start3A_107 = arith.constant 0 : i32
      %dma_start3A_108 = tpu.memref_slice %arg7[%dma_start3A, %add3A_106, %dma_start3A_107] : memref<2x256x64xf32, #tpu.memory_space<vmem>> -> memref<1x1x64xf32, #tpu.memory_space<vmem>>
      %dma_start3A_109 = tpu.memref_squeeze %dma_start3A_108 : memref<1x1x64xf32, #tpu.memory_space<vmem>> -> memref<64xf32, #tpu.memory_space<vmem>>
      %dma_start3A_110 = arith.constant 0 : i32
      %dma_start3A_111 = tpu.memref_slice %arg3[%squeeze3A, %dma_start3A_110] : memref<1000000x64xf32, #tpu.memory_space<hbm>> -> memref<1x64xf32, #tpu.memory_space<hbm>>
      %dma_start3A_112 = tpu.memref_squeeze %dma_start3A_111 : memref<1x64xf32, #tpu.memory_space<hbm>> -> memref<64xf32, #tpu.memory_space<hbm>>
      %dma_start3A_113 = arith.constant 0 : i32
      %dma_start3A_114 = tpu.memref_slice %arg7[%dma_start3A, %add3A_106, %dma_start3A_113] : memref<2x256x64xf32, #tpu.memory_space<vmem>> -> memref<1x1x64xf32, #tpu.memory_space<vmem>>
      %dma_start3A_115 = tpu.memref_squeeze %dma_start3A_114 : memref<1x1x64xf32, #tpu.memory_space<vmem>> -> memref<64xf32, #tpu.memory_space<vmem>>
      %dma_start3A_116 = arith.constant 0 : i32
      %dma_start3A_117 = tpu.memref_slice %arg3[%squeeze3A, %dma_start3A_116] : memref<1000000x64xf32, #tpu.memory_space<hbm>> -> memref<1x64xf32, #tpu.memory_space<hbm>>
      %dma_start3A_118 = tpu.memref_squeeze %dma_start3A_117 : memref<1x64xf32, #tpu.memory_space<hbm>> -> memref<64xf32, #tpu.memory_space<hbm>>
      tpu.enqueue_dma source(%dma_start3A_118 : memref<64xf32, #tpu.memory_space<hbm>>) target(%dma_start3A_115 : memref<64xf32, #tpu.memory_space<vmem>>) target_semaphore(%arg8 : memref<!tpu.dma_semaphore, #tpu.memory_space<semaphore_mem>>)
      %slice3A_119 = vector.extract_strided_slice %get3A_102 {offsets = [1], sizes = [1], strides = [1]} : vector<16xi32> to vector<1xi32>
      %squeeze3A_120 = vector.extract %slice3A_119[0] : i32 from vector<1xi32>
      %mul3A_121 = arith.constant 16 : i32
      %mul3A_122 = arith.muli %scan3A_96, %mul3A_121 : i32
      %add3A_123 = arith.constant 1 : i32
      %add3A_124 = arith.addi %mul3A_122, %add3A_123 : i32
      %dma_start3A_125 = arith.constant 0 : i32
      %dma_start3A_126 = arith.constant 0 : i32
      %dma_start3A_127 = tpu.memref_slice %arg7[%dma_start3A_125, %add3A_124, %dma_start3A_126] : memref<2x256x64xf32, #tpu.memory_space<vmem>> -> memref<1x1x64xf32, #tpu.memory_space<vmem>>
      %dma_start3A_128 = tpu.memref_squeeze %dma_start3A_127 : memref<1x1x64xf32, #tpu.memory_space<vmem>> -> memref<64xf32, #tpu.memory_space<vmem>>
      %dma_start3A_129 = arith.constant 0 : i32
      %dma_start3A_130 = tpu.memref_slice %arg3[%squeeze3A_120, %dma_start3A_129] : memref<1000000x64xf32, #tpu.memory_space<hbm>> -> memref<1x64xf32, #tpu.memory_space<hbm>>
      %dma_start3A_131 = tpu.memref_squeeze %dma_start3A_130 : memref<1x64xf32, #tpu.memory_space<hbm>> -> memref<64xf32, #tpu.memory_space<hbm>>
      %dma_start3A_132 = arith.constant 0 : i32
      %dma_start3A_133 = tpu.memref_slice %arg7[%dma_start3A_125, %add3A_124, %dma_start3A_132] : memref<2x256x64xf32, #tpu.memory_space<vmem>> -> memref<1x1x64xf32, #tpu.memory_space<vmem>>
      %dma_start3A_134 = tpu.memref_squeeze %dma_start3A_133 : memref<1x1x64xf32, #tpu.memory_space<vmem>> -> memref<64xf32, #tpu.memory_space<vmem>>
      %dma_start3A_135 = arith.constant 0 : i32
      %dma_start3A_136 = tpu.memref_slice %arg3[%squeeze3A_120, %dma_start3A_135] : memref<1000000x64xf32, #tpu.memory_space<hbm>> -> memref<1x64xf32, #tpu.memory_space<hbm>>
      %dma_start3A_137 = tpu.memref_squeeze %dma_start3A_136 : memref<1x64xf32, #tpu.memory_space<hbm>> -> memref<64xf32, #tpu.memory_space<hbm>>
      tpu.enqueue_dma source(%dma_start3A_137 : memref<64xf32, #tpu.memory_space<hbm>>) target(%dma_start3A_134 : memref<64xf32, #tpu.memory_space<vmem>>) target_semaphore(%arg8 : memref<!tpu.dma_semaphore, #tpu.memory_space<semaphore_mem>>)
      %slice3A_138 = vector.extract_strided_slice %get3A_102 {offsets = [2], sizes = [1], strides = [1]} : vector<16xi32> to vector<1xi32>
      %squeeze3A_139 = vector.extract %slice3A_138[0] : i32 from vector<1xi32>
      %mul3A_140 = arith.constant 16 : i32
      %mul3A_141 = arith.muli %scan3A_96, %mul3A_140 : i32
      %add3A_142 = arith.constant 2 : i32
      %add3A_143 = arith.addi %mul3A_141, %add3A_142 : i32
      %dma_start3A_144 = arith.constant 0 : i32
      %dma_start3A_145 = arith.constant 0 : i32
      %dma_start3A_146 = tpu.memref_slice %arg7[%dma_start3A_144, %add3A_143, %dma_start3A_145] : memref<2x256x64xf32, #tpu.memory_space<vmem>> -> memref<1x1x64xf32, #tpu.memory_space<vmem>>
      %dma_start3A_147 = tpu.memref_squeeze %dma_start3A_146 : memref<1x1x64xf32, #tpu.memory_space<vmem>> -> memref<64xf32, #tpu.memory_space<vmem>>
      %dma_start3A_148 = arith.constant 0 : i32
      %dma_start3A_149 = tpu.memref_slice %arg3[%squeeze3A_139, %dma_start3A_148] : memref<1000000x64xf32, #tpu.memory_space<hbm>> -> memref<1x64xf32, #tpu.memory_space<hbm>>
      %dma_start3A_150 = tpu.memref_squeeze %dma_start3A_149 : memref<1x64xf32, #tpu.memory_space<hbm>> -> memref<64xf32, #tpu.memory_space<hbm>>
      %dma_start3A_151 = arith.constant 0 : i32
      %dma_start3A_152 = tpu.memref_slice %arg7[%dma_start3A_144, %add3A_143, %dma_start3A_151] : memref<2x256x64xf32, #tpu.memory_space<vmem>> -> memref<1x1x64xf32, #tpu.memory_space<vmem>>
      %dma_start3A_153 = tpu.memref_squeeze %dma_start3A_152 : memref<1x1x64xf32, #tpu.memory_space<vmem>> -> memref<64xf32, #tpu.memory_space<vmem>>
      %dma_start3A_154 = arith.constant 0 : i32
      %dma_start3A_155 = tpu.memref_slice %arg3[%squeeze3A_139, %dma_start3A_154] : memref<1000000x64xf32, #tpu.memory_space<hbm>> -> memref<1x64xf32, #tpu.memory_space<hbm>>
      %dma_start3A_156 = tpu.memref_squeeze %dma_start3A_155 : memref<1x64xf32, #tpu.memory_space<hbm>> -> memref<64xf32, #tpu.memory_space<hbm>>
      tpu.enqueue_dma source(%dma_start3A_156 : memref<64xf32, #tpu.memory_space<hbm>>) target(%dma_start3A_153 : memref<64xf32, #tpu.memory_space<vmem>>) target_semaphore(%arg8 : memref<!tpu.dma_semaphore, #tpu.memory_space<semaphore_mem>>)
      %slice3A_157 = vector.extract_strided_slice %get3A_102 {offsets = [3], sizes = [1], strides = [1]} : vector<16xi32> to vector<1xi32>
      %squeeze3A_158 = vector.extract %slice3A_157[0] : i32 from vector<1xi32>
      %mul3A_159 = arith.constant 16 : i32
      %mul3A_160 = arith.muli %scan3A_96, %mul3A_159 : i32
      %add3A_161 = arith.constant 3 : i32
      %add3A_162 = arith.addi %mul3A_160, %add3A_161 : i32
      %dma_start3A_163 = arith.constant 0 : i32
      %dma_start3A_164 = arith.constant 0 : i32
      %dma_start3A_165 = tpu.memref_slice %arg7[%dma_start3A_163, %add3A_162, %dma_start3A_164] : memref<2x256x64xf32, #tpu.memory_space<vmem>> -> memref<1x1x64xf32, #tpu.memory_space<vmem>>
      %dma_start3A_166 = tpu.memref_squeeze %dma_start3A_165 : memref<1x1x64xf32, #tpu.memory_space<vmem>> -> memref<64xf32, #tpu.memory_space<vmem>>
      %dma_start3A_167 = arith.constant 0 : i32
      %dma_start3A_168 = tpu.memref_slice %arg3[%squeeze3A_158, %dma_start3A_167] : memref<1000000x64xf32, #tpu.memory_space<hbm>> -> memref<1x64xf32, #tpu.memory_space<hbm>>
      %dma_start3A_169 = tpu.memref_squeeze %dma_start3A_168 : memref<1x64xf32, #tpu.memory_space<hbm>> -> memref<64xf32, #tpu.memory_space<hbm>>
      %dma_start3A_170 = arith.constant 0 : i32
      %dma_start3A_171 = tpu.memref_slice %arg7[%dma_start3A_163, %add3A_162, %dma_start3A_170] : memref<2x256x64xf32, #tpu.memory_space<vmem>> -> memref<1x1x64xf32, #tpu.memory_space<vmem>>
      %dma_start3A_172 = tpu.memref_squeeze %dma_start3A_171 : memref<1x1x64xf32, #tpu.memory_space<vmem>> -> memref<64xf32, #tpu.memory_space<vmem>>
      %dma_start3A_173 = arith.constant 0 : i32
      %dma_start3A_174 = tpu.memref_slice %arg3[%squeeze3A_158, %dma_start3A_173] : memref<1000000x64xf32, #tpu.memory_space<hbm>> -> memref<1x64xf32, #tpu.memory_space<hbm>>
      %dma_start3A_175 = tpu.memref_squeeze %dma_start3A_174 : memref<1x64xf32, #tpu.memory_space<hbm>> -> memref<64xf32, #tpu.memory_space<hbm>>
      tpu.enqueue_dma source(%dma_start3A_175 : memref<64xf32, #tpu.memory_space<hbm>>) target(%dma_start3A_172 : memref<64xf32, #tpu.memory_space<vmem>>) target_semaphore(%arg8 : memref<!tpu.dma_semaphore, #tpu.memory_space<semaphore_mem>>)
      %slice3A_176 = vector.extract_strided_slice %get3A_102 {offsets = [4], sizes = [1], strides = [1]} : vector<16xi32> to vector<1xi32>
      %squeeze3A_177 = vector.extract %slice3A_176[0] : i32 from vector<1xi32>
      %mul3A_178 = arith.constant 16 : i32
      %mul3A_179 = arith.muli %scan3A_96, %mul3A_178 : i32
      %add3A_180 = arith.constant 4 : i32
      %add3A_181 = arith.addi %mul3A_179, %add3A_180 : i32
      %dma_start3A_182 = arith.constant 0 : i32
      %dma_start3A_183 = arith.constant 0 : i32
      %dma_start3A_184 = tpu.memref_slice %arg7[%dma_start3A_182, %add3A_181, %dma_start3A_183] : memref<2x256x64xf32, #tpu.memory_space<vmem>> -> memref<1x1x64xf32, #tpu.memory_space<vmem>>
      %dma_start3A_185 = tpu.memref_squeeze %dma_start3A_184 : memref<1x1x64xf32, #tpu.memory_space<vmem>> -> memref<64xf32, #tpu.memory_space<vmem>>
      %dma_start3A_186 = arith.constant 0 : i32
      %dma_start3A_187 = tpu.memref_slice %arg3[%squeeze3A_177, %dma_start3A_186] : memref<1000000x64xf32, #tpu.memory_space<hbm>> -> memref<1x64xf32, #tpu.memory_space<hbm>>
      %dma_start3A_188 = tpu.memref_squeeze %dma_start3A_187 : memref<1x64xf32, #tpu.memory_space<hbm>> -> memref<64xf32, #tpu.memory_space<hbm>>
      %dma_start3A_189 = arith.constant 0 : i32
      %dma_start3A_190 = tpu.memref_slice %arg7[%dma_start3A_182, %add3A_181, %dma_start3A_189] : memref<2x256x64xf32, #tpu.memory_space<vmem>> -> memref<1x1x64xf32, #tpu.memory_space<vmem>>
      %dma_start3A_191 = tpu.memref_squeeze %dma_start3A_190 : memref<1x1x64xf32, #tpu.memory_space<vmem>> -> memref<64xf32, #tpu.memory_space<vmem>>
      %dma_start3A_192 = arith.constant 0 : i32
      %dma_start3A_193 = tpu.memref_slice %arg3[%squeeze3A_177, %dma_start3A_192] : memref<1000000x64xf32, #tpu.memory_space<hbm>> -> memref<1x64xf32, #tpu.memory_space<hbm>>
      %dma_start3A_194 = tpu.memref_squeeze %dma_start3A_193 : memref<1x64xf32, #tpu.memory_space<hbm>> -> memref<64xf32, #tpu.memory_space<hbm>>
      tpu.enqueue_dma source(%dma_start3A_194 : memref<64xf32, #tpu.memory_space<hbm>>) target(%dma_start3A_191 : memref<64xf32, #tpu.memory_space<vmem>>) target_semaphore(%arg8 : memref<!tpu.dma_semaphore, #tpu.memory_space<semaphore_mem>>)
      %slice3A_195 = vector.extract_strided_slice %get3A_102 {offsets = [5], sizes = [1], strides = [1]} : vector<16xi32> to vector<1xi32>
      %squeeze3A_196 = vector.extract %slice3A_195[0] : i32 from vector<1xi32>
      %mul3A_197 = arith.constant 16 : i32
      %mul3A_198 = arith.muli %scan3A_96, %mul3A_197 : i32
      %add3A_199 = arith.constant 5 : i32
      %add3A_200 = arith.addi %mul3A_198, %add3A_199 : i32
      %dma_start3A_201 = arith.constant 0 : i32
      %dma_start3A_202 = arith.constant 0 : i32
      %dma_start3A_203 = tpu.memref_slice %arg7[%dma_start3A_201, %add3A_200, %dma_start3A_202] : memref<2x256x64xf32, #tpu.memory_space<vmem>> -> memref<1x1x64xf32, #tpu.memory_space<vmem>>
      %dma_start3A_204 = tpu.memref_squeeze %dma_start3A_203 : memref<1x1x64xf32, #tpu.memory_space<vmem>> -> memref<64xf32, #tpu.memory_space<vmem>>
      %dma_start3A_205 = arith.constant 0 : i32
      %dma_start3A_206 = tpu.memref_slice %arg3[%squeeze3A_196, %dma_start3A_205] : memref<1000000x64xf32, #tpu.memory_space<hbm>> -> memref<1x64xf32, #tpu.memory_space<hbm>>
      %dma_start3A_207 = tpu.memref_squeeze %dma_start3A_206 : memref<1x64xf32, #tpu.memory_space<hbm>> -> memref<64xf32, #tpu.memory_space<hbm>>
      %dma_start3A_208 = arith.constant 0 : i32
      %dma_start3A_209 = tpu.memref_slice %arg7[%dma_start3A_201, %add3A_200, %dma_start3A_208] : memref<2x256x64xf32, #tpu.memory_space<vmem>> -> memref<1x1x64xf32, #tpu.memory_space<vmem>>
      %dma_start3A_210 = tpu.memref_squeeze %dma_start3A_209 : memref<1x1x64xf32, #tpu.memory_space<vmem>> -> memref<64xf32, #tpu.memory_space<vmem>>
      %dma_start3A_211 = arith.constant 0 : i32
      %dma_start3A_212 = tpu.memref_slice %arg3[%squeeze3A_196, %dma_start3A_211] : memref<1000000x64xf32, #tpu.memory_space<hbm>> -> memref<1x64xf32, #tpu.memory_space<hbm>>
      %dma_start3A_213 = tpu.memref_squeeze %dma_start3A_212 : memref<1x64xf32, #tpu.memory_space<hbm>> -> memref<64xf32, #tpu.memory_space<hbm>>
      tpu.enqueue_dma source(%dma_start3A_213 : memref<64xf32, #tpu.memory_space<hbm>>) target(%dma_start3A_210 : memref<64xf32, #tpu.memory_space<vmem>>) target_semaphore(%arg8 : memref<!tpu.dma_semaphore, #tpu.memory_space<semaphore_mem>>)
      %slice3A_214 = vector.extract_strided_slice %get3A_102 {offsets = [6], sizes = [1], strides = [1]} : vector<16xi32> to vector<1xi32>
      %squeeze3A_215 = vector.extract %slice3A_214[0] : i32 from vector<1xi32>
      %mul3A_216 = arith.constant 16 : i32
      %mul3A_217 = arith.muli %scan3A_96, %mul3A_216 : i32
      %add3A_218 = arith.constant 6 : i32
      %add3A_219 = arith.addi %mul3A_217, %add3A_218 : i32
      %dma_start3A_220 = arith.constant 0 : i32
      %dma_start3A_221 = arith.constant 0 : i32
      %dma_start3A_222 = tpu.memref_slice %arg7[%dma_start3A_220, %add3A_219, %dma_start3A_221] : memref<2x256x64xf32, #tpu.memory_space<vmem>> -> memref<1x1x64xf32, #tpu.memory_space<vmem>>
      %dma_start3A_223 = tpu.memref_squeeze %dma_start3A_222 : memref<1x1x64xf32, #tpu.memory_space<vmem>> -> memref<64xf32, #tpu.memory_space<vmem>>
      %dma_start3A_224 = arith.constant 0 : i32
      %dma_start3A_225 = tpu.memref_slice %arg3[%squeeze3A_215, %dma_start3A_224] : memref<1000000x64xf32, #tpu.memory_space<hbm>> -> memref<1x64xf32, #tpu.memory_space<hbm>>
      %dma_start3A_226 = tpu.memref_squeeze %dma_start3A_225 : memref<1x64xf32, #tpu.memory_space<hbm>> -> memref<64xf32, #tpu.memory_space<hbm>>
      %dma_start3A_227 = arith.constant 0 : i32
      %dma_start3A_228 = tpu.memref_slice %arg7[%dma_start3A_220, %add3A_219, %dma_start3A_227] : memref<2x256x64xf32, #tpu.memory_space<vmem>> -> memref<1x1x64xf32, #tpu.memory_space<vmem>>
      %dma_start3A_229 = tpu.memref_squeeze %dma_start3A_228 : memref<1x1x64xf32, #tpu.memory_space<vmem>> -> memref<64xf32, #tpu.memory_space<vmem>>
      %dma_start3A_230 = arith.constant 0 : i32
      %dma_start3A_231 = tpu.memref_slice %arg3[%squeeze3A_215, %dma_start3A_230] : memref<1000000x64xf32, #tpu.memory_space<hbm>> -> memref<1x64xf32, #tpu.memory_space<hbm>>
      %dma_start3A_232 = tpu.memref_squeeze %dma_start3A_231 : memref<1x64xf32, #tpu.memory_space<hbm>> -> memref<64xf32, #tpu.memory_space<hbm>>
      tpu.enqueue_dma source(%dma_start3A_232 : memref<64xf32, #tpu.memory_space<hbm>>) target(%dma_start3A_229 : memref<64xf32, #tpu.memory_space<vmem>>) target_semaphore(%arg8 : memref<!tpu.dma_semaphore, #tpu.memory_space<semaphore_mem>>)
      %slice3A_233 = vector.extract_strided_slice %get3A_102 {offsets = [7], sizes = [1], strides = [1]} : vector<16xi32> to vector<1xi32>
      %squeeze3A_234 = vector.extract %slice3A_233[0] : i32 from vector<1xi32>
      %mul3A_235 = arith.constant 16 : i32
      %mul3A_236 = arith.muli %scan3A_96, %mul3A_235 : i32
      %add3A_237 = arith.constant 7 : i32
      %add3A_238 = arith.addi %mul3A_236, %add3A_237 : i32
      %dma_start3A_239 = arith.constant 0 : i32
      %dma_start3A_240 = arith.constant 0 : i32
      %dma_start3A_241 = tpu.memref_slice %arg7[%dma_start3A_239, %add3A_238, %dma_start3A_240] : memref<2x256x64xf32, #tpu.memory_space<vmem>> -> memref<1x1x64xf32, #tpu.memory_space<vmem>>
      %dma_start3A_242 = tpu.memref_squeeze %dma_start3A_241 : memref<1x1x64xf32, #tpu.memory_space<vmem>> -> memref<64xf32, #tpu.memory_space<vmem>>
      %dma_start3A_243 = arith.constant 0 : i32
      %dma_start3A_244 = tpu.memref_slice %arg3[%squeeze3A_234, %dma_start3A_243] : memref<1000000x64xf32, #tpu.memory_space<hbm>> -> memref<1x64xf32, #tpu.memory_space<hbm>>
      %dma_start3A_245 = tpu.memref_squeeze %dma_start3A_244 : memref<1x64xf32, #tpu.memory_space<hbm>> -> memref<64xf32, #tpu.memory_space<hbm>>
      %dma_start3A_246 = arith.constant 0 : i32
      %dma_start3A_247 = tpu.memref_slice %arg7[%dma_start3A_239, %add3A_238, %dma_start3A_246] : memref<2x256x64xf32, #tpu.memory_space<vmem>> -> memref<1x1x64xf32, #tpu.memory_space<vmem>>
      %dma_start3A_248 = tpu.memref_squeeze %dma_start3A_247 : memref<1x1x64xf32, #tpu.memory_space<vmem>> -> memref<64xf32, #tpu.memory_space<vmem>>
      %dma_start3A_249 = arith.constant 0 : i32
      %dma_start3A_250 = tpu.memref_slice %arg3[%squeeze3A_234, %dma_start3A_249] : memref<1000000x64xf32, #tpu.memory_space<hbm>> -> memref<1x64xf32, #tpu.memory_space<hbm>>
      %dma_start3A_251 = tpu.memref_squeeze %dma_start3A_250 : memref<1x64xf32, #tpu.memory_space<hbm>> -> memref<64xf32, #tpu.memory_space<hbm>>
      tpu.enqueue_dma source(%dma_start3A_251 : memref<64xf32, #tpu.memory_space<hbm>>) target(%dma_start3A_248 : memref<64xf32, #tpu.memory_space<vmem>>) target_semaphore(%arg8 : memref<!tpu.dma_semaphore, #tpu.memory_space<semaphore_mem>>)
      %slice3A_252 = vector.extract_strided_slice %get3A_102 {offsets = [8], sizes = [1], strides = [1]} : vector<16xi32> to vector<1xi32>
      %squeeze3A_253 = vector.extract %slice3A_252[0] : i32 from vector<1xi32>
      %mul3A_254 = arith.constant 16 : i32
      %mul3A_255 = arith.muli %scan3A_96, %mul3A_254 : i32
      %add3A_256 = arith.constant 8 : i32
      %add3A_257 = arith.addi %mul3A_255, %add3A_256 : i32
      %dma_start3A_258 = arith.constant 0 : i32
      %dma_start3A_259 = arith.constant 0 : i32
      %dma_start3A_260 = tpu.memref_slice %arg7[%dma_start3A_258, %add3A_257, %dma_start3A_259] : memref<2x256x64xf32, #tpu.memory_space<vmem>> -> memref<1x1x64xf32, #tpu.memory_space<vmem>>
      %dma_start3A_261 = tpu.memref_squeeze %dma_start3A_260 : memref<1x1x64xf32, #tpu.memory_space<vmem>> -> memref<64xf32, #tpu.memory_space<vmem>>
      %dma_start3A_262 = arith.constant 0 : i32
      %dma_start3A_263 = tpu.memref_slice %arg3[%squeeze3A_253, %dma_start3A_262] : memref<1000000x64xf32, #tpu.memory_space<hbm>> -> memref<1x64xf32, #tpu.memory_space<hbm>>
      %dma_start3A_264 = tpu.memref_squeeze %dma_start3A_263 : memref<1x64xf32, #tpu.memory_space<hbm>> -> memref<64xf32, #tpu.memory_space<hbm>>
      %dma_start3A_265 = arith.constant 0 : i32
      %dma_start3A_266 = tpu.memref_slice %arg7[%dma_start3A_258, %add3A_257, %dma_start3A_265] : memref<2x256x64xf32, #tpu.memory_space<vmem>> -> memref<1x1x64xf32, #tpu.memory_space<vmem>>
      %dma_start3A_267 = tpu.memref_squeeze %dma_start3A_266 : memref<1x1x64xf32, #tpu.memory_space<vmem>> -> memref<64xf32, #tpu.memory_space<vmem>>
      %dma_start3A_268 = arith.constant 0 : i32
      %dma_start3A_269 = tpu.memref_slice %arg3[%squeeze3A_253, %dma_start3A_268] : memref<1000000x64xf32, #tpu.memory_space<hbm>> -> memref<1x64xf32, #tpu.memory_space<hbm>>
      %dma_start3A_270 = tpu.memref_squeeze %dma_start3A_269 : memref<1x64xf32, #tpu.memory_space<hbm>> -> memref<64xf32, #tpu.memory_space<hbm>>
      tpu.enqueue_dma source(%dma_start3A_270 : memref<64xf32, #tpu.memory_space<hbm>>) target(%dma_start3A_267 : memref<64xf32, #tpu.memory_space<vmem>>) target_semaphore(%arg8 : memref<!tpu.dma_semaphore, #tpu.memory_space<semaphore_mem>>)
      %slice3A_271 = vector.extract_strided_slice %get3A_102 {offsets = [9], sizes = [1], strides = [1]} : vector<16xi32> to vector<1xi32>
      %squeeze3A_272 = vector.extract %slice3A_271[0] : i32 from vector<1xi32>
      %mul3A_273 = arith.constant 16 : i32
      %mul3A_274 = arith.muli %scan3A_96, %mul3A_273 : i32
      %add3A_275 = arith.constant 9 : i32
      %add3A_276 = arith.addi %mul3A_274, %add3A_275 : i32
      %dma_start3A_277 = arith.constant 0 : i32
      %dma_start3A_278 = arith.constant 0 : i32
      %dma_start3A_279 = tpu.memref_slice %arg7[%dma_start3A_277, %add3A_276, %dma_start3A_278] : memref<2x256x64xf32, #tpu.memory_space<vmem>> -> memref<1x1x64xf32, #tpu.memory_space<vmem>>
      %dma_start3A_280 = tpu.memref_squeeze %dma_start3A_279 : memref<1x1x64xf32, #tpu.memory_space<vmem>> -> memref<64xf32, #tpu.memory_space<vmem>>
      %dma_start3A_281 = arith.constant 0 : i32
      %dma_start3A_282 = tpu.memref_slice %arg3[%squeeze3A_272, %dma_start3A_281] : memref<1000000x64xf32, #tpu.memory_space<hbm>> -> memref<1x64xf32, #tpu.memory_space<hbm>>
      %dma_start3A_283 = tpu.memref_squeeze %dma_start3A_282 : memref<1x64xf32, #tpu.memory_space<hbm>> -> memref<64xf32, #tpu.memory_space<hbm>>
      %dma_start3A_284 = arith.constant 0 : i32
      %dma_start3A_285 = tpu.memref_slice %arg7[%dma_start3A_277, %add3A_276, %dma_start3A_284] : memref<2x256x64xf32, #tpu.memory_space<vmem>> -> memref<1x1x64xf32, #tpu.memory_space<vmem>>
      %dma_start3A_286 = tpu.memref_squeeze %dma_start3A_285 : memref<1x1x64xf32, #tpu.memory_space<vmem>> -> memref<64xf32, #tpu.memory_space<vmem>>
      %dma_start3A_287 = arith.constant 0 : i32
      %dma_start3A_288 = tpu.memref_slice %arg3[%squeeze3A_272, %dma_start3A_287] : memref<1000000x64xf32, #tpu.memory_space<hbm>> -> memref<1x64xf32, #tpu.memory_space<hbm>>
      %dma_start3A_289 = tpu.memref_squeeze %dma_start3A_288 : memref<1x64xf32, #tpu.memory_space<hbm>> -> memref<64xf32, #tpu.memory_space<hbm>>
      tpu.enqueue_dma source(%dma_start3A_289 : memref<64xf32, #tpu.memory_space<hbm>>) target(%dma_start3A_286 : memref<64xf32, #tpu.memory_space<vmem>>) target_semaphore(%arg8 : memref<!tpu.dma_semaphore, #tpu.memory_space<semaphore_mem>>)
      %slice3A_290 = vector.extract_strided_slice %get3A_102 {offsets = [10], sizes = [1], strides = [1]} : vector<16xi32> to vector<1xi32>
      %squeeze3A_291 = vector.extract %slice3A_290[0] : i32 from vector<1xi32>
      %mul3A_292 = arith.constant 16 : i32
      %mul3A_293 = arith.muli %scan3A_96, %mul3A_292 : i32
      %add3A_294 = arith.constant 10 : i32
      %add3A_295 = arith.addi %mul3A_293, %add3A_294 : i32
      %dma_start3A_296 = arith.constant 0 : i32
      %dma_start3A_297 = arith.constant 0 : i32
      %dma_start3A_298 = tpu.memref_slice %arg7[%dma_start3A_296, %add3A_295, %dma_start3A_297] : memref<2x256x64xf32, #tpu.memory_space<vmem>> -> memref<1x1x64xf32, #tpu.memory_space<vmem>>
      %dma_start3A_299 = tpu.memref_squeeze %dma_start3A_298 : memref<1x1x64xf32, #tpu.memory_space<vmem>> -> memref<64xf32, #tpu.memory_space<vmem>>
      %dma_start3A_300 = arith.constant 0 : i32
      %dma_start3A_301 = tpu.memref_slice %arg3[%squeeze3A_291, %dma_start3A_300] : memref<1000000x64xf32, #tpu.memory_space<hbm>> -> memref<1x64xf32, #tpu.memory_space<hbm>>
      %dma_start3A_302 = tpu.memref_squeeze %dma_start3A_301 : memref<1x64xf32, #tpu.memory_space<hbm>> -> memref<64xf32, #tpu.memory_space<hbm>>
      %dma_start3A_303 = arith.constant 0 : i32
      %dma_start3A_304 = tpu.memref_slice %arg7[%dma_start3A_296, %add3A_295, %dma_start3A_303] : memref<2x256x64xf32, #tpu.memory_space<vmem>> -> memref<1x1x64xf32, #tpu.memory_space<vmem>>
      %dma_start3A_305 = tpu.memref_squeeze %dma_start3A_304 : memref<1x1x64xf32, #tpu.memory_space<vmem>> -> memref<64xf32, #tpu.memory_space<vmem>>
      %dma_start3A_306 = arith.constant 0 : i32
      %dma_start3A_307 = tpu.memref_slice %arg3[%squeeze3A_291, %dma_start3A_306] : memref<1000000x64xf32, #tpu.memory_space<hbm>> -> memref<1x64xf32, #tpu.memory_space<hbm>>
      %dma_start3A_308 = tpu.memref_squeeze %dma_start3A_307 : memref<1x64xf32, #tpu.memory_space<hbm>> -> memref<64xf32, #tpu.memory_space<hbm>>
      tpu.enqueue_dma source(%dma_start3A_308 : memref<64xf32, #tpu.memory_space<hbm>>) target(%dma_start3A_305 : memref<64xf32, #tpu.memory_space<vmem>>) target_semaphore(%arg8 : memref<!tpu.dma_semaphore, #tpu.memory_space<semaphore_mem>>)
      %slice3A_309 = vector.extract_strided_slice %get3A_102 {offsets = [11], sizes = [1], strides = [1]} : vector<16xi32> to vector<1xi32>
      %squeeze3A_310 = vector.extract %slice3A_309[0] : i32 from vector<1xi32>
      %mul3A_311 = arith.constant 16 : i32
      %mul3A_312 = arith.muli %scan3A_96, %mul3A_311 : i32
      %add3A_313 = arith.constant 11 : i32
      %add3A_314 = arith.addi %mul3A_312, %add3A_313 : i32
      %dma_start3A_315 = arith.constant 0 : i32
      %dma_start3A_316 = arith.constant 0 : i32
      %dma_start3A_317 = tpu.memref_slice %arg7[%dma_start3A_315, %add3A_314, %dma_start3A_316] : memref<2x256x64xf32, #tpu.memory_space<vmem>> -> memref<1x1x64xf32, #tpu.memory_space<vmem>>
      %dma_start3A_318 = tpu.memref_squeeze %dma_start3A_317 : memref<1x1x64xf32, #tpu.memory_space<vmem>> -> memref<64xf32, #tpu.memory_space<vmem>>
      %dma_start3A_319 = arith.constant 0 : i32
      %dma_start3A_320 = tpu.memref_slice %arg3[%squeeze3A_310, %dma_start3A_319] : memref<1000000x64xf32, #tpu.memory_space<hbm>> -> memref<1x64xf32, #tpu.memory_space<hbm>>
      %dma_start3A_321 = tpu.memref_squeeze %dma_start3A_320 : memref<1x64xf32, #tpu.memory_space<hbm>> -> memref<64xf32, #tpu.memory_space<hbm>>
      %dma_start3A_322 = arith.constant 0 : i32
      %dma_start3A_323 = tpu.memref_slice %arg7[%dma_start3A_315, %add3A_314, %dma_start3A_322] : memref<2x256x64xf32, #tpu.memory_space<vmem>> -> memref<1x1x64xf32, #tpu.memory_space<vmem>>
      %dma_start3A_324 = tpu.memref_squeeze %dma_start3A_323 : memref<1x1x64xf32, #tpu.memory_space<vmem>> -> memref<64xf32, #tpu.memory_space<vmem>>
      %dma_start3A_325 = arith.constant 0 : i32
      %dma_start3A_326 = tpu.memref_slice %arg3[%squeeze3A_310, %dma_start3A_325] : memref<1000000x64xf32, #tpu.memory_space<hbm>> -> memref<1x64xf32, #tpu.memory_space<hbm>>
      %dma_start3A_327 = tpu.memref_squeeze %dma_start3A_326 : memref<1x64xf32, #tpu.memory_space<hbm>> -> memref<64xf32, #tpu.memory_space<hbm>>
      tpu.enqueue_dma source(%dma_start3A_327 : memref<64xf32, #tpu.memory_space<hbm>>) target(%dma_start3A_324 : memref<64xf32, #tpu.memory_space<vmem>>) target_semaphore(%arg8 : memref<!tpu.dma_semaphore, #tpu.memory_space<semaphore_mem>>)
      %slice3A_328 = vector.extract_strided_slice %get3A_102 {offsets = [12], sizes = [1], strides = [1]} : vector<16xi32> to vector<1xi32>
      %squeeze3A_329 = vector.extract %slice3A_328[0] : i32 from vector<1xi32>
      %mul3A_330 = arith.constant 16 : i32
      %mul3A_331 = arith.muli %scan3A_96, %mul3A_330 : i32
      %add3A_332 = arith.constant 12 : i32
      %add3A_333 = arith.addi %mul3A_331, %add3A_332 : i32
      %dma_start3A_334 = arith.constant 0 : i32
      %dma_start3A_335 = arith.constant 0 : i32
      %dma_start3A_336 = tpu.memref_slice %arg7[%dma_start3A_334, %add3A_333, %dma_start3A_335] : memref<2x256x64xf32, #tpu.memory_space<vmem>> -> memref<1x1x64xf32, #tpu.memory_space<vmem>>
      %dma_start3A_337 = tpu.memref_squeeze %dma_start3A_336 : memref<1x1x64xf32, #tpu.memory_space<vmem>> -> memref<64xf32, #tpu.memory_space<vmem>>
      %dma_start3A_338 = arith.constant 0 : i32
      %dma_start3A_339 = tpu.memref_slice %arg3[%squeeze3A_329, %dma_start3A_338] : memref<1000000x64xf32, #tpu.memory_space<hbm>> -> memref<1x64xf32, #tpu.memory_space<hbm>>
      %dma_start3A_340 = tpu.memref_squeeze %dma_start3A_339 : memref<1x64xf32, #tpu.memory_space<hbm>> -> memref<64xf32, #tpu.memory_space<hbm>>
      %dma_start3A_341 = arith.constant 0 : i32
      %dma_start3A_342 = tpu.memref_slice %arg7[%dma_start3A_334, %add3A_333, %dma_start3A_341] : memref<2x256x64xf32, #tpu.memory_space<vmem>> -> memref<1x1x64xf32, #tpu.memory_space<vmem>>
      %dma_start3A_343 = tpu.memref_squeeze %dma_start3A_342 : memref<1x1x64xf32, #tpu.memory_space<vmem>> -> memref<64xf32, #tpu.memory_space<vmem>>
      %dma_start3A_344 = arith.constant 0 : i32
      %dma_start3A_345 = tpu.memref_slice %arg3[%squeeze3A_329, %dma_start3A_344] : memref<1000000x64xf32, #tpu.memory_space<hbm>> -> memref<1x64xf32, #tpu.memory_space<hbm>>
      %dma_start3A_346 = tpu.memref_squeeze %dma_start3A_345 : memref<1x64xf32, #tpu.memory_space<hbm>> -> memref<64xf32, #tpu.memory_space<hbm>>
      tpu.enqueue_dma source(%dma_start3A_346 : memref<64xf32, #tpu.memory_space<hbm>>) target(%dma_start3A_343 : memref<64xf32, #tpu.memory_space<vmem>>) target_semaphore(%arg8 : memref<!tpu.dma_semaphore, #tpu.memory_space<semaphore_mem>>)
      %slice3A_347 = vector.extract_strided_slice %get3A_102 {offsets = [13], sizes = [1], strides = [1]} : vector<16xi32> to vector<1xi32>
      %squeeze3A_348 = vector.extract %slice3A_347[0] : i32 from vector<1xi32>
      %mul3A_349 = arith.constant 16 : i32
      %mul3A_350 = arith.muli %scan3A_96, %mul3A_349 : i32
      %add3A_351 = arith.constant 13 : i32
      %add3A_352 = arith.addi %mul3A_350, %add3A_351 : i32
      %dma_start3A_353 = arith.constant 0 : i32
      %dma_start3A_354 = arith.constant 0 : i32
      %dma_start3A_355 = tpu.memref_slice %arg7[%dma_start3A_353, %add3A_352, %dma_start3A_354] : memref<2x256x64xf32, #tpu.memory_space<vmem>> -> memref<1x1x64xf32, #tpu.memory_space<vmem>>
      %dma_start3A_356 = tpu.memref_squeeze %dma_start3A_355 : memref<1x1x64xf32, #tpu.memory_space<vmem>> -> memref<64xf32, #tpu.memory_space<vmem>>
      %dma_start3A_357 = arith.constant 0 : i32
      %dma_start3A_358 = tpu.memref_slice %arg3[%squeeze3A_348, %dma_start3A_357] : memref<1000000x64xf32, #tpu.memory_space<hbm>> -> memref<1x64xf32, #tpu.memory_space<hbm>>
      %dma_start3A_359 = tpu.memref_squeeze %dma_start3A_358 : memref<1x64xf32, #tpu.memory_space<hbm>> -> memref<64xf32, #tpu.memory_space<hbm>>
      %dma_start3A_360 = arith.constant 0 : i32
      %dma_start3A_361 = tpu.memref_slice %arg7[%dma_start3A_353, %add3A_352, %dma_start3A_360] : memref<2x256x64xf32, #tpu.memory_space<vmem>> -> memref<1x1x64xf32, #tpu.memory_space<vmem>>
      %dma_start3A_362 = tpu.memref_squeeze %dma_start3A_361 : memref<1x1x64xf32, #tpu.memory_space<vmem>> -> memref<64xf32, #tpu.memory_space<vmem>>
      %dma_start3A_363 = arith.constant 0 : i32
      %dma_start3A_364 = tpu.memref_slice %arg3[%squeeze3A_348, %dma_start3A_363] : memref<1000000x64xf32, #tpu.memory_space<hbm>> -> memref<1x64xf32, #tpu.memory_space<hbm>>
      %dma_start3A_365 = tpu.memref_squeeze %dma_start3A_364 : memref<1x64xf32, #tpu.memory_space<hbm>> -> memref<64xf32, #tpu.memory_space<hbm>>
      tpu.enqueue_dma source(%dma_start3A_365 : memref<64xf32, #tpu.memory_space<hbm>>) target(%dma_start3A_362 : memref<64xf32, #tpu.memory_space<vmem>>) target_semaphore(%arg8 : memref<!tpu.dma_semaphore, #tpu.memory_space<semaphore_mem>>)
      %slice3A_366 = vector.extract_strided_slice %get3A_102 {offsets = [14], sizes = [1], strides = [1]} : vector<16xi32> to vector<1xi32>
      %squeeze3A_367 = vector.extract %slice3A_366[0] : i32 from vector<1xi32>
      %mul3A_368 = arith.constant 16 : i32
      %mul3A_369 = arith.muli %scan3A_96, %mul3A_368 : i32
      %add3A_370 = arith.constant 14 : i32
      %add3A_371 = arith.addi %mul3A_369, %add3A_370 : i32
      %dma_start3A_372 = arith.constant 0 : i32
      %dma_start3A_373 = arith.constant 0 : i32
      %dma_start3A_374 = tpu.memref_slice %arg7[%dma_start3A_372, %add3A_371, %dma_start3A_373] : memref<2x256x64xf32, #tpu.memory_space<vmem>> -> memref<1x1x64xf32, #tpu.memory_space<vmem>>
      %dma_start3A_375 = tpu.memref_squeeze %dma_start3A_374 : memref<1x1x64xf32, #tpu.memory_space<vmem>> -> memref<64xf32, #tpu.memory_space<vmem>>
      %dma_start3A_376 = arith.constant 0 : i32
      %dma_start3A_377 = tpu.memref_slice %arg3[%squeeze3A_367, %dma_start3A_376] : memref<1000000x64xf32, #tpu.memory_space<hbm>> -> memref<1x64xf32, #tpu.memory_space<hbm>>
      %dma_start3A_378 = tpu.memref_squeeze %dma_start3A_377 : memref<1x64xf32, #tpu.memory_space<hbm>> -> memref<64xf32, #tpu.memory_space<hbm>>
      %dma_start3A_379 = arith.constant 0 : i32
      %dma_start3A_380 = tpu.memref_slice %arg7[%dma_start3A_372, %add3A_371, %dma_start3A_379] : memref<2x256x64xf32, #tpu.memory_space<vmem>> -> memref<1x1x64xf32, #tpu.memory_space<vmem>>
      %dma_start3A_381 = tpu.memref_squeeze %dma_start3A_380 : memref<1x1x64xf32, #tpu.memory_space<vmem>> -> memref<64xf32, #tpu.memory_space<vmem>>
      %dma_start3A_382 = arith.constant 0 : i32
      %dma_start3A_383 = tpu.memref_slice %arg3[%squeeze3A_367, %dma_start3A_382] : memref<1000000x64xf32, #tpu.memory_space<hbm>> -> memref<1x64xf32, #tpu.memory_space<hbm>>
      %dma_start3A_384 = tpu.memref_squeeze %dma_start3A_383 : memref<1x64xf32, #tpu.memory_space<hbm>> -> memref<64xf32, #tpu.memory_space<hbm>>
      tpu.enqueue_dma source(%dma_start3A_384 : memref<64xf32, #tpu.memory_space<hbm>>) target(%dma_start3A_381 : memref<64xf32, #tpu.memory_space<vmem>>) target_semaphore(%arg8 : memref<!tpu.dma_semaphore, #tpu.memory_space<semaphore_mem>>)
      %slice3A_385 = vector.extract_strided_slice %get3A_102 {offsets = [15], sizes = [1], strides = [1]} : vector<16xi32> to vector<1xi32>
      %squeeze3A_386 = vector.extract %slice3A_385[0] : i32 from vector<1xi32>
      %mul3A_387 = arith.constant 16 : i32
      %mul3A_388 = arith.muli %scan3A_96, %mul3A_387 : i32
      %add3A_389 = arith.constant 15 : i32
      %add3A_390 = arith.addi %mul3A_388, %add3A_389 : i32
      %dma_start3A_391 = arith.constant 0 : i32
      %dma_start3A_392 = arith.constant 0 : i32
      %dma_start3A_393 = tpu.memref_slice %arg7[%dma_start3A_391, %add3A_390, %dma_start3A_392] : memref<2x256x64xf32, #tpu.memory_space<vmem>> -> memref<1x1x64xf32, #tpu.memory_space<vmem>>
      %dma_start3A_394 = tpu.memref_squeeze %dma_start3A_393 : memref<1x1x64xf32, #tpu.memory_space<vmem>> -> memref<64xf32, #tpu.memory_space<vmem>>
      %dma_start3A_395 = arith.constant 0 : i32
      %dma_start3A_396 = tpu.memref_slice %arg3[%squeeze3A_386, %dma_start3A_395] : memref<1000000x64xf32, #tpu.memory_space<hbm>> -> memref<1x64xf32, #tpu.memory_space<hbm>>
      %dma_start3A_397 = tpu.memref_squeeze %dma_start3A_396 : memref<1x64xf32, #tpu.memory_space<hbm>> -> memref<64xf32, #tpu.memory_space<hbm>>
      %dma_start3A_398 = arith.constant 0 : i32
      %dma_start3A_399 = tpu.memref_slice %arg7[%dma_start3A_391, %add3A_390, %dma_start3A_398] : memref<2x256x64xf32, #tpu.memory_space<vmem>> -> memref<1x1x64xf32, #tpu.memory_space<vmem>>
      %dma_start3A_400 = tpu.memref_squeeze %dma_start3A_399 : memref<1x1x64xf32, #tpu.memory_space<vmem>> -> memref<64xf32, #tpu.memory_space<vmem>>
      %dma_start3A_401 = arith.constant 0 : i32
      %dma_start3A_402 = tpu.memref_slice %arg3[%squeeze3A_386, %dma_start3A_401] : memref<1000000x64xf32, #tpu.memory_space<hbm>> -> memref<1x64xf32, #tpu.memory_space<hbm>>
      %dma_start3A_403 = tpu.memref_squeeze %dma_start3A_402 : memref<1x64xf32, #tpu.memory_space<hbm>> -> memref<64xf32, #tpu.memory_space<hbm>>
      tpu.enqueue_dma source(%dma_start3A_403 : memref<64xf32, #tpu.memory_space<hbm>>) target(%dma_start3A_400 : memref<64xf32, #tpu.memory_space<vmem>>) target_semaphore(%arg8 : memref<!tpu.dma_semaphore, #tpu.memory_space<semaphore_mem>>)
    }
    %scan3A_53 = arith.constant 16 : i32
    %scan3A_54 = arith.constant 0 : i32
    %scan3A_55 = arith.constant 0 : i32
    %scan3A_56 = arith.constant 16 : i32
    %scan3A_57 = arith.addi %scan3A_55, %scan3A_56 : i32
    %scan3A_58 = arith.constant 1 : i32
    scf.for %scan3A_96 = %scan3A_55 to %scan3A_57 step %scan3A_58  : i32 {
      %mul3A_97 = arith.constant 16 : i32
      %mul3A_98 = arith.muli %scan3A_96, %mul3A_97 : i32
      %add3A_99 = arith.constant 768 : i32
      %add3A_100 = arith.addi %add3A_99, %mul3A_98 : i32
      %get3A = arith.index_cast %add3A_100 : i32 to index
      %get3A_101 = tpu.vector_load %arg6[%get3A] {strides = array<i32>} : memref<1024xi32, #tpu.memory_space<vmem>>, vector<16xi32>,
      %get3A_102 = vector.shape_cast %get3A_101 : vector<16xi32> to vector<16xi32>
      %slice3A = vector.extract_strided_slice %get3A_102 {offsets = [0], sizes = [1], strides = [1]} : vector<16xi32> to vector<1xi32>
      %squeeze3A = vector.extract %slice3A[0] : i32 from vector<1xi32>
      %mul3A_103 = arith.constant 16 : i32
      %mul3A_104 = arith.muli %scan3A_96, %mul3A_103 : i32
      %add3A_105 = arith.constant 0 : i32
      %add3A_106 = arith.addi %mul3A_104, %add3A_105 : i32
      %dma_start3A = arith.constant 1 : i32
      %dma_start3A_107 = arith.constant 0 : i32
      %dma_start3A_108 = tpu.memref_slice %arg7[%dma_start3A, %add3A_106, %dma_start3A_107] : memref<2x256x64xf32, #tpu.memory_space<vmem>> -> memref<1x1x64xf32, #tpu.memory_space<vmem>>
      %dma_start3A_109 = tpu.memref_squeeze %dma_start3A_108 : memref<1x1x64xf32, #tpu.memory_space<vmem>> -> memref<64xf32, #tpu.memory_space<vmem>>
      %dma_start3A_110 = arith.constant 0 : i32
      %dma_start3A_111 = tpu.memref_slice %arg3[%squeeze3A, %dma_start3A_110] : memref<1000000x64xf32, #tpu.memory_space<hbm>> -> memref<1x64xf32, #tpu.memory_space<hbm>>
      %dma_start3A_112 = tpu.memref_squeeze %dma_start3A_111 : memref<1x64xf32, #tpu.memory_space<hbm>> -> memref<64xf32, #tpu.memory_space<hbm>>
      %dma_start3A_113 = arith.constant 0 : i32
      %dma_start3A_114 = tpu.memref_slice %arg7[%dma_start3A, %add3A_106, %dma_start3A_113] : memref<2x256x64xf32, #tpu.memory_space<vmem>> -> memref<1x1x64xf32, #tpu.memory_space<vmem>>
      %dma_start3A_115 = tpu.memref_squeeze %dma_start3A_114 : memref<1x1x64xf32, #tpu.memory_space<vmem>> -> memref<64xf32, #tpu.memory_space<vmem>>
      %dma_start3A_116 = arith.constant 0 : i32
      %dma_start3A_117 = tpu.memref_slice %arg3[%squeeze3A, %dma_start3A_116] : memref<1000000x64xf32, #tpu.memory_space<hbm>> -> memref<1x64xf32, #tpu.memory_space<hbm>>
      %dma_start3A_118 = tpu.memref_squeeze %dma_start3A_117 : memref<1x64xf32, #tpu.memory_space<hbm>> -> memref<64xf32, #tpu.memory_space<hbm>>
      tpu.enqueue_dma source(%dma_start3A_118 : memref<64xf32, #tpu.memory_space<hbm>>) target(%dma_start3A_115 : memref<64xf32, #tpu.memory_space<vmem>>) target_semaphore(%arg9 : memref<!tpu.dma_semaphore, #tpu.memory_space<semaphore_mem>>)
      %slice3A_119 = vector.extract_strided_slice %get3A_102 {offsets = [1], sizes = [1], strides = [1]} : vector<16xi32> to vector<1xi32>
      %squeeze3A_120 = vector.extract %slice3A_119[0] : i32 from vector<1xi32>
      %mul3A_121 = arith.constant 16 : i32
      %mul3A_122 = arith.muli %scan3A_96, %mul3A_121 : i32
      %add3A_123 = arith.constant 1 : i32
      %add3A_124 = arith.addi %mul3A_122, %add3A_123 : i32
      %dma_start3A_125 = arith.constant 1 : i32
      %dma_start3A_126 = arith.constant 0 : i32
      %dma_start3A_127 = tpu.memref_slice %arg7[%dma_start3A_125, %add3A_124, %dma_start3A_126] : memref<2x256x64xf32, #tpu.memory_space<vmem>> -> memref<1x1x64xf32, #tpu.memory_space<vmem>>
      %dma_start3A_128 = tpu.memref_squeeze %dma_start3A_127 : memref<1x1x64xf32, #tpu.memory_space<vmem>> -> memref<64xf32, #tpu.memory_space<vmem>>
      %dma_start3A_129 = arith.constant 0 : i32
      %dma_start3A_130 = tpu.memref_slice %arg3[%squeeze3A_120, %dma_start3A_129] : memref<1000000x64xf32, #tpu.memory_space<hbm>> -> memref<1x64xf32, #tpu.memory_space<hbm>>
      %dma_start3A_131 = tpu.memref_squeeze %dma_start3A_130 : memref<1x64xf32, #tpu.memory_space<hbm>> -> memref<64xf32, #tpu.memory_space<hbm>>
      %dma_start3A_132 = arith.constant 0 : i32
      %dma_start3A_133 = tpu.memref_slice %arg7[%dma_start3A_125, %add3A_124, %dma_start3A_132] : memref<2x256x64xf32, #tpu.memory_space<vmem>> -> memref<1x1x64xf32, #tpu.memory_space<vmem>>
      %dma_start3A_134 = tpu.memref_squeeze %dma_start3A_133 : memref<1x1x64xf32, #tpu.memory_space<vmem>> -> memref<64xf32, #tpu.memory_space<vmem>>
      %dma_start3A_135 = arith.constant 0 : i32
      %dma_start3A_136 = tpu.memref_slice %arg3[%squeeze3A_120, %dma_start3A_135] : memref<1000000x64xf32, #tpu.memory_space<hbm>> -> memref<1x64xf32, #tpu.memory_space<hbm>>
      %dma_start3A_137 = tpu.memref_squeeze %dma_start3A_136 : memref<1x64xf32, #tpu.memory_space<hbm>> -> memref<64xf32, #tpu.memory_space<hbm>>
      tpu.enqueue_dma source(%dma_start3A_137 : memref<64xf32, #tpu.memory_space<hbm>>) target(%dma_start3A_134 : memref<64xf32, #tpu.memory_space<vmem>>) target_semaphore(%arg9 : memref<!tpu.dma_semaphore, #tpu.memory_space<semaphore_mem>>)
      %slice3A_138 = vector.extract_strided_slice %get3A_102 {offsets = [2], sizes = [1], strides = [1]} : vector<16xi32> to vector<1xi32>
      %squeeze3A_139 = vector.extract %slice3A_138[0] : i32 from vector<1xi32>
      %mul3A_140 = arith.constant 16 : i32
      %mul3A_141 = arith.muli %scan3A_96, %mul3A_140 : i32
      %add3A_142 = arith.constant 2 : i32
      %add3A_143 = arith.addi %mul3A_141, %add3A_142 : i32
      %dma_start3A_144 = arith.constant 1 : i32
      %dma_start3A_145 = arith.constant 0 : i32
      %dma_start3A_146 = tpu.memref_slice %arg7[%dma_start3A_144, %add3A_143, %dma_start3A_145] : memref<2x256x64xf32, #tpu.memory_space<vmem>> -> memref<1x1x64xf32, #tpu.memory_space<vmem>>
      %dma_start3A_147 = tpu.memref_squeeze %dma_start3A_146 : memref<1x1x64xf32, #tpu.memory_space<vmem>> -> memref<64xf32, #tpu.memory_space<vmem>>
      %dma_start3A_148 = arith.constant 0 : i32
      %dma_start3A_149 = tpu.memref_slice %arg3[%squeeze3A_139, %dma_start3A_148] : memref<1000000x64xf32, #tpu.memory_space<hbm>> -> memref<1x64xf32, #tpu.memory_space<hbm>>
      %dma_start3A_150 = tpu.memref_squeeze %dma_start3A_149 : memref<1x64xf32, #tpu.memory_space<hbm>> -> memref<64xf32, #tpu.memory_space<hbm>>
      %dma_start3A_151 = arith.constant 0 : i32
      %dma_start3A_152 = tpu.memref_slice %arg7[%dma_start3A_144, %add3A_143, %dma_start3A_151] : memref<2x256x64xf32, #tpu.memory_space<vmem>> -> memref<1x1x64xf32, #tpu.memory_space<vmem>>
      %dma_start3A_153 = tpu.memref_squeeze %dma_start3A_152 : memref<1x1x64xf32, #tpu.memory_space<vmem>> -> memref<64xf32, #tpu.memory_space<vmem>>
      %dma_start3A_154 = arith.constant 0 : i32
      %dma_start3A_155 = tpu.memref_slice %arg3[%squeeze3A_139, %dma_start3A_154] : memref<1000000x64xf32, #tpu.memory_space<hbm>> -> memref<1x64xf32, #tpu.memory_space<hbm>>
      %dma_start3A_156 = tpu.memref_squeeze %dma_start3A_155 : memref<1x64xf32, #tpu.memory_space<hbm>> -> memref<64xf32, #tpu.memory_space<hbm>>
      tpu.enqueue_dma source(%dma_start3A_156 : memref<64xf32, #tpu.memory_space<hbm>>) target(%dma_start3A_153 : memref<64xf32, #tpu.memory_space<vmem>>) target_semaphore(%arg9 : memref<!tpu.dma_semaphore, #tpu.memory_space<semaphore_mem>>)
      %slice3A_157 = vector.extract_strided_slice %get3A_102 {offsets = [3], sizes = [1], strides = [1]} : vector<16xi32> to vector<1xi32>
      %squeeze3A_158 = vector.extract %slice3A_157[0] : i32 from vector<1xi32>
      %mul3A_159 = arith.constant 16 : i32
      %mul3A_160 = arith.muli %scan3A_96, %mul3A_159 : i32
      %add3A_161 = arith.constant 3 : i32
      %add3A_162 = arith.addi %mul3A_160, %add3A_161 : i32
      %dma_start3A_163 = arith.constant 1 : i32
      %dma_start3A_164 = arith.constant 0 : i32
      %dma_start3A_165 = tpu.memref_slice %arg7[%dma_start3A_163, %add3A_162, %dma_start3A_164] : memref<2x256x64xf32, #tpu.memory_space<vmem>> -> memref<1x1x64xf32, #tpu.memory_space<vmem>>
      %dma_start3A_166 = tpu.memref_squeeze %dma_start3A_165 : memref<1x1x64xf32, #tpu.memory_space<vmem>> -> memref<64xf32, #tpu.memory_space<vmem>>
      %dma_start3A_167 = arith.constant 0 : i32
      %dma_start3A_168 = tpu.memref_slice %arg3[%squeeze3A_158, %dma_start3A_167] : memref<1000000x64xf32, #tpu.memory_space<hbm>> -> memref<1x64xf32, #tpu.memory_space<hbm>>
      %dma_start3A_169 = tpu.memref_squeeze %dma_start3A_168 : memref<1x64xf32, #tpu.memory_space<hbm>> -> memref<64xf32, #tpu.memory_space<hbm>>
      %dma_start3A_170 = arith.constant 0 : i32
      %dma_start3A_171 = tpu.memref_slice %arg7[%dma_start3A_163, %add3A_162, %dma_start3A_170] : memref<2x256x64xf32, #tpu.memory_space<vmem>> -> memref<1x1x64xf32, #tpu.memory_space<vmem>>
      %dma_start3A_172 = tpu.memref_squeeze %dma_start3A_171 : memref<1x1x64xf32, #tpu.memory_space<vmem>> -> memref<64xf32, #tpu.memory_space<vmem>>
      %dma_start3A_173 = arith.constant 0 : i32
      %dma_start3A_174 = tpu.memref_slice %arg3[%squeeze3A_158, %dma_start3A_173] : memref<1000000x64xf32, #tpu.memory_space<hbm>> -> memref<1x64xf32, #tpu.memory_space<hbm>>
      %dma_start3A_175 = tpu.memref_squeeze %dma_start3A_174 : memref<1x64xf32, #tpu.memory_space<hbm>> -> memref<64xf32, #tpu.memory_space<hbm>>
      tpu.enqueue_dma source(%dma_start3A_175 : memref<64xf32, #tpu.memory_space<hbm>>) target(%dma_start3A_172 : memref<64xf32, #tpu.memory_space<vmem>>) target_semaphore(%arg9 : memref<!tpu.dma_semaphore, #tpu.memory_space<semaphore_mem>>)
      %slice3A_176 = vector.extract_strided_slice %get3A_102 {offsets = [4], sizes = [1], strides = [1]} : vector<16xi32> to vector<1xi32>
      %squeeze3A_177 = vector.extract %slice3A_176[0] : i32 from vector<1xi32>
      %mul3A_178 = arith.constant 16 : i32
      %mul3A_179 = arith.muli %scan3A_96, %mul3A_178 : i32
      %add3A_180 = arith.constant 4 : i32
      %add3A_181 = arith.addi %mul3A_179, %add3A_180 : i32
      %dma_start3A_182 = arith.constant 1 : i32
      %dma_start3A_183 = arith.constant 0 : i32
      %dma_start3A_184 = tpu.memref_slice %arg7[%dma_start3A_182, %add3A_181, %dma_start3A_183] : memref<2x256x64xf32, #tpu.memory_space<vmem>> -> memref<1x1x64xf32, #tpu.memory_space<vmem>>
      %dma_start3A_185 = tpu.memref_squeeze %dma_start3A_184 : memref<1x1x64xf32, #tpu.memory_space<vmem>> -> memref<64xf32, #tpu.memory_space<vmem>>
      %dma_start3A_186 = arith.constant 0 : i32
      %dma_start3A_187 = tpu.memref_slice %arg3[%squeeze3A_177, %dma_start3A_186] : memref<1000000x64xf32, #tpu.memory_space<hbm>> -> memref<1x64xf32, #tpu.memory_space<hbm>>
      %dma_start3A_188 = tpu.memref_squeeze %dma_start3A_187 : memref<1x64xf32, #tpu.memory_space<hbm>> -> memref<64xf32, #tpu.memory_space<hbm>>
      %dma_start3A_189 = arith.constant 0 : i32
      %dma_start3A_190 = tpu.memref_slice %arg7[%dma_start3A_182, %add3A_181, %dma_start3A_189] : memref<2x256x64xf32, #tpu.memory_space<vmem>> -> memref<1x1x64xf32, #tpu.memory_space<vmem>>
      %dma_start3A_191 = tpu.memref_squeeze %dma_start3A_190 : memref<1x1x64xf32, #tpu.memory_space<vmem>> -> memref<64xf32, #tpu.memory_space<vmem>>
      %dma_start3A_192 = arith.constant 0 : i32
      %dma_start3A_193 = tpu.memref_slice %arg3[%squeeze3A_177, %dma_start3A_192] : memref<1000000x64xf32, #tpu.memory_space<hbm>> -> memref<1x64xf32, #tpu.memory_space<hbm>>
      %dma_start3A_194 = tpu.memref_squeeze %dma_start3A_193 : memref<1x64xf32, #tpu.memory_space<hbm>> -> memref<64xf32, #tpu.memory_space<hbm>>
      tpu.enqueue_dma source(%dma_start3A_194 : memref<64xf32, #tpu.memory_space<hbm>>) target(%dma_start3A_191 : memref<64xf32, #tpu.memory_space<vmem>>) target_semaphore(%arg9 : memref<!tpu.dma_semaphore, #tpu.memory_space<semaphore_mem>>)
      %slice3A_195 = vector.extract_strided_slice %get3A_102 {offsets = [5], sizes = [1], strides = [1]} : vector<16xi32> to vector<1xi32>
      %squeeze3A_196 = vector.extract %slice3A_195[0] : i32 from vector<1xi32>
      %mul3A_197 = arith.constant 16 : i32
      %mul3A_198 = arith.muli %scan3A_96, %mul3A_197 : i32
      %add3A_199 = arith.constant 5 : i32
      %add3A_200 = arith.addi %mul3A_198, %add3A_199 : i32
      %dma_start3A_201 = arith.constant 1 : i32
      %dma_start3A_202 = arith.constant 0 : i32
      %dma_start3A_203 = tpu.memref_slice %arg7[%dma_start3A_201, %add3A_200, %dma_start3A_202] : memref<2x256x64xf32, #tpu.memory_space<vmem>> -> memref<1x1x64xf32, #tpu.memory_space<vmem>>
      %dma_start3A_204 = tpu.memref_squeeze %dma_start3A_203 : memref<1x1x64xf32, #tpu.memory_space<vmem>> -> memref<64xf32, #tpu.memory_space<vmem>>
      %dma_start3A_205 = arith.constant 0 : i32
      %dma_start3A_206 = tpu.memref_slice %arg3[%squeeze3A_196, %dma_start3A_205] : memref<1000000x64xf32, #tpu.memory_space<hbm>> -> memref<1x64xf32, #tpu.memory_space<hbm>>
      %dma_start3A_207 = tpu.memref_squeeze %dma_start3A_206 : memref<1x64xf32, #tpu.memory_space<hbm>> -> memref<64xf32, #tpu.memory_space<hbm>>
      %dma_start3A_208 = arith.constant 0 : i32
      %dma_start3A_209 = tpu.memref_slice %arg7[%dma_start3A_201, %add3A_200, %dma_start3A_208] : memref<2x256x64xf32, #tpu.memory_space<vmem>> -> memref<1x1x64xf32, #tpu.memory_space<vmem>>
      %dma_start3A_210 = tpu.memref_squeeze %dma_start3A_209 : memref<1x1x64xf32, #tpu.memory_space<vmem>> -> memref<64xf32, #tpu.memory_space<vmem>>
      %dma_start3A_211 = arith.constant 0 : i32
      %dma_start3A_212 = tpu.memref_slice %arg3[%squeeze3A_196, %dma_start3A_211] : memref<1000000x64xf32, #tpu.memory_space<hbm>> -> memref<1x64xf32, #tpu.memory_space<hbm>>
      %dma_start3A_213 = tpu.memref_squeeze %dma_start3A_212 : memref<1x64xf32, #tpu.memory_space<hbm>> -> memref<64xf32, #tpu.memory_space<hbm>>
      tpu.enqueue_dma source(%dma_start3A_213 : memref<64xf32, #tpu.memory_space<hbm>>) target(%dma_start3A_210 : memref<64xf32, #tpu.memory_space<vmem>>) target_semaphore(%arg9 : memref<!tpu.dma_semaphore, #tpu.memory_space<semaphore_mem>>)
      %slice3A_214 = vector.extract_strided_slice %get3A_102 {offsets = [6], sizes = [1], strides = [1]} : vector<16xi32> to vector<1xi32>
      %squeeze3A_215 = vector.extract %slice3A_214[0] : i32 from vector<1xi32>
      %mul3A_216 = arith.constant 16 : i32
      %mul3A_217 = arith.muli %scan3A_96, %mul3A_216 : i32
      %add3A_218 = arith.constant 6 : i32
      %add3A_219 = arith.addi %mul3A_217, %add3A_218 : i32
      %dma_start3A_220 = arith.constant 1 : i32
      %dma_start3A_221 = arith.constant 0 : i32
      %dma_start3A_222 = tpu.memref_slice %arg7[%dma_start3A_220, %add3A_219, %dma_start3A_221] : memref<2x256x64xf32, #tpu.memory_space<vmem>> -> memref<1x1x64xf32, #tpu.memory_space<vmem>>
      %dma_start3A_223 = tpu.memref_squeeze %dma_start3A_222 : memref<1x1x64xf32, #tpu.memory_space<vmem>> -> memref<64xf32, #tpu.memory_space<vmem>>
      %dma_start3A_224 = arith.constant 0 : i32
      %dma_start3A_225 = tpu.memref_slice %arg3[%squeeze3A_215, %dma_start3A_224] : memref<1000000x64xf32, #tpu.memory_space<hbm>> -> memref<1x64xf32, #tpu.memory_space<hbm>>
      %dma_start3A_226 = tpu.memref_squeeze %dma_start3A_225 : memref<1x64xf32, #tpu.memory_space<hbm>> -> memref<64xf32, #tpu.memory_space<hbm>>
      %dma_start3A_227 = arith.constant 0 : i32
      %dma_start3A_228 = tpu.memref_slice %arg7[%dma_start3A_220, %add3A_219, %dma_start3A_227] : memref<2x256x64xf32, #tpu.memory_space<vmem>> -> memref<1x1x64xf32, #tpu.memory_space<vmem>>
      %dma_start3A_229 = tpu.memref_squeeze %dma_start3A_228 : memref<1x1x64xf32, #tpu.memory_space<vmem>> -> memref<64xf32, #tpu.memory_space<vmem>>
      %dma_start3A_230 = arith.constant 0 : i32
      %dma_start3A_231 = tpu.memref_slice %arg3[%squeeze3A_215, %dma_start3A_230] : memref<1000000x64xf32, #tpu.memory_space<hbm>> -> memref<1x64xf32, #tpu.memory_space<hbm>>
      %dma_start3A_232 = tpu.memref_squeeze %dma_start3A_231 : memref<1x64xf32, #tpu.memory_space<hbm>> -> memref<64xf32, #tpu.memory_space<hbm>>
      tpu.enqueue_dma source(%dma_start3A_232 : memref<64xf32, #tpu.memory_space<hbm>>) target(%dma_start3A_229 : memref<64xf32, #tpu.memory_space<vmem>>) target_semaphore(%arg9 : memref<!tpu.dma_semaphore, #tpu.memory_space<semaphore_mem>>)
      %slice3A_233 = vector.extract_strided_slice %get3A_102 {offsets = [7], sizes = [1], strides = [1]} : vector<16xi32> to vector<1xi32>
      %squeeze3A_234 = vector.extract %slice3A_233[0] : i32 from vector<1xi32>
      %mul3A_235 = arith.constant 16 : i32
      %mul3A_236 = arith.muli %scan3A_96, %mul3A_235 : i32
      %add3A_237 = arith.constant 7 : i32
      %add3A_238 = arith.addi %mul3A_236, %add3A_237 : i32
      %dma_start3A_239 = arith.constant 1 : i32
      %dma_start3A_240 = arith.constant 0 : i32
      %dma_start3A_241 = tpu.memref_slice %arg7[%dma_start3A_239, %add3A_238, %dma_start3A_240] : memref<2x256x64xf32, #tpu.memory_space<vmem>> -> memref<1x1x64xf32, #tpu.memory_space<vmem>>
      %dma_start3A_242 = tpu.memref_squeeze %dma_start3A_241 : memref<1x1x64xf32, #tpu.memory_space<vmem>> -> memref<64xf32, #tpu.memory_space<vmem>>
      %dma_start3A_243 = arith.constant 0 : i32
      %dma_start3A_244 = tpu.memref_slice %arg3[%squeeze3A_234, %dma_start3A_243] : memref<1000000x64xf32, #tpu.memory_space<hbm>> -> memref<1x64xf32, #tpu.memory_space<hbm>>
      %dma_start3A_245 = tpu.memref_squeeze %dma_start3A_244 : memref<1x64xf32, #tpu.memory_space<hbm>> -> memref<64xf32, #tpu.memory_space<hbm>>
      %dma_start3A_246 = arith.constant 0 : i32
      %dma_start3A_247 = tpu.memref_slice %arg7[%dma_start3A_239, %add3A_238, %dma_start3A_246] : memref<2x256x64xf32, #tpu.memory_space<vmem>> -> memref<1x1x64xf32, #tpu.memory_space<vmem>>
      %dma_start3A_248 = tpu.memref_squeeze %dma_start3A_247 : memref<1x1x64xf32, #tpu.memory_space<vmem>> -> memref<64xf32, #tpu.memory_space<vmem>>
      %dma_start3A_249 = arith.constant 0 : i32
      %dma_start3A_250 = tpu.memref_slice %arg3[%squeeze3A_234, %dma_start3A_249] : memref<1000000x64xf32, #tpu.memory_space<hbm>> -> memref<1x64xf32, #tpu.memory_space<hbm>>
      %dma_start3A_251 = tpu.memref_squeeze %dma_start3A_250 : memref<1x64xf32, #tpu.memory_space<hbm>> -> memref<64xf32, #tpu.memory_space<hbm>>
      tpu.enqueue_dma source(%dma_start3A_251 : memref<64xf32, #tpu.memory_space<hbm>>) target(%dma_start3A_248 : memref<64xf32, #tpu.memory_space<vmem>>) target_semaphore(%arg9 : memref<!tpu.dma_semaphore, #tpu.memory_space<semaphore_mem>>)
      %slice3A_252 = vector.extract_strided_slice %get3A_102 {offsets = [8], sizes = [1], strides = [1]} : vector<16xi32> to vector<1xi32>
      %squeeze3A_253 = vector.extract %slice3A_252[0] : i32 from vector<1xi32>
      %mul3A_254 = arith.constant 16 : i32
      %mul3A_255 = arith.muli %scan3A_96, %mul3A_254 : i32
      %add3A_256 = arith.constant 8 : i32
      %add3A_257 = arith.addi %mul3A_255, %add3A_256 : i32
      %dma_start3A_258 = arith.constant 1 : i32
      %dma_start3A_259 = arith.constant 0 : i32
      %dma_start3A_260 = tpu.memref_slice %arg7[%dma_start3A_258, %add3A_257, %dma_start3A_259] : memref<2x256x64xf32, #tpu.memory_space<vmem>> -> memref<1x1x64xf32, #tpu.memory_space<vmem>>
      %dma_start3A_261 = tpu.memref_squeeze %dma_start3A_260 : memref<1x1x64xf32, #tpu.memory_space<vmem>> -> memref<64xf32, #tpu.memory_space<vmem>>
      %dma_start3A_262 = arith.constant 0 : i32
      %dma_start3A_263 = tpu.memref_slice %arg3[%squeeze3A_253, %dma_start3A_262] : memref<1000000x64xf32, #tpu.memory_space<hbm>> -> memref<1x64xf32, #tpu.memory_space<hbm>>
      %dma_start3A_264 = tpu.memref_squeeze %dma_start3A_263 : memref<1x64xf32, #tpu.memory_space<hbm>> -> memref<64xf32, #tpu.memory_space<hbm>>
      %dma_start3A_265 = arith.constant 0 : i32
      %dma_start3A_266 = tpu.memref_slice %arg7[%dma_start3A_258, %add3A_257, %dma_start3A_265] : memref<2x256x64xf32, #tpu.memory_space<vmem>> -> memref<1x1x64xf32, #tpu.memory_space<vmem>>
      %dma_start3A_267 = tpu.memref_squeeze %dma_start3A_266 : memref<1x1x64xf32, #tpu.memory_space<vmem>> -> memref<64xf32, #tpu.memory_space<vmem>>
      %dma_start3A_268 = arith.constant 0 : i32
      %dma_start3A_269 = tpu.memref_slice %arg3[%squeeze3A_253, %dma_start3A_268] : memref<1000000x64xf32, #tpu.memory_space<hbm>> -> memref<1x64xf32, #tpu.memory_space<hbm>>
      %dma_start3A_270 = tpu.memref_squeeze %dma_start3A_269 : memref<1x64xf32, #tpu.memory_space<hbm>> -> memref<64xf32, #tpu.memory_space<hbm>>
      tpu.enqueue_dma source(%dma_start3A_270 : memref<64xf32, #tpu.memory_space<hbm>>) target(%dma_start3A_267 : memref<64xf32, #tpu.memory_space<vmem>>) target_semaphore(%arg9 : memref<!tpu.dma_semaphore, #tpu.memory_space<semaphore_mem>>)
      %slice3A_271 = vector.extract_strided_slice %get3A_102 {offsets = [9], sizes = [1], strides = [1]} : vector<16xi32> to vector<1xi32>
      %squeeze3A_272 = vector.extract %slice3A_271[0] : i32 from vector<1xi32>
      %mul3A_273 = arith.constant 16 : i32
      %mul3A_274 = arith.muli %scan3A_96, %mul3A_273 : i32
      %add3A_275 = arith.constant 9 : i32
      %add3A_276 = arith.addi %mul3A_274, %add3A_275 : i32
      %dma_start3A_277 = arith.constant 1 : i32
      %dma_start3A_278 = arith.constant 0 : i32
      %dma_start3A_279 = tpu.memref_slice %arg7[%dma_start3A_277, %add3A_276, %dma_start3A_278] : memref<2x256x64xf32, #tpu.memory_space<vmem>> -> memref<1x1x64xf32, #tpu.memory_space<vmem>>
      %dma_start3A_280 = tpu.memref_squeeze %dma_start3A_279 : memref<1x1x64xf32, #tpu.memory_space<vmem>> -> memref<64xf32, #tpu.memory_space<vmem>>
      %dma_start3A_281 = arith.constant 0 : i32
      %dma_start3A_282 = tpu.memref_slice %arg3[%squeeze3A_272, %dma_start3A_281] : memref<1000000x64xf32, #tpu.memory_space<hbm>> -> memref<1x64xf32, #tpu.memory_space<hbm>>
      %dma_start3A_283 = tpu.memref_squeeze %dma_start3A_282 : memref<1x64xf32, #tpu.memory_space<hbm>> -> memref<64xf32, #tpu.memory_space<hbm>>
      %dma_start3A_284 = arith.constant 0 : i32
      %dma_start3A_285 = tpu.memref_slice %arg7[%dma_start3A_277, %add3A_276, %dma_start3A_284] : memref<2x256x64xf32, #tpu.memory_space<vmem>> -> memref<1x1x64xf32, #tpu.memory_space<vmem>>
      %dma_start3A_286 = tpu.memref_squeeze %dma_start3A_285 : memref<1x1x64xf32, #tpu.memory_space<vmem>> -> memref<64xf32, #tpu.memory_space<vmem>>
      %dma_start3A_287 = arith.constant 0 : i32
      %dma_start3A_288 = tpu.memref_slice %arg3[%squeeze3A_272, %dma_start3A_287] : memref<1000000x64xf32, #tpu.memory_space<hbm>> -> memref<1x64xf32, #tpu.memory_space<hbm>>
      %dma_start3A_289 = tpu.memref_squeeze %dma_start3A_288 : memref<1x64xf32, #tpu.memory_space<hbm>> -> memref<64xf32, #tpu.memory_space<hbm>>
      tpu.enqueue_dma source(%dma_start3A_289 : memref<64xf32, #tpu.memory_space<hbm>>) target(%dma_start3A_286 : memref<64xf32, #tpu.memory_space<vmem>>) target_semaphore(%arg9 : memref<!tpu.dma_semaphore, #tpu.memory_space<semaphore_mem>>)
      %slice3A_290 = vector.extract_strided_slice %get3A_102 {offsets = [10], sizes = [1], strides = [1]} : vector<16xi32> to vector<1xi32>
      %squeeze3A_291 = vector.extract %slice3A_290[0] : i32 from vector<1xi32>
      %mul3A_292 = arith.constant 16 : i32
      %mul3A_293 = arith.muli %scan3A_96, %mul3A_292 : i32
      %add3A_294 = arith.constant 10 : i32
      %add3A_295 = arith.addi %mul3A_293, %add3A_294 : i32
      %dma_start3A_296 = arith.constant 1 : i32
      %dma_start3A_297 = arith.constant 0 : i32
      %dma_start3A_298 = tpu.memref_slice %arg7[%dma_start3A_296, %add3A_295, %dma_start3A_297] : memref<2x256x64xf32, #tpu.memory_space<vmem>> -> memref<1x1x64xf32, #tpu.memory_space<vmem>>
      %dma_start3A_299 = tpu.memref_squeeze %dma_start3A_298 : memref<1x1x64xf32, #tpu.memory_space<vmem>> -> memref<64xf32, #tpu.memory_space<vmem>>
      %dma_start3A_300 = arith.constant 0 : i32
      %dma_start3A_301 = tpu.memref_slice %arg3[%squeeze3A_291, %dma_start3A_300] : memref<1000000x64xf32, #tpu.memory_space<hbm>> -> memref<1x64xf32, #tpu.memory_space<hbm>>
      %dma_start3A_302 = tpu.memref_squeeze %dma_start3A_301 : memref<1x64xf32, #tpu.memory_space<hbm>> -> memref<64xf32, #tpu.memory_space<hbm>>
      %dma_start3A_303 = arith.constant 0 : i32
      %dma_start3A_304 = tpu.memref_slice %arg7[%dma_start3A_296, %add3A_295, %dma_start3A_303] : memref<2x256x64xf32, #tpu.memory_space<vmem>> -> memref<1x1x64xf32, #tpu.memory_space<vmem>>
      %dma_start3A_305 = tpu.memref_squeeze %dma_start3A_304 : memref<1x1x64xf32, #tpu.memory_space<vmem>> -> memref<64xf32, #tpu.memory_space<vmem>>
      %dma_start3A_306 = arith.constant 0 : i32
      %dma_start3A_307 = tpu.memref_slice %arg3[%squeeze3A_291, %dma_start3A_306] : memref<1000000x64xf32, #tpu.memory_space<hbm>> -> memref<1x64xf32, #tpu.memory_space<hbm>>
      %dma_start3A_308 = tpu.memref_squeeze %dma_start3A_307 : memref<1x64xf32, #tpu.memory_space<hbm>> -> memref<64xf32, #tpu.memory_space<hbm>>
      tpu.enqueue_dma source(%dma_start3A_308 : memref<64xf32, #tpu.memory_space<hbm>>) target(%dma_start3A_305 : memref<64xf32, #tpu.memory_space<vmem>>) target_semaphore(%arg9 : memref<!tpu.dma_semaphore, #tpu.memory_space<semaphore_mem>>)
      %slice3A_309 = vector.extract_strided_slice %get3A_102 {offsets = [11], sizes = [1], strides = [1]} : vector<16xi32> to vector<1xi32>
      %squeeze3A_310 = vector.extract %slice3A_309[0] : i32 from vector<1xi32>
      %mul3A_311 = arith.constant 16 : i32
      %mul3A_312 = arith.muli %scan3A_96, %mul3A_311 : i32
      %add3A_313 = arith.constant 11 : i32
      %add3A_314 = arith.addi %mul3A_312, %add3A_313 : i32
      %dma_start3A_315 = arith.constant 1 : i32
      %dma_start3A_316 = arith.constant 0 : i32
      %dma_start3A_317 = tpu.memref_slice %arg7[%dma_start3A_315, %add3A_314, %dma_start3A_316] : memref<2x256x64xf32, #tpu.memory_space<vmem>> -> memref<1x1x64xf32, #tpu.memory_space<vmem>>
      %dma_start3A_318 = tpu.memref_squeeze %dma_start3A_317 : memref<1x1x64xf32, #tpu.memory_space<vmem>> -> memref<64xf32, #tpu.memory_space<vmem>>
      %dma_start3A_319 = arith.constant 0 : i32
      %dma_start3A_320 = tpu.memref_slice %arg3[%squeeze3A_310, %dma_start3A_319] : memref<1000000x64xf32, #tpu.memory_space<hbm>> -> memref<1x64xf32, #tpu.memory_space<hbm>>
      %dma_start3A_321 = tpu.memref_squeeze %dma_start3A_320 : memref<1x64xf32, #tpu.memory_space<hbm>> -> memref<64xf32, #tpu.memory_space<hbm>>
      %dma_start3A_322 = arith.constant 0 : i32
      %dma_start3A_323 = tpu.memref_slice %arg7[%dma_start3A_315, %add3A_314, %dma_start3A_322] : memref<2x256x64xf32, #tpu.memory_space<vmem>> -> memref<1x1x64xf32, #tpu.memory_space<vmem>>
      %dma_start3A_324 = tpu.memref_squeeze %dma_start3A_323 : memref<1x1x64xf32, #tpu.memory_space<vmem>> -> memref<64xf32, #tpu.memory_space<vmem>>
      %dma_start3A_325 = arith.constant 0 : i32
      %dma_start3A_326 = tpu.memref_slice %arg3[%squeeze3A_310, %dma_start3A_325] : memref<1000000x64xf32, #tpu.memory_space<hbm>> -> memref<1x64xf32, #tpu.memory_space<hbm>>
      %dma_start3A_327 = tpu.memref_squeeze %dma_start3A_326 : memref<1x64xf32, #tpu.memory_space<hbm>> -> memref<64xf32, #tpu.memory_space<hbm>>
      tpu.enqueue_dma source(%dma_start3A_327 : memref<64xf32, #tpu.memory_space<hbm>>) target(%dma_start3A_324 : memref<64xf32, #tpu.memory_space<vmem>>) target_semaphore(%arg9 : memref<!tpu.dma_semaphore, #tpu.memory_space<semaphore_mem>>)
      %slice3A_328 = vector.extract_strided_slice %get3A_102 {offsets = [12], sizes = [1], strides = [1]} : vector<16xi32> to vector<1xi32>
      %squeeze3A_329 = vector.extract %slice3A_328[0] : i32 from vector<1xi32>
      %mul3A_330 = arith.constant 16 : i32
      %mul3A_331 = arith.muli %scan3A_96, %mul3A_330 : i32
      %add3A_332 = arith.constant 12 : i32
      %add3A_333 = arith.addi %mul3A_331, %add3A_332 : i32
      %dma_start3A_334 = arith.constant 1 : i32
      %dma_start3A_335 = arith.constant 0 : i32
      %dma_start3A_336 = tpu.memref_slice %arg7[%dma_start3A_334, %add3A_333, %dma_start3A_335] : memref<2x256x64xf32, #tpu.memory_space<vmem>> -> memref<1x1x64xf32, #tpu.memory_space<vmem>>
      %dma_start3A_337 = tpu.memref_squeeze %dma_start3A_336 : memref<1x1x64xf32, #tpu.memory_space<vmem>> -> memref<64xf32, #tpu.memory_space<vmem>>
      %dma_start3A_338 = arith.constant 0 : i32
      %dma_start3A_339 = tpu.memref_slice %arg3[%squeeze3A_329, %dma_start3A_338] : memref<1000000x64xf32, #tpu.memory_space<hbm>> -> memref<1x64xf32, #tpu.memory_space<hbm>>
      %dma_start3A_340 = tpu.memref_squeeze %dma_start3A_339 : memref<1x64xf32, #tpu.memory_space<hbm>> -> memref<64xf32, #tpu.memory_space<hbm>>
      %dma_start3A_341 = arith.constant 0 : i32
      %dma_start3A_342 = tpu.memref_slice %arg7[%dma_start3A_334, %add3A_333, %dma_start3A_341] : memref<2x256x64xf32, #tpu.memory_space<vmem>> -> memref<1x1x64xf32, #tpu.memory_space<vmem>>
      %dma_start3A_343 = tpu.memref_squeeze %dma_start3A_342 : memref<1x1x64xf32, #tpu.memory_space<vmem>> -> memref<64xf32, #tpu.memory_space<vmem>>
      %dma_start3A_344 = arith.constant 0 : i32
      %dma_start3A_345 = tpu.memref_slice %arg3[%squeeze3A_329, %dma_start3A_344] : memref<1000000x64xf32, #tpu.memory_space<hbm>> -> memref<1x64xf32, #tpu.memory_space<hbm>>
      %dma_start3A_346 = tpu.memref_squeeze %dma_start3A_345 : memref<1x64xf32, #tpu.memory_space<hbm>> -> memref<64xf32, #tpu.memory_space<hbm>>
      tpu.enqueue_dma source(%dma_start3A_346 : memref<64xf32, #tpu.memory_space<hbm>>) target(%dma_start3A_343 : memref<64xf32, #tpu.memory_space<vmem>>) target_semaphore(%arg9 : memref<!tpu.dma_semaphore, #tpu.memory_space<semaphore_mem>>)
      %slice3A_347 = vector.extract_strided_slice %get3A_102 {offsets = [13], sizes = [1], strides = [1]} : vector<16xi32> to vector<1xi32>
      %squeeze3A_348 = vector.extract %slice3A_347[0] : i32 from vector<1xi32>
      %mul3A_349 = arith.constant 16 : i32
      %mul3A_350 = arith.muli %scan3A_96, %mul3A_349 : i32
      %add3A_351 = arith.constant 13 : i32
      %add3A_352 = arith.addi %mul3A_350, %add3A_351 : i32
      %dma_start3A_353 = arith.constant 1 : i32
      %dma_start3A_354 = arith.constant 0 : i32
      %dma_start3A_355 = tpu.memref_slice %arg7[%dma_start3A_353, %add3A_352, %dma_start3A_354] : memref<2x256x64xf32, #tpu.memory_space<vmem>> -> memref<1x1x64xf32, #tpu.memory_space<vmem>>
      %dma_start3A_356 = tpu.memref_squeeze %dma_start3A_355 : memref<1x1x64xf32, #tpu.memory_space<vmem>> -> memref<64xf32, #tpu.memory_space<vmem>>
      %dma_start3A_357 = arith.constant 0 : i32
      %dma_start3A_358 = tpu.memref_slice %arg3[%squeeze3A_348, %dma_start3A_357] : memref<1000000x64xf32, #tpu.memory_space<hbm>> -> memref<1x64xf32, #tpu.memory_space<hbm>>
      %dma_start3A_359 = tpu.memref_squeeze %dma_start3A_358 : memref<1x64xf32, #tpu.memory_space<hbm>> -> memref<64xf32, #tpu.memory_space<hbm>>
      %dma_start3A_360 = arith.constant 0 : i32
      %dma_start3A_361 = tpu.memref_slice %arg7[%dma_start3A_353, %add3A_352, %dma_start3A_360] : memref<2x256x64xf32, #tpu.memory_space<vmem>> -> memref<1x1x64xf32, #tpu.memory_space<vmem>>
      %dma_start3A_362 = tpu.memref_squeeze %dma_start3A_361 : memref<1x1x64xf32, #tpu.memory_space<vmem>> -> memref<64xf32, #tpu.memory_space<vmem>>
      %dma_start3A_363 = arith.constant 0 : i32
      %dma_start3A_364 = tpu.memref_slice %arg3[%squeeze3A_348, %dma_start3A_363] : memref<1000000x64xf32, #tpu.memory_space<hbm>> -> memref<1x64xf32, #tpu.memory_space<hbm>>
      %dma_start3A_365 = tpu.memref_squeeze %dma_start3A_364 : memref<1x64xf32, #tpu.memory_space<hbm>> -> memref<64xf32, #tpu.memory_space<hbm>>
      tpu.enqueue_dma source(%dma_start3A_365 : memref<64xf32, #tpu.memory_space<hbm>>) target(%dma_start3A_362 : memref<64xf32, #tpu.memory_space<vmem>>) target_semaphore(%arg9 : memref<!tpu.dma_semaphore, #tpu.memory_space<semaphore_mem>>)
      %slice3A_366 = vector.extract_strided_slice %get3A_102 {offsets = [14], sizes = [1], strides = [1]} : vector<16xi32> to vector<1xi32>
      %squeeze3A_367 = vector.extract %slice3A_366[0] : i32 from vector<1xi32>
      %mul3A_368 = arith.constant 16 : i32
      %mul3A_369 = arith.muli %scan3A_96, %mul3A_368 : i32
      %add3A_370 = arith.constant 14 : i32
      %add3A_371 = arith.addi %mul3A_369, %add3A_370 : i32
      %dma_start3A_372 = arith.constant 1 : i32
      %dma_start3A_373 = arith.constant 0 : i32
      %dma_start3A_374 = tpu.memref_slice %arg7[%dma_start3A_372, %add3A_371, %dma_start3A_373] : memref<2x256x64xf32, #tpu.memory_space<vmem>> -> memref<1x1x64xf32, #tpu.memory_space<vmem>>
      %dma_start3A_375 = tpu.memref_squeeze %dma_start3A_374 : memref<1x1x64xf32, #tpu.memory_space<vmem>> -> memref<64xf32, #tpu.memory_space<vmem>>
      %dma_start3A_376 = arith.constant 0 : i32
      %dma_start3A_377 = tpu.memref_slice %arg3[%squeeze3A_367, %dma_start3A_376] : memref<1000000x64xf32, #tpu.memory_space<hbm>> -> memref<1x64xf32, #tpu.memory_space<hbm>>
      %dma_start3A_378 = tpu.memref_squeeze %dma_start3A_377 : memref<1x64xf32, #tpu.memory_space<hbm>> -> memref<64xf32, #tpu.memory_space<hbm>>
      %dma_start3A_379 = arith.constant 0 : i32
      %dma_start3A_380 = tpu.memref_slice %arg7[%dma_start3A_372, %add3A_371, %dma_start3A_379] : memref<2x256x64xf32, #tpu.memory_space<vmem>> -> memref<1x1x64xf32, #tpu.memory_space<vmem>>
      %dma_start3A_381 = tpu.memref_squeeze %dma_start3A_380 : memref<1x1x64xf32, #tpu.memory_space<vmem>> -> memref<64xf32, #tpu.memory_space<vmem>>
      %dma_start3A_382 = arith.constant 0 : i32
      %dma_start3A_383 = tpu.memref_slice %arg3[%squeeze3A_367, %dma_start3A_382] : memref<1000000x64xf32, #tpu.memory_space<hbm>> -> memref<1x64xf32, #tpu.memory_space<hbm>>
      %dma_start3A_384 = tpu.memref_squeeze %dma_start3A_383 : memref<1x64xf32, #tpu.memory_space<hbm>> -> memref<64xf32, #tpu.memory_space<hbm>>
      tpu.enqueue_dma source(%dma_start3A_384 : memref<64xf32, #tpu.memory_space<hbm>>) target(%dma_start3A_381 : memref<64xf32, #tpu.memory_space<vmem>>) target_semaphore(%arg9 : memref<!tpu.dma_semaphore, #tpu.memory_space<semaphore_mem>>)
      %slice3A_385 = vector.extract_strided_slice %get3A_102 {offsets = [15], sizes = [1], strides = [1]} : vector<16xi32> to vector<1xi32>
      %squeeze3A_386 = vector.extract %slice3A_385[0] : i32 from vector<1xi32>
      %mul3A_387 = arith.constant 16 : i32
      %mul3A_388 = arith.muli %scan3A_96, %mul3A_387 : i32
      %add3A_389 = arith.constant 15 : i32
      %add3A_390 = arith.addi %mul3A_388, %add3A_389 : i32
      %dma_start3A_391 = arith.constant 1 : i32
      %dma_start3A_392 = arith.constant 0 : i32
      %dma_start3A_393 = tpu.memref_slice %arg7[%dma_start3A_391, %add3A_390, %dma_start3A_392] : memref<2x256x64xf32, #tpu.memory_space<vmem>> -> memref<1x1x64xf32, #tpu.memory_space<vmem>>
      %dma_start3A_394 = tpu.memref_squeeze %dma_start3A_393 : memref<1x1x64xf32, #tpu.memory_space<vmem>> -> memref<64xf32, #tpu.memory_space<vmem>>
      %dma_start3A_395 = arith.constant 0 : i32
      %dma_start3A_396 = tpu.memref_slice %arg3[%squeeze3A_386, %dma_start3A_395] : memref<1000000x64xf32, #tpu.memory_space<hbm>> -> memref<1x64xf32, #tpu.memory_space<hbm>>
      %dma_start3A_397 = tpu.memref_squeeze %dma_start3A_396 : memref<1x64xf32, #tpu.memory_space<hbm>> -> memref<64xf32, #tpu.memory_space<hbm>>
      %dma_start3A_398 = arith.constant 0 : i32
      %dma_start3A_399 = tpu.memref_slice %arg7[%dma_start3A_391, %add3A_390, %dma_start3A_398] : memref<2x256x64xf32, #tpu.memory_space<vmem>> -> memref<1x1x64xf32, #tpu.memory_space<vmem>>
      %dma_start3A_400 = tpu.memref_squeeze %dma_start3A_399 : memref<1x1x64xf32, #tpu.memory_space<vmem>> -> memref<64xf32, #tpu.memory_space<vmem>>
      %dma_start3A_401 = arith.constant 0 : i32
      %dma_start3A_402 = tpu.memref_slice %arg3[%squeeze3A_386, %dma_start3A_401] : memref<1000000x64xf32, #tpu.memory_space<hbm>> -> memref<1x64xf32, #tpu.memory_space<hbm>>
      %dma_start3A_403 = tpu.memref_squeeze %dma_start3A_402 : memref<1x64xf32, #tpu.memory_space<hbm>> -> memref<64xf32, #tpu.memory_space<hbm>>
      tpu.enqueue_dma source(%dma_start3A_403 : memref<64xf32, #tpu.memory_space<hbm>>) target(%dma_start3A_400 : memref<64xf32, #tpu.memory_space<vmem>>) target_semaphore(%arg9 : memref<!tpu.dma_semaphore, #tpu.memory_space<semaphore_mem>>)
    }
    %scan3A_59 = arith.constant 16 : i32
    %dma_wait3A_60 = arith.constant 0 : i32
    %dma_wait3A_61 = arith.constant 0 : i32
    %dma_wait3A_62 = arith.constant 0 : i32
    %dma_wait3A_63 = tpu.memref_slice %arg7[%dma_wait3A_60, %dma_wait3A_61, %dma_wait3A_62] : memref<2x256x64xf32, #tpu.memory_space<vmem>> -> memref<1x256x64xf32, #tpu.memory_space<vmem>>
    %dma_wait3A_64 = tpu.memref_squeeze %dma_wait3A_63 : memref<1x256x64xf32, #tpu.memory_space<vmem>> -> memref<256x64xf32, #tpu.memory_space<vmem>>
    %dma_wait3A_65 = arith.constant 0 : i32
    %dma_wait3A_66 = arith.constant 0 : i32
    %dma_wait3A_67 = tpu.memref_slice %arg3[%dma_wait3A_65, %dma_wait3A_66] : memref<1000000x64xf32, #tpu.memory_space<hbm>> -> memref<256x64xf32, #tpu.memory_space<hbm>>
    %dma_wait3A_68 = arith.constant 0 : i32
    %dma_wait3A_69 = arith.constant 0 : i32
    %dma_wait3A_70 = tpu.memref_slice %arg7[%dma_wait3A_60, %dma_wait3A_68, %dma_wait3A_69] : memref<2x256x64xf32, #tpu.memory_space<vmem>> -> memref<1x256x64xf32, #tpu.memory_space<vmem>>
    %dma_wait3A_71 = tpu.memref_squeeze %dma_wait3A_70 : memref<1x256x64xf32, #tpu.memory_space<vmem>> -> memref<256x64xf32, #tpu.memory_space<vmem>>
    %dma_wait3A_72 = arith.constant 0 : i32
    %dma_wait3A_73 = arith.constant 0 : i32
    %dma_wait3A_74 = tpu.memref_slice %arg3[%dma_wait3A_72, %dma_wait3A_73] : memref<1000000x64xf32, #tpu.memory_space<hbm>> -> memref<256x64xf32, #tpu.memory_space<hbm>>
    tpu.wait_dma2 semaphore(%arg8 : memref<!tpu.dma_semaphore, #tpu.memory_space<semaphore_mem>>) src(%dma_wait3A_74 : memref<256x64xf32, #tpu.memory_space<hbm>>) dst(%dma_wait3A_71 : memref<256x64xf32, #tpu.memory_space<vmem>>)
    %add3A_75 = arith.constant 256 : i32
    %add3A_76 = arith.addi %mul3A_2, %add3A_75 : i32
    %run_scoped3A_77 = arith.constant 0 : i32
    "tpu.region"() ({
      %run_scoped3A_96 = tpu.sem_alloc : memref<!tpu.dma_semaphore, #tpu.memory_space<semaphore_mem>>
      %dma_start3A = arith.constant 0 : i32
      %dma_start3A_97 = arith.constant 0 : i32
      %dma_start3A_98 = tpu.memref_slice %arg7[%run_scoped3A_77, %dma_start3A, %dma_start3A_97] : memref<2x256x64xf32, #tpu.memory_space<vmem>> -> memref<1x256x64xf32, #tpu.memory_space<vmem>>
      %dma_start3A_99 = tpu.memref_squeeze %dma_start3A_98 : memref<1x256x64xf32, #tpu.memory_space<vmem>> -> memref<256x64xf32, #tpu.memory_space<vmem>>
      %dma_start3A_100 = arith.constant 0 : i32
      %dma_start3A_101 = tpu.memref_slice %arg4[%add3A_76, %dma_start3A_100] : memref<16384x64xf32, #tpu.memory_space<hbm>> -> memref<256x64xf32, #tpu.memory_space<hbm>>
      %dma_start3A_102 = arith.constant 0 : i32
      %dma_start3A_103 = tpu.memref_slice %arg4[%add3A_76, %dma_start3A_102] : memref<16384x64xf32, #tpu.memory_space<hbm>> -> memref<256x64xf32, #tpu.memory_space<hbm>>
      %dma_start3A_104 = arith.constant 0 : i32
      %dma_start3A_105 = arith.constant 0 : i32
      %dma_start3A_106 = tpu.memref_slice %arg7[%run_scoped3A_77, %dma_start3A_104, %dma_start3A_105] : memref<2x256x64xf32, #tpu.memory_space<vmem>> -> memref<1x256x64xf32, #tpu.memory_space<vmem>>
      %dma_start3A_107 = tpu.memref_squeeze %dma_start3A_106 : memref<1x256x64xf32, #tpu.memory_space<vmem>> -> memref<256x64xf32, #tpu.memory_space<vmem>>
      tpu.enqueue_dma source(%dma_start3A_107 : memref<256x64xf32, #tpu.memory_space<vmem>>) target(%dma_start3A_103 : memref<256x64xf32, #tpu.memory_space<hbm>>) target_semaphore(%run_scoped3A_96 : memref<!tpu.dma_semaphore, #tpu.memory_space<semaphore_mem>>)
      %dma_wait3A_108 = arith.constant 0 : i32
      %dma_wait3A_109 = arith.constant 0 : i32
      %dma_wait3A_110 = tpu.memref_slice %arg7[%run_scoped3A_77, %dma_wait3A_108, %dma_wait3A_109] : memref<2x256x64xf32, #tpu.memory_space<vmem>> -> memref<1x256x64xf32, #tpu.memory_space<vmem>>
      %dma_wait3A_111 = tpu.memref_squeeze %dma_wait3A_110 : memref<1x256x64xf32, #tpu.memory_space<vmem>> -> memref<256x64xf32, #tpu.memory_space<vmem>>
      %dma_wait3A_112 = arith.constant 0 : i32
      %dma_wait3A_113 = tpu.memref_slice %arg4[%add3A_76, %dma_wait3A_112] : memref<16384x64xf32, #tpu.memory_space<hbm>> -> memref<256x64xf32, #tpu.memory_space<hbm>>
      %dma_wait3A_114 = arith.constant 0 : i32
      %dma_wait3A_115 = tpu.memref_slice %arg4[%add3A_76, %dma_wait3A_114] : memref<16384x64xf32, #tpu.memory_space<hbm>> -> memref<256x64xf32, #tpu.memory_space<hbm>>
      %dma_wait3A_116 = arith.constant 0 : i32
      %dma_wait3A_117 = arith.constant 0 : i32
      %dma_wait3A_118 = tpu.memref_slice %arg7[%run_scoped3A_77, %dma_wait3A_116, %dma_wait3A_117] : memref<2x256x64xf32, #tpu.memory_space<vmem>> -> memref<1x256x64xf32, #tpu.memory_space<vmem>>
      %dma_wait3A_119 = tpu.memref_squeeze %dma_wait3A_118 : memref<1x256x64xf32, #tpu.memory_space<vmem>> -> memref<256x64xf32, #tpu.memory_space<vmem>>
      tpu.wait_dma2 semaphore(%run_scoped3A_96 : memref<!tpu.dma_semaphore, #tpu.memory_space<semaphore_mem>>) src(%dma_wait3A_119 : memref<256x64xf32, #tpu.memory_space<vmem>>) dst(%dma_wait3A_115 : memref<256x64xf32, #tpu.memory_space<hbm>>)
      tpu.yield
    }) : () -> ()
    %dma_wait3A_78 = arith.constant 1 : i32
    %dma_wait3A_79 = arith.constant 0 : i32
    %dma_wait3A_80 = arith.constant 0 : i32
    %dma_wait3A_81 = tpu.memref_slice %arg7[%dma_wait3A_78, %dma_wait3A_79, %dma_wait3A_80] : memref<2x256x64xf32, #tpu.memory_space<vmem>> -> memref<1x256x64xf32, #tpu.memory_space<vmem>>
    %dma_wait3A_82 = tpu.memref_squeeze %dma_wait3A_81 : memref<1x256x64xf32, #tpu.memory_space<vmem>> -> memref<256x64xf32, #tpu.memory_space<vmem>>
    %dma_wait3A_83 = arith.constant 0 : i32
    %dma_wait3A_84 = arith.constant 0 : i32
    %dma_wait3A_85 = tpu.memref_slice %arg3[%dma_wait3A_83, %dma_wait3A_84] : memref<1000000x64xf32, #tpu.memory_space<hbm>> -> memref<256x64xf32, #tpu.memory_space<hbm>>
    %dma_wait3A_86 = arith.constant 0 : i32
    %dma_wait3A_87 = arith.constant 0 : i32
    %dma_wait3A_88 = tpu.memref_slice %arg7[%dma_wait3A_78, %dma_wait3A_86, %dma_wait3A_87] : memref<2x256x64xf32, #tpu.memory_space<vmem>> -> memref<1x256x64xf32, #tpu.memory_space<vmem>>
    %dma_wait3A_89 = tpu.memref_squeeze %dma_wait3A_88 : memref<1x256x64xf32, #tpu.memory_space<vmem>> -> memref<256x64xf32, #tpu.memory_space<vmem>>
    %dma_wait3A_90 = arith.constant 0 : i32
    %dma_wait3A_91 = arith.constant 0 : i32
    %dma_wait3A_92 = tpu.memref_slice %arg3[%dma_wait3A_90, %dma_wait3A_91] : memref<1000000x64xf32, #tpu.memory_space<hbm>> -> memref<256x64xf32, #tpu.memory_space<hbm>>
    tpu.wait_dma2 semaphore(%arg9 : memref<!tpu.dma_semaphore, #tpu.memory_space<semaphore_mem>>) src(%dma_wait3A_92 : memref<256x64xf32, #tpu.memory_space<hbm>>) dst(%dma_wait3A_89 : memref<256x64xf32, #tpu.memory_space<vmem>>)
    %add3A_93 = arith.constant 256 : i32
    %add3A_94 = arith.addi %mul3A_2, %add3A_93 : i32
    %run_scoped3A_95 = arith.constant 1 : i32
    "tpu.region"() ({
      %run_scoped3A_96 = tpu.sem_alloc : memref<!tpu.dma_semaphore, #tpu.memory_space<semaphore_mem>>
      %dma_start3A = arith.constant 0 : i32
      %dma_start3A_97 = arith.constant 0 : i32
      %dma_start3A_98 = tpu.memref_slice %arg7[%run_scoped3A_95, %dma_start3A, %dma_start3A_97] : memref<2x256x64xf32, #tpu.memory_space<vmem>> -> memref<1x256x64xf32, #tpu.memory_space<vmem>>
      %dma_start3A_99 = tpu.memref_squeeze %dma_start3A_98 : memref<1x256x64xf32, #tpu.memory_space<vmem>> -> memref<256x64xf32, #tpu.memory_space<vmem>>
      %dma_start3A_100 = arith.constant 0 : i32
      %dma_start3A_101 = tpu.memref_slice %arg5[%add3A_94, %dma_start3A_100] : memref<16384x64xf32, #tpu.memory_space<hbm>> -> memref<256x64xf32, #tpu.memory_space<hbm>>
      %dma_start3A_102 = arith.constant 0 : i32
      %dma_start3A_103 = tpu.memref_slice %arg5[%add3A_94, %dma_start3A_102] : memref<16384x64xf32, #tpu.memory_space<hbm>> -> memref<256x64xf32, #tpu.memory_space<hbm>>
      %dma_start3A_104 = arith.constant 0 : i32
      %dma_start3A_105 = arith.constant 0 : i32
      %dma_start3A_106 = tpu.memref_slice %arg7[%run_scoped3A_95, %dma_start3A_104, %dma_start3A_105] : memref<2x256x64xf32, #tpu.memory_space<vmem>> -> memref<1x256x64xf32, #tpu.memory_space<vmem>>
      %dma_start3A_107 = tpu.memref_squeeze %dma_start3A_106 : memref<1x256x64xf32, #tpu.memory_space<vmem>> -> memref<256x64xf32, #tpu.memory_space<vmem>>
      tpu.enqueue_dma source(%dma_start3A_107 : memref<256x64xf32, #tpu.memory_space<vmem>>) target(%dma_start3A_103 : memref<256x64xf32, #tpu.memory_space<hbm>>) target_semaphore(%run_scoped3A_96 : memref<!tpu.dma_semaphore, #tpu.memory_space<semaphore_mem>>)
      %dma_wait3A_108 = arith.constant 0 : i32
      %dma_wait3A_109 = arith.constant 0 : i32
      %dma_wait3A_110 = tpu.memref_slice %arg7[%run_scoped3A_95, %dma_wait3A_108, %dma_wait3A_109] : memref<2x256x64xf32, #tpu.memory_space<vmem>> -> memref<1x256x64xf32, #tpu.memory_space<vmem>>
      %dma_wait3A_111 = tpu.memref_squeeze %dma_wait3A_110 : memref<1x256x64xf32, #tpu.memory_space<vmem>> -> memref<256x64xf32, #tpu.memory_space<vmem>>
      %dma_wait3A_112 = arith.constant 0 : i32
      %dma_wait3A_113 = tpu.memref_slice %arg5[%add3A_94, %dma_wait3A_112] : memref<16384x64xf32, #tpu.memory_space<hbm>> -> memref<256x64xf32, #tpu.memory_space<hbm>>
      %dma_wait3A_114 = arith.constant 0 : i32
      %dma_wait3A_115 = tpu.memref_slice %arg5[%add3A_94, %dma_wait3A_114] : memref<16384x64xf32, #tpu.memory_space<hbm>> -> memref<256x64xf32, #tpu.memory_space<hbm>>
      %dma_wait3A_116 = arith.constant 0 : i32
      %dma_wait3A_117 = arith.constant 0 : i32
      %dma_wait3A_118 = tpu.memref_slice %arg7[%run_scoped3A_95, %dma_wait3A_116, %dma_wait3A_117] : memref<2x256x64xf32, #tpu.memory_space<vmem>> -> memref<1x256x64xf32, #tpu.memory_space<vmem>>
      %dma_wait3A_119 = tpu.memref_squeeze %dma_wait3A_118 : memref<1x256x64xf32, #tpu.memory_space<vmem>> -> memref<256x64xf32, #tpu.memory_space<vmem>>
      tpu.wait_dma2 semaphore(%run_scoped3A_96 : memref<!tpu.dma_semaphore, #tpu.memory_space<semaphore_mem>>) src(%dma_wait3A_119 : memref<256x64xf32, #tpu.memory_space<vmem>>) dst(%dma_wait3A_115 : memref<256x64xf32, #tpu.memory_space<hbm>>)
      tpu.yield
    }) : () -> ()
    return
  }
}

#map = affine_map<(d0, d1) -> (0, 0, 0)>
#map1 = affine_map<(d0, d1) -> (0, 0)>
module attributes {stable_mosaic.version = 14 : i64} {
  func.func @_user_body(%arg0: i32, %arg1: i32, %arg2: memref<32x4x128xi32, #tpu.memory_space<hbm>>, %arg3: memref<100000x64xf32, #tpu.memory_space<hbm>>, %arg4: memref<16384x64xf32, #tpu.memory_space<hbm>>, %arg5: memref<4x128xi32, #tpu.memory_space<vmem>>, %arg6: memref<512x64xf32, #tpu.memory_space<vmem>>, %arg7: memref<!tpu.dma_semaphore, #tpu.memory_space<semaphore_mem>>) attributes {dimension_semantics = [#tpu.dimension_semantics<core_parallel>, #tpu.dimension_semantics<subcore_parallel>], iteration_bounds = array<i64: 2, 16>, scalar_prefetch = 0 : i64, scratch_operands = 3 : i64, tpu.core_type = #tpu.core_type<sc_vector_subcore>, window_params = [{transform_indices = #map}, {transform_indices = #map1}, {transform_indices = #map1}]} {
    %mul3A = arith.constant 2 : i32
    %mul3A_0 = arith.muli %arg1, %mul3A : i32
    %add3A = arith.addi %mul3A_0, %arg0 : i32
    %mul3A_1 = arith.constant 512 : i32
    %mul3A_2 = arith.muli %add3A, %mul3A_1 : i32
    "tpu.region"() ({
      %run_scoped3A = tpu.sem_alloc : memref<!tpu.dma_semaphore, #tpu.memory_space<semaphore_mem>>
      %dma_start3A_81 = arith.constant 0 : i32
      %dma_start3A_82 = arith.constant 0 : i32
      %dma_start3A_83 = tpu.memref_slice %arg2[%add3A, %dma_start3A_81, %dma_start3A_82] : memref<32x4x128xi32, #tpu.memory_space<hbm>> -> memref<1x4x128xi32, #tpu.memory_space<hbm>>
      %dma_start3A_84 = tpu.memref_squeeze %dma_start3A_83 : memref<1x4x128xi32, #tpu.memory_space<hbm>> -> memref<4x128xi32, #tpu.memory_space<hbm>>
      %dma_start3A_85 = arith.constant 0 : i32
      %dma_start3A_86 = arith.constant 0 : i32
      %dma_start3A_87 = tpu.memref_slice %arg2[%add3A, %dma_start3A_85, %dma_start3A_86] : memref<32x4x128xi32, #tpu.memory_space<hbm>> -> memref<1x4x128xi32, #tpu.memory_space<hbm>>
      %dma_start3A_88 = tpu.memref_squeeze %dma_start3A_87 : memref<1x4x128xi32, #tpu.memory_space<hbm>> -> memref<4x128xi32, #tpu.memory_space<hbm>>
      tpu.enqueue_dma source(%dma_start3A_88 : memref<4x128xi32, #tpu.memory_space<hbm>>) target(%arg5 : memref<4x128xi32, #tpu.memory_space<vmem>>) target_semaphore(%run_scoped3A : memref<!tpu.dma_semaphore, #tpu.memory_space<semaphore_mem>>)
      %dma_wait3A_89 = arith.constant 0 : i32
      %dma_wait3A_90 = arith.constant 0 : i32
      %dma_wait3A_91 = tpu.memref_slice %arg2[%add3A, %dma_wait3A_89, %dma_wait3A_90] : memref<32x4x128xi32, #tpu.memory_space<hbm>> -> memref<1x4x128xi32, #tpu.memory_space<hbm>>
      %dma_wait3A_92 = tpu.memref_squeeze %dma_wait3A_91 : memref<1x4x128xi32, #tpu.memory_space<hbm>> -> memref<4x128xi32, #tpu.memory_space<hbm>>
      %dma_wait3A_93 = arith.constant 0 : i32
      %dma_wait3A_94 = arith.constant 0 : i32
      %dma_wait3A_95 = tpu.memref_slice %arg2[%add3A, %dma_wait3A_93, %dma_wait3A_94] : memref<32x4x128xi32, #tpu.memory_space<hbm>> -> memref<1x4x128xi32, #tpu.memory_space<hbm>>
      %dma_wait3A_96 = tpu.memref_squeeze %dma_wait3A_95 : memref<1x4x128xi32, #tpu.memory_space<hbm>> -> memref<4x128xi32, #tpu.memory_space<hbm>>
      tpu.wait_dma2 semaphore(%run_scoped3A : memref<!tpu.dma_semaphore, #tpu.memory_space<semaphore_mem>>) src(%dma_wait3A_96 : memref<4x128xi32, #tpu.memory_space<hbm>>) dst(%arg5 : memref<4x128xi32, #tpu.memory_space<vmem>>)
      tpu.yield
    }) : () -> ()
    %dma_start3A = arith.constant 0 : i32
    %dma_start3A_3 = arith.constant 0 : i32
    %dma_start3A_4 = arith.constant 0 : i32
    %dma_start3A_5 = tpu.memref_slice %arg6[%dma_start3A_3, %dma_start3A_4] : memref<512x64xf32, #tpu.memory_space<vmem>> -> memref<128x64xf32, #tpu.memory_space<vmem>>
    %dma_start3A_6 = arith.constant 0 : i32
    %dma_start3A_7 = tpu.memref_slice %arg5[%dma_start3A, %dma_start3A_6] : memref<4x128xi32, #tpu.memory_space<vmem>> -> memref<1x128xi32, #tpu.memory_space<vmem>>
    %dma_start3A_8 = tpu.memref_squeeze %dma_start3A_7 : memref<1x128xi32, #tpu.memory_space<vmem>> -> memref<128xi32, #tpu.memory_space<vmem>>
    %dma_start3A_9 = arith.constant 0 : i32
    %dma_start3A_10 = arith.constant 0 : i32
    %dma_start3A_11 = tpu.memref_slice %arg3[%dma_start3A_9, %dma_start3A_10] : memref<100000x64xf32, #tpu.memory_space<hbm>> -> memref<100000x64xf32, #tpu.memory_space<hbm>>
    tpu.enqueue_indirect_dma source(%dma_start3A_11 : memref<100000x64xf32, #tpu.memory_space<hbm>>) target(%dma_start3A_5 : memref<128x64xf32, #tpu.memory_space<vmem>>) offsets(%dma_start3A_8 : memref<128xi32, #tpu.memory_space<vmem>>) semaphore(%arg7 : memref<!tpu.dma_semaphore, #tpu.memory_space<semaphore_mem>>)
    %dma_start3A_12 = arith.constant 1 : i32
    %dma_start3A_13 = arith.constant 128 : i32
    %dma_start3A_14 = arith.constant 0 : i32
    %dma_start3A_15 = tpu.memref_slice %arg6[%dma_start3A_13, %dma_start3A_14] : memref<512x64xf32, #tpu.memory_space<vmem>> -> memref<128x64xf32, #tpu.memory_space<vmem>>
    %dma_start3A_16 = arith.constant 0 : i32
    %dma_start3A_17 = tpu.memref_slice %arg5[%dma_start3A_12, %dma_start3A_16] : memref<4x128xi32, #tpu.memory_space<vmem>> -> memref<1x128xi32, #tpu.memory_space<vmem>>
    %dma_start3A_18 = tpu.memref_squeeze %dma_start3A_17 : memref<1x128xi32, #tpu.memory_space<vmem>> -> memref<128xi32, #tpu.memory_space<vmem>>
    %dma_start3A_19 = arith.constant 0 : i32
    %dma_start3A_20 = arith.constant 0 : i32
    %dma_start3A_21 = tpu.memref_slice %arg3[%dma_start3A_19, %dma_start3A_20] : memref<100000x64xf32, #tpu.memory_space<hbm>> -> memref<100000x64xf32, #tpu.memory_space<hbm>>
    tpu.enqueue_indirect_dma source(%dma_start3A_21 : memref<100000x64xf32, #tpu.memory_space<hbm>>) target(%dma_start3A_15 : memref<128x64xf32, #tpu.memory_space<vmem>>) offsets(%dma_start3A_18 : memref<128xi32, #tpu.memory_space<vmem>>) semaphore(%arg7 : memref<!tpu.dma_semaphore, #tpu.memory_space<semaphore_mem>>)
    %dma_start3A_22 = arith.constant 2 : i32
    %dma_start3A_23 = arith.constant 256 : i32
    %dma_start3A_24 = arith.constant 0 : i32
    %dma_start3A_25 = tpu.memref_slice %arg6[%dma_start3A_23, %dma_start3A_24] : memref<512x64xf32, #tpu.memory_space<vmem>> -> memref<128x64xf32, #tpu.memory_space<vmem>>
    %dma_start3A_26 = arith.constant 0 : i32
    %dma_start3A_27 = tpu.memref_slice %arg5[%dma_start3A_22, %dma_start3A_26] : memref<4x128xi32, #tpu.memory_space<vmem>> -> memref<1x128xi32, #tpu.memory_space<vmem>>
    %dma_start3A_28 = tpu.memref_squeeze %dma_start3A_27 : memref<1x128xi32, #tpu.memory_space<vmem>> -> memref<128xi32, #tpu.memory_space<vmem>>
    %dma_start3A_29 = arith.constant 0 : i32
    %dma_start3A_30 = arith.constant 0 : i32
    %dma_start3A_31 = tpu.memref_slice %arg3[%dma_start3A_29, %dma_start3A_30] : memref<100000x64xf32, #tpu.memory_space<hbm>> -> memref<100000x64xf32, #tpu.memory_space<hbm>>
    tpu.enqueue_indirect_dma source(%dma_start3A_31 : memref<100000x64xf32, #tpu.memory_space<hbm>>) target(%dma_start3A_25 : memref<128x64xf32, #tpu.memory_space<vmem>>) offsets(%dma_start3A_28 : memref<128xi32, #tpu.memory_space<vmem>>) semaphore(%arg7 : memref<!tpu.dma_semaphore, #tpu.memory_space<semaphore_mem>>)
    %dma_start3A_32 = arith.constant 3 : i32
    %dma_start3A_33 = arith.constant 384 : i32
    %dma_start3A_34 = arith.constant 0 : i32
    %dma_start3A_35 = tpu.memref_slice %arg6[%dma_start3A_33, %dma_start3A_34] : memref<512x64xf32, #tpu.memory_space<vmem>> -> memref<128x64xf32, #tpu.memory_space<vmem>>
    %dma_start3A_36 = arith.constant 0 : i32
    %dma_start3A_37 = tpu.memref_slice %arg5[%dma_start3A_32, %dma_start3A_36] : memref<4x128xi32, #tpu.memory_space<vmem>> -> memref<1x128xi32, #tpu.memory_space<vmem>>
    %dma_start3A_38 = tpu.memref_squeeze %dma_start3A_37 : memref<1x128xi32, #tpu.memory_space<vmem>> -> memref<128xi32, #tpu.memory_space<vmem>>
    %dma_start3A_39 = arith.constant 0 : i32
    %dma_start3A_40 = arith.constant 0 : i32
    %dma_start3A_41 = tpu.memref_slice %arg3[%dma_start3A_39, %dma_start3A_40] : memref<100000x64xf32, #tpu.memory_space<hbm>> -> memref<100000x64xf32, #tpu.memory_space<hbm>>
    tpu.enqueue_indirect_dma source(%dma_start3A_41 : memref<100000x64xf32, #tpu.memory_space<hbm>>) target(%dma_start3A_35 : memref<128x64xf32, #tpu.memory_space<vmem>>) offsets(%dma_start3A_38 : memref<128xi32, #tpu.memory_space<vmem>>) semaphore(%arg7 : memref<!tpu.dma_semaphore, #tpu.memory_space<semaphore_mem>>)
    %dma_wait3A = arith.constant 0 : i32
    %dma_wait3A_42 = arith.constant 0 : i32
    %dma_wait3A_43 = arith.constant 0 : i32
    %dma_wait3A_44 = tpu.memref_slice %arg6[%dma_wait3A_42, %dma_wait3A_43] : memref<512x64xf32, #tpu.memory_space<vmem>> -> memref<128x64xf32, #tpu.memory_space<vmem>>
    %dma_wait3A_45 = arith.constant 0 : i32
    %dma_wait3A_46 = tpu.memref_slice %arg5[%dma_wait3A, %dma_wait3A_45] : memref<4x128xi32, #tpu.memory_space<vmem>> -> memref<1x128xi32, #tpu.memory_space<vmem>>
    %dma_wait3A_47 = tpu.memref_squeeze %dma_wait3A_46 : memref<1x128xi32, #tpu.memory_space<vmem>> -> memref<128xi32, #tpu.memory_space<vmem>>
    %dma_wait3A_48 = arith.constant 0 : i32
    %dma_wait3A_49 = arith.constant 0 : i32
    %dma_wait3A_50 = tpu.memref_slice %arg3[%dma_wait3A_48, %dma_wait3A_49] : memref<100000x64xf32, #tpu.memory_space<hbm>> -> memref<100000x64xf32, #tpu.memory_space<hbm>>
    tpu.wait_indirect_dma semaphore(%arg7 : memref<!tpu.dma_semaphore, #tpu.memory_space<semaphore_mem>>) src(%dma_wait3A_50 : memref<100000x64xf32, #tpu.memory_space<hbm>>) dst(%dma_wait3A_44 : memref<128x64xf32, #tpu.memory_space<vmem>>)
    %dma_wait3A_51 = arith.constant 1 : i32
    %dma_wait3A_52 = arith.constant 128 : i32
    %dma_wait3A_53 = arith.constant 0 : i32
    %dma_wait3A_54 = tpu.memref_slice %arg6[%dma_wait3A_52, %dma_wait3A_53] : memref<512x64xf32, #tpu.memory_space<vmem>> -> memref<128x64xf32, #tpu.memory_space<vmem>>
    %dma_wait3A_55 = arith.constant 0 : i32
    %dma_wait3A_56 = tpu.memref_slice %arg5[%dma_wait3A_51, %dma_wait3A_55] : memref<4x128xi32, #tpu.memory_space<vmem>> -> memref<1x128xi32, #tpu.memory_space<vmem>>
    %dma_wait3A_57 = tpu.memref_squeeze %dma_wait3A_56 : memref<1x128xi32, #tpu.memory_space<vmem>> -> memref<128xi32, #tpu.memory_space<vmem>>
    %dma_wait3A_58 = arith.constant 0 : i32
    %dma_wait3A_59 = arith.constant 0 : i32
    %dma_wait3A_60 = tpu.memref_slice %arg3[%dma_wait3A_58, %dma_wait3A_59] : memref<100000x64xf32, #tpu.memory_space<hbm>> -> memref<100000x64xf32, #tpu.memory_space<hbm>>
    tpu.wait_indirect_dma semaphore(%arg7 : memref<!tpu.dma_semaphore, #tpu.memory_space<semaphore_mem>>) src(%dma_wait3A_60 : memref<100000x64xf32, #tpu.memory_space<hbm>>) dst(%dma_wait3A_54 : memref<128x64xf32, #tpu.memory_space<vmem>>)
    %dma_wait3A_61 = arith.constant 2 : i32
    %dma_wait3A_62 = arith.constant 256 : i32
    %dma_wait3A_63 = arith.constant 0 : i32
    %dma_wait3A_64 = tpu.memref_slice %arg6[%dma_wait3A_62, %dma_wait3A_63] : memref<512x64xf32, #tpu.memory_space<vmem>> -> memref<128x64xf32, #tpu.memory_space<vmem>>
    %dma_wait3A_65 = arith.constant 0 : i32
    %dma_wait3A_66 = tpu.memref_slice %arg5[%dma_wait3A_61, %dma_wait3A_65] : memref<4x128xi32, #tpu.memory_space<vmem>> -> memref<1x128xi32, #tpu.memory_space<vmem>>
    %dma_wait3A_67 = tpu.memref_squeeze %dma_wait3A_66 : memref<1x128xi32, #tpu.memory_space<vmem>> -> memref<128xi32, #tpu.memory_space<vmem>>
    %dma_wait3A_68 = arith.constant 0 : i32
    %dma_wait3A_69 = arith.constant 0 : i32
    %dma_wait3A_70 = tpu.memref_slice %arg3[%dma_wait3A_68, %dma_wait3A_69] : memref<100000x64xf32, #tpu.memory_space<hbm>> -> memref<100000x64xf32, #tpu.memory_space<hbm>>
    tpu.wait_indirect_dma semaphore(%arg7 : memref<!tpu.dma_semaphore, #tpu.memory_space<semaphore_mem>>) src(%dma_wait3A_70 : memref<100000x64xf32, #tpu.memory_space<hbm>>) dst(%dma_wait3A_64 : memref<128x64xf32, #tpu.memory_space<vmem>>)
    %dma_wait3A_71 = arith.constant 3 : i32
    %dma_wait3A_72 = arith.constant 384 : i32
    %dma_wait3A_73 = arith.constant 0 : i32
    %dma_wait3A_74 = tpu.memref_slice %arg6[%dma_wait3A_72, %dma_wait3A_73] : memref<512x64xf32, #tpu.memory_space<vmem>> -> memref<128x64xf32, #tpu.memory_space<vmem>>
    %dma_wait3A_75 = arith.constant 0 : i32
    %dma_wait3A_76 = tpu.memref_slice %arg5[%dma_wait3A_71, %dma_wait3A_75] : memref<4x128xi32, #tpu.memory_space<vmem>> -> memref<1x128xi32, #tpu.memory_space<vmem>>
    %dma_wait3A_77 = tpu.memref_squeeze %dma_wait3A_76 : memref<1x128xi32, #tpu.memory_space<vmem>> -> memref<128xi32, #tpu.memory_space<vmem>>
    %dma_wait3A_78 = arith.constant 0 : i32
    %dma_wait3A_79 = arith.constant 0 : i32
    %dma_wait3A_80 = tpu.memref_slice %arg3[%dma_wait3A_78, %dma_wait3A_79] : memref<100000x64xf32, #tpu.memory_space<hbm>> -> memref<100000x64xf32, #tpu.memory_space<hbm>>
    tpu.wait_indirect_dma semaphore(%arg7 : memref<!tpu.dma_semaphore, #tpu.memory_space<semaphore_mem>>) src(%dma_wait3A_80 : memref<100000x64xf32, #tpu.memory_space<hbm>>) dst(%dma_wait3A_74 : memref<128x64xf32, #tpu.memory_space<vmem>>)
    "tpu.region"() ({
      %run_scoped3A = tpu.sem_alloc : memref<!tpu.dma_semaphore, #tpu.memory_space<semaphore_mem>>
      %dma_start3A_81 = arith.constant 0 : i32
      %dma_start3A_82 = tpu.memref_slice %arg4[%mul3A_2, %dma_start3A_81] : memref<16384x64xf32, #tpu.memory_space<hbm>> -> memref<512x64xf32, #tpu.memory_space<hbm>>
      %dma_start3A_83 = arith.constant 0 : i32
      %dma_start3A_84 = tpu.memref_slice %arg4[%mul3A_2, %dma_start3A_83] : memref<16384x64xf32, #tpu.memory_space<hbm>> -> memref<512x64xf32, #tpu.memory_space<hbm>>
      tpu.enqueue_dma source(%arg6 : memref<512x64xf32, #tpu.memory_space<vmem>>) target(%dma_start3A_84 : memref<512x64xf32, #tpu.memory_space<hbm>>) target_semaphore(%run_scoped3A : memref<!tpu.dma_semaphore, #tpu.memory_space<semaphore_mem>>)
      %dma_wait3A_85 = arith.constant 0 : i32
      %dma_wait3A_86 = tpu.memref_slice %arg4[%mul3A_2, %dma_wait3A_85] : memref<16384x64xf32, #tpu.memory_space<hbm>> -> memref<512x64xf32, #tpu.memory_space<hbm>>
      %dma_wait3A_87 = arith.constant 0 : i32
      %dma_wait3A_88 = tpu.memref_slice %arg4[%mul3A_2, %dma_wait3A_87] : memref<16384x64xf32, #tpu.memory_space<hbm>> -> memref<512x64xf32, #tpu.memory_space<hbm>>
      tpu.wait_dma2 semaphore(%run_scoped3A : memref<!tpu.dma_semaphore, #tpu.memory_space<semaphore_mem>>) src(%arg6 : memref<512x64xf32, #tpu.memory_space<vmem>>) dst(%dma_wait3A_88 : memref<512x64xf32, #tpu.memory_space<hbm>>)
      tpu.yield
    }) : () -> ()
    return
  }
}

</mosaic_0001>

<sc_bundles>
// kernel: _sbpr.4.cloned.1.call-start
scs
__scs_entry_jumppad:
0x0: {  	(pc) =	sbr.rel $0x88, $3  }
0x1: {  	(tag) =	ssettag $0x0;
	lr =	simm.s32 $0x1  }
0x2: {  	[smem:$0x3F9D] =	sst lr;
	_ =	strace $0xD0000000  }
0x3: {  	_ = 	snop  }
0x4: {  	_ = 	snop  }
0x5: {  	_ = 	snop  }
0x6: {  	_ = 	snop  }
0x7: {  	_ = 	snop  }
__scs_overlays_trampoline_lowered:
0x8: {  	[smem:$0x3FAC] =	sst s0  }
0x9: {  	[smem:$0x3FAD] =	sst s1  }
0xa: {  	[smem:$0x3FAE] =	sst s2  }
0xb: {  	[smem:$0x3FAF] =	sst s3  }
0xc: {  	[smem:$0x3FB0] =	sst s4  }
0xd: {  	[smem:$0x3FB1] =	sst s5  }
0xe: {  	[smem:$0x3FB2] =	sst s6  }
0xf: {  	[smem:$0x3FB3] =	sst s7  }
0x10: {  	[smem:$0x3FB4] =	sst s8  }
0x11: {  	[smem:$0x3FB5] =	sst s9;
	s0 =	simm.s32 @!p0 $0x0  }
0x12: {  	s1 =	sld [smem:$0x3F9B];
	s0 =	simm.s32 @p0 $0x1  }
0x13: {  	[smem:$0x3FB6] =	sst s0;
	s0 =	simm.s32 @!p1 $0x0  }
0x14: {  	s2 =	sld [smem:$0x3F9A];
	s0 =	simm.s32 @p1 $0x1  }
0x15: {  	[smem:$0x3FB7] =	sst s0;
	s0 =	simm.s32 @!p2 $0x0  }
0x16: {  	s3 =	sld [smem:$0x3FDB];
	s0 =	simm.s32 @p2 $0x1  }
0x17: {  	s4 =	simm.s32 $0x1BF5;
	[smem:$0x3FB9] =	sst s0  }
0x18: {  	s0 =	sld [smem:$0x3F9C];
	_ =	swait.ge [sflag:s4], $0x0  }
0x19: {  	s7 =	sld [smem:$0x3F9D]  }
0x1a: {  	s8 =	sadd.s32 $0xFFFFE003, lr  }
0x1b: {  	s9 =	sadd.s32 $0xFFFFFEF7, lr;
	s5 =	simm.s32 $0xFFFFFFFF;
	p2 =	slt.u32 s8, $0xFFFFF086  }
0x1c: {  	p1 =	slt.u32 s9, $0xF7A;
	s5 =	simm.s32 @!p2 $0x0  }
0x1d: {  	s5 =	simm.s32 @p1 $0x1;
	p0 =	seq.s32 s7, s2  }
0x1e: {  	s7 =	smul.u32 @!p0 $0xF7A, s2;
	p2 =	seq.s32 @!p0 s5, $0x0  }
0x1f: {  	s9 =	smul.u32 $0xF7A, s1;
	s8 =	simm.s32 @!p0 $0x1BF5;
	p2 =	por !p2, p0  }
0x20: {  	[sflag:s8] =	ssyncset.s32 @!p0 $0xFFFFF086;
	s6 =	sadd.s32 @!p0 s3, s7;
	s7 =	simm.s32 @!p0 $0x108  }
0x21: {  	s3 =	sadd.s32 s3, s9;
	s6 =	sadd.s32 @!p0 $0x88, s6;
	s7 =	simm.s32 @p2 $0x1082  }
0x22: {  	[simem:s7], [sflag:s8] =	dma.local @!p0 [hbm:s6], $0xF7A  }
0x23: {  	s9 =	sor.u32 $0xD0000000, s2;
	s6 =	simm.s32 $0x108;
	_ =	swait.ge @!p0 [sflag:s8], $0x0  }
0x24: {  	s3 =	sadd.s32 $0x88, s3;
	s6 =	simm.s32 @!p1 $0x1082;
	[sflag:s4] =	ssyncset.s32 $0xFFFFF086  }
0x25: {  	[simem:s6], [sflag:s4] =	dma.local [hbm:s3], $0xF7A  }
0x26: {  	[smem:$0x3F9D] =	sst s1;
	(tag) =	ssettag s2;
	_ =	strace s9  }
0x27: {  	s1 =	sld [smem:$0x3FAD]  }
0x28: {  	s2 =	sld [smem:$0x3FAE]  }
0x29: {  	s4 =	sld [smem:$0x3FB0]  }
0x2a: {  	p0 =	seq.s32 s5, $0x0;
	s5 =	sld [smem:$0x3FB1]  }
0x2b: {  	s6 =	sld [smem:$0x3FB2]  }
0x2c: {  	s7 =	sld [smem:$0x3FB3]  }
0x2d: {  	s3 =	simm.s32 $0x108;
	s8 =	sld [smem:$0x3FB4]  }
0x2e: {  	s3 =	simm.s32 @!p0 $0x1082;
	s9 =	sld [smem:$0x3FB5]  }
0x2f: {  	lr =	sadd.s32 s0, s3;
	s0 =	sld [smem:$0x3FAC]  }
0x30: {  	s3 =	sld [smem:$0x3FAF]  }
0x31: {  	[smem:$0x3FB8] =	sst s10  }
0x32: {  	s10 =	sld [smem:$0x3FB6];
	_ =	sdelay $0x3  }
0x33: {  	p0 =	seq.s32 s10, $0x1;
	s10 =	sld [smem:$0x3FB8];
	_ =	sdelay $0x3  }
0x34: {  	[smem:$0x3FB8] =	sst s10  }
0x35: {  	s10 =	sld [smem:$0x3FB7];
	_ =	sdelay $0x3  }
0x36: {  	p1 =	seq.s32 s10, $0x1;
	s10 =	sld [smem:$0x3FB8];
	_ =	sdelay $0x3  }
0x37: {  	[smem:$0x3FB8] =	sst s10  }
0x38: {  	s10 =	sld [smem:$0x3FB9]  }
0x39: {  	_ = 	snop;
	(pc) =	sbr.ind lr, $3  }
0x3a: {  	_ = 	snop  }
0x3b: {  	_ = 	snop  }
0x3c: {  	p2 =	seq.s32 s10, $0x1;
	s10 =	sld [smem:$0x3FB8]  }
0x3d: {  	_ =	shalt  }
0x3e: {  	_ =	shalt  }
0x3f: {  	_ =	shalt  }
0x40: {  	_ =	shalt  }
0x41: {  	_ =	shalt  }
0x42: {  	_ =	shalt  }
0x43: {  	_ =	shalt  }
0x44: {  	_ =	shalt  }
0x45: {  	_ =	shalt  }
0x46: {  	_ =	shalt  }
0x47: {  	_ =	shalt  }
0x48: {  	_ =	shalt  }
0x49: {  	_ =	shalt  }
0x4a: {  	_ =	shalt  }
0x4b: {  	_ =	shalt  }
0x4c: {  	_ =	shalt  }
0x4d: {  	_ =	shalt  }
0x4e: {  	_ =	shalt  }
0x4f: {  	_ =	shalt  }
0x50: {  	_ =	shalt  }
0x51: {  	_ =	shalt  }
0x52: {  	_ =	shalt  }
0x53: {  	_ =	shalt  }
0x54: {  	_ =	shalt  }
0x55: {  	_ =	shalt  }
0x56: {  	_ =	shalt  }
0x57: {  	_ =	shalt  }
0x58: {  	_ =	shalt  }
0x59: {  	_ =	shalt  }
0x5a: {  	_ =	shalt  }
0x5b: {  	_ =	shalt  }
0x5c: {  	_ =	shalt  }
0x5d: {  	_ =	shalt  }
0x5e: {  	_ =	shalt  }
0x5f: {  	_ =	shalt  }
0x60: {  	_ =	shalt  }
0x61: {  	_ =	shalt  }
0x62: {  	_ =	shalt  }
0x63: {  	_ =	shalt  }
0x64: {  	_ =	shalt  }
0x65: {  	_ =	shalt  }
0x66: {  	_ =	shalt  }
0x67: {  	_ =	shalt  }
0x68: {  	_ =	shalt  }
0x69: {  	_ =	shalt  }
0x6a: {  	_ =	shalt  }
0x6b: {  	_ =	shalt  }
0x6c: {  	_ =	shalt  }
0x6d: {  	_ =	shalt  }
0x6e: {  	_ =	shalt  }
0x6f: {  	_ =	shalt  }
0x70: {  	_ =	shalt  }
0x71: {  	_ =	shalt  }
0x72: {  	_ =	shalt  }
0x73: {  	_ =	shalt  }
0x74: {  	_ =	shalt  }
0x75: {  	_ =	shalt  }
0x76: {  	_ =	shalt  }
0x77: {  	_ =	shalt  }
0x78: {  	_ =	shalt  }
0x79: {  	_ =	shalt  }
0x7a: {  	_ =	shalt  }
0x7b: {  	_ =	shalt  }
0x7c: {  	_ =	shalt  }
0x7d: {  	_ =	shalt  }
0x7e: {  	_ =	shalt  }
0x7f: {  	_ =	shalt  }
0x80: {  	_ =	shalt  }
0x81: {  	_ =	shalt  }
0x82: {  	_ =	shalt  }
0x83: {  	_ =	shalt  }
0x84: {  	_ =	shalt  }
0x85: {  	_ =	shalt  }
0x86: {  	_ =	shalt  }
0x87: {  	_ =	shalt  }
.Lfunc_end0:
.L_simem_size_0:
called_computation_lowered:
.L_overlay_start_0:
0x88: {  	s2 =	sld [smem:$0x3FD9]  }
0x89: {  	s3 =	sld [smem:$0x3FFE];
	_ =	sdelay $0x1  }
0x8a: {  	s1 =	srdreg.scid  }
0x8b: {  	s0 =	sand.u32 $0x1, s1  }
0x8c: {  	s17 =	sshll.u32 s0, $0xA;
	s2 =	sadd.s32 s3, s2  }
0x8d: {  	s2 =	sadd.s32 s2, s17  }
0x8e: {  	[smem:$0x3FC4] =	sst s2  }
0x8f: {  	_ = 	snop  }
0x90: {  	s2 =	sld [smem:$0x3FC8];
	(tm) =	ssettm $0x1  }
0x91: {  	s18 =	sld [smem:$0x3FFB];
	_ =	sdelay $0x3  }
0x92: {  	_ =	strace s18  }
0x93: {  	s3 =	sld [smem:$0x3FFC];
	_ =	sdelay $0x3  }
0x94: {  	_ =	strace s3  }
0x95: {  	s3 =	sld [smem:$0x3FFD];
	_ =	sdelay $0x3  }
0x96: {  	_ =	strace s3  }
0x97: {  	_ =	strace $0x8FFFFFFF  }
0x98: {  	s19 =	sld [smem:$0x3FDB];
	_ =	sdelay $0x1  }
0x99: {  	s4 =	simm.s32 $_scs_section_size  }
0x9a: {  	s5 =	simm.s32 $_size__tile_overlayer_lowered;
	s6 =	simm.s32 $_tile_overlayer_lowered  }
0x9b: {  	s22 =	simm.s32 $0x1BFF;
	s21 =	sshll.u32 s6, $0x1;
	s3 =	sadd.s32 s4, s19  }
0x9c: {  	s7 =	simm.s32 $0x0;
	s20 =	sshll.u32 s5, $0x1;
	s5 =	sadd.s32 s21, s3  }
0x9d: {  	[timem:s7], [sflag:s22] =	dma.local [hbm:s5], s20  }
0x9e: {  	_ =	swait.ge [sflag:s22], s20  }
0x9f: {  	s4 =	ssub.s32 $0x0, s20;
	[sflag:s22] =	ssyncset.done $0x0  }
0xa0: {  	[sflag:s22] =	ssyncadd.s32 s4;
	_ =	sdelay $0x1  }
0xa1: {  	s23 =	simm.s32 $0x1B8B  }
0xa2: {  	_ =	swait.ge [sflag:s23], $0x1  }
0xa3: {  	[sflag:s23] =	ssyncset.done $0x0  }
0xa4: {  	s25 =	simm.s32 $0x1B8E;
	s24 =	sld [smem:$0x3FFE];
	[sflag:s23] =	ssyncadd.s32 $0xFFFFFFFF  }
0xa5: {  	s26 =	simm.s32 $execute0_lowered;
	[smem:$0x3FD2] =	sst s25  }
0xa6: {  	s5 =	sshll.u32 s26, $0x1;
	_ =	strace $0x80000046;
	[dreg:$0x1] =	wrdreg $0xFFFFFFFF  }
0xa7: {  	s28 =	simm.s32 $_size_execute0_lowered;
	s3 =	sadd.s32 s3, s5;
	[dreg:$0x0] =	wrdreg $0x0  }
0xa8: {  	s5 =	sshll.u32 s28, $0x1;
	[dreg:$0x2] =	wrdreg s3  }
0xa9: {  	[dreg:$0x3] =	wrdreg s5  }
0xaa: {  	[dreg:$0x4] =	wrdreg $0xC0  }
0xab: {  	_ =	task [dreg:s7], $0x5FFFF  }
0xac: {  	[dreg:$0x1] =	wrdreg $0xFFFFFFFF  }
0xad: {  	[dreg:$0x0] =	wrdreg $0x60  }
0xae: {  	[dreg:$0x2] =	wrdreg s2  }
0xaf: {  	[dreg:$0x3] =	wrdreg s24  }
0xb0: {  	[dreg:$0x4] =	wrdreg $0x9  }
0xb1: {  	_ =	task.clear_ibuf [dreg:s7], $0x5FFFF;
	_ =	strace $0x90000046  }
0xb2: {  	s29 =	simm.s32 $0x9;
	_ =	strace $0x80000048  }
0xb3: {  	_ =	swait.ge [sflag:s29], $0x1  }
0xb4: {  	[sflag:s29] =	ssyncadd.s32 $0xFFFFFFFF  }
0xb5: {  	_ =	strace $0x90000048  }
0xb6: {  	_ =	sfence  }
0xb7: {  	s30 =	sld [smem:$0x0];
	_ =	sdelay $0x2  }
0xb8: {  	s31 =	sshll.u32 s1, $0xD;
	s1 =	sshrl.u32 s1, $0x2  }
0xb9: {  	s3 =	sand.u32 $0x4000, s31;
	s1 =	sadd.s32 s1, s30  }
0xba: {  	s0 =	sor.u32 s3, s0;
	s1 =	sshll.u32 s1, $0x11  }
0xbb: {  	s0 =	sor.u32 s1, s0  }
0xbc: {  	s0 =	sadd.s32 $0x8F2B, s0  }
0xbd: {  	[sflag:s0] =	ssyncadd.remote.s32 $0x1  }
0xbe: {  	_ =	sfence.sel $0xFFFF  }
0xbf: {  	[dreg:$0x0] =	wrdreg $0xFFFFFFFF;
	(pc) =	sbr.abs _section_cstart, $3  }
0xc0: {  	[dreg:$0x1] =	wrdreg $0xFFFFFFFF  }
0xc1: {  	_ =	task.clear_ibuf [dreg:s7], $0x2FFFF;
	_ =	strace $0x9FFFFFFF  }
0xc2: {  	(tm) =	ssettm $0x7FFFFFFF  }
0xc3: {  	_ =	shalt  }
tec
execute0_lowered:
.L_overlay_start_1:
0x0: {  	(tag) =	ssettag $0x1  }
0x1: {  	s4 =	rddreg [dreg:$0x0]  }
0x2: {  	s5 =	rddreg [dreg:$0x1];
	s1 =	simm.s32 $0x0  }
0x3: {  	s6 =	srdreg.scid;
	s0 =	stileid.u32;
	s12 =	simm.s32 $0x3  }
0x4: {  	s13 =	simm.s32 $0x1;
	s14 =	simm.s32 $0x2;
	s16 =	simm.s32 $0x0  }
0x5: {  	[smem:$0x7FF] =	sst s1;
	s3 =	sadd.s32 $0xE00, s5;
	s7 =	sadd.s32 $0xF43200, s5  }
0x6: {  	s8 =	sadd.s32 $0xF83200, s5;
	s22 =	sand.u32 $0x1, s6;
	s23 =	sshll.u32 s0, $0x1  }
0x7: {  	s24 =	sshll.u32 s0, $0x8;
	_ =	strace $0x80000047;
	s9 =	ssub.s32 $0x2, s22  }
0x8: {  	s5 =	sor.u32 s22, s23;
	s6 =	sand.u32 $0xC00, s24;
	s10 =	sshrl.u32 s9, $0x1  }
0x9: {  	s11 =	sshll.u32 s5, $0x4;
	s4 =	sadd.s32 s4, s6;
	s25 =	sshll.u32 s5, $0xD  }
0xa: {  	s11 =	sand.u32 $0x70, s11;
	s9 =	ssub.s32 s9, s10;
	s29 =	sadd.s32 s7, s25  }
0xb: {  	s28 =	sor.u32 $0x1000, s25;
	s30 =	sadd.s32 s8, s25;
	[dreg:$0x4] =	wrdreg s29  }
0xc: {  	s26 =	sadd.s32 s11, s4;
	[dreg:$0x5] =	wrdreg s30;
	s31 =	sadd.s32 s7, s28  }
0xd: {  	s8 =	sadd.s32 s8, s28;
	s9 =	smax.u32 s9, $0x1;
	[dreg:$0x3] =	wrdreg s26  }
0xe: {  	s11 =	simm.s32 $0x400;
	s7 =	simm.s32 $0x8400;
	[dreg:$0x6] =	wrdreg s31  }
.LBB2_1:
0xf: {  	s0 =	rddreg [dreg:$0x3];
	s2 =	simm.s32 $0x80  }
0x10: {  	[tilespmem:s1], [sflag:$0x3] =	stream.strided.gather [hbm4b:s0+s2], $0x400, s11, s2, $0x38;
	[tilespmem:$0x10400] =	vst v63  }
0x11: {  	_ =	swait.ge [sflag:s12], $0x400  }
0x12: {  	[sflag:s12] =	ssyncset.done $0x0  }
0x13: {  	[sflag:s12] =	ssyncadd.s32 $0xFFFFFC00  }
0x14: {  	v0 =	vld [tilespmem:s1+$0x0];
	_ =	sdelay $0x4  }
0x15: {  	v0 =	vshll.u32 v0, $0x4  }
0x16: {  	(v2sf) =	vpush v0, $0x0  }
0x17: {  	(v2sf) =	vpush v0, $0x1  }
0x18: {  	(v2sf) =	vpush v0, $0x2;
	_ =	sdelay $0x1  }
0x19: {  	(v2sf) =	vpush v0, $0x4;
	_ =	sdelay $0x1  }
0x1a: {  	(v2sf) =	vpush v0, $0x3  }
0x1b: {  	(v2sf) =	vpush v0, $0x5  }
0x1c: {  	s19 =	simm.s32 $0x2000;
	s18 =	simm.s32 $0x0;
	s20 =	simm.s32 $0x0;
	(v2sf) =	vpush v0, $0x6  }
.LBB2_2:
0x1d: {  	p0 =	sne.s32 s19, $0x1E000  }
0x1e: {  	s31 =	sadd.s32 $0x480, s18;
	s24 =	sadd.s32 $0x980, s18;
	s21 =	smov.u32 s19  }
0x1f: {  	s19 =	sadd.s32 $0x2000, s19;
	s28 =	sadd.s32 $0x780, s18;
	s22 =	sadd.s32 $0xA00, s18;
	(v2sf) =	vpush v0, $0x7  }
0x20: {  	s30 =	sadd.s32 $0x680, s18;
	s25 =	sadd.s32 $0x800, s18;
	s23 =	sadd.s32 $0xA80, s18  }
0x21: {  	s0 =	sadd.s32 $0x400, s18;
	s2 =	sadd.s32 $0x600, s18;
	(v2sf) =	vpush v0, $0x8  }
0x22: {  	s17 =	simm.s32 $0x0;
	s10 =	sadd.s32 $0x700, s18;
	s20 =	sadd.s32 $0x10, s20  }
0x23: {  	s15 =	sadd.s32 $0x500, s18;
	s26 =	sadd.s32 $0x900, s18;
	s29 =	spop (v2sf);
	(v2sf) =	vpush v0, $0x9  }
0x24: {  	s4 =	sand.u32 $0x1FFFFFF0, s29;
	s29 =	sadd.s32 $0x880, s18;
	s5 =	spop (v2sf)  }
0x25: {  	s4 =	sadd.s32 s3, s4;
	s5 =	sand.u32 $0x1FFFFFF0, s5;
	s6 =	spop (v2sf);
	(v2sf) =	vpush v0, $0xA  }
0x26: {  	[tilespmem:s0], [sflag:$0x1] =	stream.linear.gather [hbm4b:s4+s17], $0x80, $0x38;
	[tilespmem:$0x10400] =	vst v63  }
0x27: {  	s0 =	sadd.s32 s3, s5;
	s4 =	sadd.s32 $0x580, s18;
	s5 =	spop (v2sf);
	(v2sf) =	vpush v0, $0xB  }
0x28: {  	[tilespmem:s31], [sflag:$0x1] =	stream.linear.gather [hbm4b:s0+s17], $0x80, $0x38;
	[tilespmem:$0x10400] =	vst v63  }
0x29: {  	s0 =	sand.u32 $0x1FFFFFF0, s6;
	s5 =	sand.u32 $0x1FFFFFF0, s5;
	s6 =	spop (v2sf);
	(v2sf) =	vpush v0, $0xC  }
0x2a: {  	s0 =	sadd.s32 s3, s0;
	s6 =	sand.u32 $0x1FFFFFF0, s6;
	s31 =	spop (v2sf)  }
0x2b: {  	[tilespmem:s15], [sflag:$0x1] =	stream.linear.gather [hbm4b:s0+s17], $0x80, $0x38;
	(v2sf) =	vpush v0, $0xD;
	[tilespmem:$0x10400] =	vst v63  }
0x2c: {  	s0 =	sadd.s32 s3, s6;
	s6 =	sand.u32 $0x1FFFFFF0, s31;
	s15 =	spop (v2sf)  }
0x2d: {  	[tilespmem:s4], [sflag:$0x1] =	stream.linear.gather [hbm4b:s0+s17], $0x80, $0x38;
	(v2sf) =	vpush v0, $0xE;
	[tilespmem:$0x10400] =	vst v63  }
0x2e: {  	s0 =	sadd.s32 s3, s5;
	s4 =	sand.u32 $0x1FFFFFF0, s15;
	s5 =	spop (v2sf)  }
0x2f: {  	[tilespmem:s2], [sflag:$0x1] =	stream.linear.gather [hbm4b:s0+s17], $0x80, $0x38;
	(v2sf) =	vpush v0, $0xF;
	[tilespmem:$0x10400] =	vst v63  }
0x30: {  	s0 =	sadd.s32 s3, s6;
	s2 =	sand.u32 $0x1FFFFFF0, s5;
	s5 =	spop (v2sf)  }
0x31: {  	[tilespmem:s30], [sflag:$0x1] =	stream.linear.gather [hbm4b:s0+s17], $0x80, $0x38;
	[tilespmem:$0x10400] =	vst v63  }
0x32: {  	s0 =	sadd.s32 s3, s4;
	s4 =	sand.u32 $0x1FFFFFF0, s5;
	s5 =	spop (v2sf)  }
0x33: {  	[tilespmem:s10], [sflag:$0x1] =	stream.linear.gather [hbm4b:s0+s17], $0x80, $0x38;
	[tilespmem:$0x10400] =	vst v63  }
0x34: {  	s0 =	sadd.s32 s3, s2;
	s2 =	sand.u32 $0x1FFFFFF0, s5;
	s5 =	spop (v2sf)  }
0x35: {  	[tilespmem:s28], [sflag:$0x1] =	stream.linear.gather [hbm4b:s0+s17], $0x80, $0x38;
	[tilespmem:$0x10400] =	vst v63  }
0x36: {  	s0 =	sadd.s32 s3, s4;
	s4 =	sand.u32 $0x1FFFFFF0, s5;
	s5 =	spop (v2sf)  }
0x37: {  	[tilespmem:s25], [sflag:$0x1] =	stream.linear.gather [hbm4b:s0+s17], $0x80, $0x38;
	[tilespmem:$0x10400] =	vst v63  }
0x38: {  	s0 =	sadd.s32 s3, s2;
	s2 =	sand.u32 $0x1FFFFFF0, s5;
	s5 =	spop (v2sf)  }
0x39: {  	[tilespmem:s29], [sflag:$0x1] =	stream.linear.gather [hbm4b:s0+s17], $0x80, $0x38;
	[tilespmem:$0x10400] =	vst v63  }
0x3a: {  	s0 =	sadd.s32 s3, s4;
	s4 =	sand.u32 $0x1FFFFFF0, s5;
	s5 =	spop (v2sf)  }
0x3b: {  	[tilespmem:s26], [sflag:$0x1] =	stream.linear.gather [hbm4b:s0+s17], $0x80, $0x38;
	[tilespmem:$0x10400] =	vst v63  }
0x3c: {  	s0 =	sadd.s32 s3, s2;
	s2 =	sand.u32 $0x1FFFFFF0, s5;
	s5 =	spop (v2sf)  }
0x3d: {  	[tilespmem:s24], [sflag:$0x1] =	stream.linear.gather [hbm4b:s0+s17], $0x80, $0x38;
	[tilespmem:$0x10400] =	vst v63  }
0x3e: {  	s0 =	sadd.s32 s3, s4;
	s4 =	sand.u32 $0x1FFFFFF0, s5;
	s5 =	spop (v2sf)  }
0x3f: {  	[tilespmem:s22], [sflag:$0x1] =	stream.linear.gather [hbm4b:s0+s17], $0x80, $0x38;
	[tilespmem:$0x10400] =	vst v63  }
0x40: {  	s0 =	sadd.s32 s3, s2;
	s2 =	sand.u32 $0x1FFFFFF0, s5  }
0x41: {  	[tilespmem:s23], [sflag:$0x1] =	stream.linear.gather [hbm4b:s0+s17], $0x80, $0x38;
	[tilespmem:$0x10400] =	vst v63  }
0x42: {  	s4 =	sadd.s32 s3, s4;
	s0 =	sadd.s32 $0xB00, s18  }
0x43: {  	[tilespmem:s0], [sflag:$0x1] =	stream.linear.gather [hbm4b:s4+s17], $0x80, $0x38;
	[tilespmem:$0x10400] =	vst v63  }
0x44: {  	s2 =	sadd.s32 s3, s2;
	s0 =	sadd.s32 $0xB80, s18  }
0x45: {  	[tilespmem:s0], [sflag:$0x1] =	stream.linear.gather [hbm4b:s2+s17], $0x80, $0x38;
	[tilespmem:$0x10400] =	vst v63  }
0x46: {  	v0 =	vld [tilespmem:s20+$0x0];
	_ =	sdelay $0x4  }
0x47: {  	v0 =	vshll.u32 v0, $0x4  }
0x48: {  	(v2sf) =	vpush v0, $0x0  }
0x49: {  	(v2sf) =	vpush v0, $0x1  }
0x4a: {  	(v2sf) =	vpush v0, $0x2;
	_ =	sdelay $0x1  }
0x4b: {  	(v2sf) =	vpush v0, $0x4  }
.Ltmp0:
0x4c: {  	(pc) =	sbr.rel @p0 .LBB2_2-.Ltmp0, $3  }
0x4d: {  	(v2sf) =	vpush v0, $0x3  }
0x4e: {  	(v2sf) =	vpush v0, $0x5;
	_ =	sdelay $0x1  }
0x4f: {  	s18 =	sshra.s32 s21, $0x2;
	(v2sf) =	vpush v0, $0x6  }
0x50: {  	_ =	sdelay $0x1  }
0x51: {  	s0 =	sadd.s32 $0x480, s18;
	s21 =	sadd.s32 $0x980, s18  }
0x52: {  	s2 =	sadd.s32 $0x780, s18;
	s19 =	sadd.s32 $0xA00, s18;
	(v2sf) =	vpush v0, $0x7;
	s4 =	sadd.s32 $0x680, s18  }
0x53: {  	s5 =	sadd.s32 $0x800, s18;
	s20 =	sadd.s32 $0xA80, s18;
	s6 =	sadd.s32 $0x400, s18  }
0x54: {  	s10 =	sadd.s32 $0x600, s18;
	s15 =	sadd.s32 $0x700, s18;
	(v2sf) =	vpush v0, $0x8;
	s22 =	spop (v2sf)  }
0x55: {  	s23 =	sadd.s32 $0x500, s18;
	s22 =	sand.u32 $0x1FFFFFF0, s22;
	s24 =	spop (v2sf)  }
0x56: {  	(v2sf) =	vpush v0, $0x9;
	s22 =	sadd.s32 s3, s22;
	s24 =	sand.u32 $0x1FFFFFF0, s24;
	s25 =	spop (v2sf)  }
0x57: {  	[tilespmem:s6], [sflag:$0x1] =	stream.linear.gather [hbm4b:s22+s17], $0x80, $0x38;
	[tilespmem:$0x10400] =	vst v63  }
0x58: {  	s26 =	sadd.s32 $0x580, s18;
	(v2sf) =	vpush v0, $0xA;
	s30 =	sadd.s32 s3, s24;
	s31 =	spop (v2sf)  }
0x59: {  	[tilespmem:s0], [sflag:$0x1] =	stream.linear.gather [hbm4b:s30+s17], $0x80, $0x38;
	[tilespmem:$0x10400] =	vst v63  }
0x5a: {  	s6 =	sadd.s32 $0x900, s18;
	s28 =	sand.u32 $0x1FFFFFF0, s25;
	(v2sf) =	vpush v0, $0xB;
	s29 =	spop (v2sf)  }
0x5b: {  	s22 =	sadd.s32 s3, s28;
	s0 =	sadd.s32 $0x880, s18;
	s25 =	sand.u32 $0x1FFFFFF0, s29  }
0x5c: {  	(v2sf) =	vpush v0, $0xC;
	[tilespmem:s23], [sflag:$0x1] =	stream.linear.gather [hbm4b:s22+s17], $0x80, $0x38;
	[tilespmem:$0x10400] =	vst v63  }
0x5d: {  	s30 =	sand.u32 $0x1FFFFFF0, s31;
	s31 =	spop (v2sf);
	s28 =	sadd.s32 s3, s25  }
0x5e: {  	(v2sf) =	vpush v0, $0xD;
	[tilespmem:s26], [sflag:$0x1] =	stream.linear.gather [hbm4b:s28+s17], $0x80, $0x38;
	[tilespmem:$0x10400] =	vst v63  }
0x5f: {  	s22 =	sadd.s32 s3, s30;
	s23 =	sand.u32 $0x1FFFFFF0, s31;
	s29 =	spop (v2sf)  }
0x60: {  	(v2sf) =	vpush v0, $0xE;
	[tilespmem:s10], [sflag:$0x1] =	stream.linear.gather [hbm4b:s22+s17], $0x80, $0x38;
	[tilespmem:$0x10400] =	vst v63  }
0x61: {  	s23 =	sadd.s32 s3, s23;
	s30 =	sand.u32 $0x1FFFFFF0, s29;
	s31 =	spop (v2sf)  }
0x62: {  	(v2sf) =	vpush v0, $0xF;
	[tilespmem:s4], [sflag:$0x1] =	stream.linear.gather [hbm4b:s23+s17], $0x80, $0x38;
	[tilespmem:$0x10400] =	vst v63  }
0x63: {  	s24 =	sand.u32 $0x1FFFFFF0, s31;
	s25 =	spop (v2sf);
	s10 =	sadd.s32 s3, s30  }
0x64: {  	[tilespmem:s15], [sflag:$0x1] =	stream.linear.gather [hbm4b:s10+s17], $0x80, $0x38;
	[tilespmem:$0x10400] =	vst v63  }
0x65: {  	s26 =	sand.u32 $0x1FFFFFF0, s25;
	s4 =	sadd.s32 s3, s24;
	s28 =	spop (v2sf)  }
0x66: {  	[tilespmem:s2], [sflag:$0x1] =	stream.linear.gather [hbm4b:s4+s17], $0x80, $0x38;
	[tilespmem:$0x10400] =	vst v63  }
0x67: {  	s10 =	sadd.s32 s3, s26;
	s29 =	sand.u32 $0x1FFFFFF0, s28;
	s30 =	spop (v2sf)  }
0x68: {  	[tilespmem:s5], [sflag:$0x1] =	stream.linear.gather [hbm4b:s10+s17], $0x80, $0x38;
	[tilespmem:$0x10400] =	vst v63  }
0x69: {  	s4 =	sand.u32 $0x1FFFFFF0, s30;
	s2 =	sadd.s32 s3, s29;
	s31 =	spop (v2sf)  }
0x6a: {  	[tilespmem:s0], [sflag:$0x1] =	stream.linear.gather [hbm4b:s2+s17], $0x80, $0x38;
	[tilespmem:$0x10400] =	vst v63  }
0x6b: {  	s4 =	sadd.s32 s3, s4;
	s10 =	sand.u32 $0x1FFFFFF0, s31;
	s15 =	spop (v2sf)  }
0x6c: {  	[tilespmem:s6], [sflag:$0x1] =	stream.linear.gather [hbm4b:s4+s17], $0x80, $0x38;
	[tilespmem:$0x10400] =	vst v63  }
0x6d: {  	s0 =	sadd.s32 s3, s10;
	s2 =	sand.u32 $0x1FFFFFF0, s15;
	s22 =	spop (v2sf)  }
0x6e: {  	[tilespmem:s21], [sflag:$0x1] =	stream.linear.gather [hbm4b:s0+s17], $0x80, $0x38;
	[tilespmem:$0x10400] =	vst v63  }
0x6f: {  	s23 =	sand.u32 $0x1FFFFFF0, s22;
	s2 =	sadd.s32 s3, s2;
	s24 =	spop (v2sf)  }
0x70: {  	[tilespmem:s19], [sflag:$0x1] =	stream.linear.gather [hbm4b:s2+s17], $0x80, $0x38;
	[tilespmem:$0x10400] =	vst v63  }
0x71: {  	s25 =	sand.u32 $0x1FFFFFF0, s24;
	s26 =	spop (v2sf);
	s0 =	sadd.s32 s3, s23  }
0x72: {  	[tilespmem:s20], [sflag:$0x1] =	stream.linear.gather [hbm4b:s0+s17], $0x80, $0x38;
	[tilespmem:$0x10400] =	vst v63  }
0x73: {  	s29 =	sadd.s32 $0xB00, s18;
	s28 =	sand.u32 $0x1FFFFFF0, s26;
	s2 =	sadd.s32 s3, s25  }
0x74: {  	[tilespmem:s29], [sflag:$0x1] =	stream.linear.gather [hbm4b:s2+s17], $0x80, $0x38;
	[tilespmem:$0x10400] =	vst v63  }
0x75: {  	s30 =	sadd.s32 $0xB80, s18;
	s31 =	sand.u32 $0xF0, s17;
	s0 =	sadd.s32 s3, s28  }
0x76: {  	[tilespmem:s30], [sflag:$0x1] =	stream.linear.gather [hbm4b:s0+s17], $0x80, $0x38;
	[tilespmem:$0x10400] =	vst v63  }
0x77: {  	v0 =	vld [tilespmem:s31+$0x200];
	_ =	sdelay $0x4  }
0x78: {  	v0 =	vshll.u32 v0, $0x4  }
0x79: {  	(v2sf) =	vpush v0, $0x0  }
0x7a: {  	(v2sf) =	vpush v0, $0x2  }
0x7b: {  	(v2sf) =	vpush v0, $0x1;
	_ =	sdelay $0x1  }
0x7c: {  	(v2sf) =	vpush v0, $0x3  }
0x7d: {  	(v2sf) =	vpush v0, $0x4;
	_ =	sdelay $0x2  }
0x7e: {  	s18 =	simm.s32 $0x2000;
	s19 =	simm.s32 $0x10  }
.LBB2_4:
0x7f: {  	p0 =	sne.s32 s18, $0x1E000;
	(v2sf) =	vpush v0, $0x5;
	s0 =	smov.u32 s18;
	s18 =	sadd.s32 $0x2000, s18  }
0x80: {  	s20 =	sshra.s32 s17, $0x2;
	s17 =	smov.u32 s0  }
0x81: {  	s0 =	sadd.s32 $0x8480, s20;
	(v2sf) =	vpush v0, $0x6  }
0x82: {  	s2 =	sadd.s32 $0x8400, s20  }
0x83: {  	s23 =	sadd.s32 $0x8980, s20;
	s22 =	sadd.s32 $0x8A00, s20;
	s21 =	sadd.s32 $0x8A80, s20;
	(v2sf) =	vpush v0, $0x7  }
0x84: {  	s26 =	sadd.s32 $0x8800, s20;
	s25 =	sadd.s32 $0x8880, s20;
	s24 =	sadd.s32 $0x8900, s20  }
0x85: {  	s4 =	sadd.s32 $0x8700, s20;
	s28 =	sadd.s32 $0x8780, s20;
	s5 =	spop (v2sf);
	(v2sf) =	vpush v0, $0x8  }
0x86: {  	s6 =	sadd.s32 $0x8500, s20;
	s5 =	sand.u32 $0x1FFFFFF0, s5;
	s10 =	spop (v2sf)  }
0x87: {  	s15 =	sadd.s32 $0x8680, s20;
	s5 =	sadd.s32 s3, s5;
	s29 =	spop (v2sf);
	(v2sf) =	vpush v0, $0x9  }
0x88: {  	[tilespmem:s2], [sflag:$0x2] =	stream.linear.gather [hbm4b:s5+s1], $0x80, $0x38;
	[tilespmem:$0x10400] =	vst v63  }
0x89: {  	s2 =	sand.u32 $0x1FFFFFF0, s29;
	s5 =	sand.u32 $0x1FFFFFF0, s10;
	s10 =	spop (v2sf);
	(v2sf) =	vpush v0, $0xA  }
0x8a: {  	s29 =	sadd.s32 $0x8600, s20;
	s2 =	sadd.s32 s3, s2;
	s30 =	spop (v2sf)  }
0x8b: {  	[tilespmem:s0], [sflag:$0x2] =	stream.linear.gather [hbm4b:s2+s1], $0x80, $0x38;
	(v2sf) =	vpush v0, $0xB;
	[tilespmem:$0x10400] =	vst v63  }
0x8c: {  	s0 =	sadd.s32 s3, s5;
	s2 =	sand.u32 $0x1FFFFFF0, s10;
	s5 =	sand.u32 $0x1FFFFFF0, s30  }
0x8d: {  	[tilespmem:s6], [sflag:$0x2] =	stream.linear.gather [hbm4b:s0+s1], $0x80, $0x38;
	(v2sf) =	vpush v0, $0xC;
	[tilespmem:$0x10400] =	vst v63  }
0x8e: {  	s2 =	sadd.s32 s3, s2;
	s0 =	sadd.s32 $0x8580, s20;
	s6 =	spop (v2sf)  }
0x8f: {  	[tilespmem:s0], [sflag:$0x2] =	stream.linear.gather [hbm4b:s2+s1], $0x80, $0x38;
	(v2sf) =	vpush v0, $0xD;
	[tilespmem:$0x10400] =	vst v63  }
0x90: {  	s0 =	sadd.s32 s3, s5;
	s2 =	sand.u32 $0x1FFFFFF0, s6;
	s5 =	spop (v2sf)  }
0x91: {  	[tilespmem:s29], [sflag:$0x2] =	stream.linear.gather [hbm4b:s0+s1], $0x80, $0x38;
	(v2sf) =	vpush v0, $0xE;
	[tilespmem:$0x10400] =	vst v63  }
0x92: {  	s0 =	sadd.s32 s3, s2;
	s2 =	sand.u32 $0x1FFFFFF0, s5;
	s5 =	spop (v2sf)  }
0x93: {  	[tilespmem:s15], [sflag:$0x2] =	stream.linear.gather [hbm4b:s0+s1], $0x80, $0x38;
	(v2sf) =	vpush v0, $0xF;
	[tilespmem:$0x10400] =	vst v63  }
0x94: {  	s0 =	sadd.s32 s3, s2;
	s2 =	sand.u32 $0x1FFFFFF0, s5;
	s5 =	spop (v2sf)  }
0x95: {  	[tilespmem:s4], [sflag:$0x2] =	stream.linear.gather [hbm4b:s0+s1], $0x80, $0x38;
	[tilespmem:$0x10400] =	vst v63  }
0x96: {  	s0 =	sadd.s32 s3, s2;
	s2 =	sand.u32 $0x1FFFFFF0, s5;
	s4 =	spop (v2sf)  }
0x97: {  	[tilespmem:s28], [sflag:$0x2] =	stream.linear.gather [hbm4b:s0+s1], $0x80, $0x38;
	[tilespmem:$0x10400] =	vst v63  }
0x98: {  	s0 =	sadd.s32 s3, s2;
	s2 =	sand.u32 $0x1FFFFFF0, s4;
	s4 =	spop (v2sf)  }
0x99: {  	[tilespmem:s26], [sflag:$0x2] =	stream.linear.gather [hbm4b:s0+s1], $0x80, $0x38;
	[tilespmem:$0x10400] =	vst v63  }
0x9a: {  	s0 =	sadd.s32 s3, s2;
	s2 =	sand.u32 $0x1FFFFFF0, s4;
	s4 =	spop (v2sf)  }
0x9b: {  	[tilespmem:s25], [sflag:$0x2] =	stream.linear.gather [hbm4b:s0+s1], $0x80, $0x38;
	[tilespmem:$0x10400] =	vst v63  }
0x9c: {  	s0 =	sadd.s32 s3, s2;
	s2 =	sand.u32 $0x1FFFFFF0, s4;
	s4 =	spop (v2sf)  }
0x9d: {  	[tilespmem:s24], [sflag:$0x2] =	stream.linear.gather [hbm4b:s0+s1], $0x80, $0x38;
	[tilespmem:$0x10400] =	vst v63  }
0x9e: {  	s0 =	sadd.s32 s3, s2;
	s2 =	sand.u32 $0x1FFFFFF0, s4;
	s4 =	spop (v2sf)  }
0x9f: {  	[tilespmem:s23], [sflag:$0x2] =	stream.linear.gather [hbm4b:s0+s1], $0x80, $0x38;
	[tilespmem:$0x10400] =	vst v63  }
0xa0: {  	s0 =	sadd.s32 s3, s2;
	s2 =	sand.u32 $0x1FFFFFF0, s4;
	s4 =	spop (v2sf)  }
0xa1: {  	[tilespmem:s22], [sflag:$0x2] =	stream.linear.gather [hbm4b:s0+s1], $0x80, $0x38;
	[tilespmem:$0x10400] =	vst v63  }
0xa2: {  	s0 =	sadd.s32 s3, s2;
	s2 =	sand.u32 $0x1FFFFFF0, s4;
	s4 =	spop (v2sf)  }
0xa3: {  	[tilespmem:s21], [sflag:$0x2] =	stream.linear.gather [hbm4b:s0+s1], $0x80, $0x38;
	[tilespmem:$0x10400] =	vst v63  }
0xa4: {  	s2 =	sadd.s32 s3, s2;
	s0 =	sadd.s32 $0x8B00, s20;
	s4 =	sand.u32 $0x1FFFFFF0, s4  }
0xa5: {  	[tilespmem:s0], [sflag:$0x2] =	stream.linear.gather [hbm4b:s2+s1], $0x80, $0x38;
	[tilespmem:$0x10400] =	vst v63  }
0xa6: {  	s4 =	sadd.s32 s3, s4;
	s0 =	sand.u32 $0xF0, s19;
	s2 =	sadd.s32 $0x8B80, s20  }
0xa7: {  	[tilespmem:s2], [sflag:$0x2] =	stream.linear.gather [hbm4b:s4+s1], $0x80, $0x38;
	[tilespmem:$0x10400] =	vst v63  }
0xa8: {  	v0 =	vld [tilespmem:s0+$0x200];
	_ =	sdelay $0x4  }
0xa9: {  	v0 =	vshll.u32 v0, $0x4  }
0xaa: {  	(v2sf) =	vpush v0, $0x0  }
0xab: {  	(v2sf) =	vpush v0, $0x2  }
0xac: {  	(v2sf) =	vpush v0, $0x1;
	_ =	sdelay $0x1  }
.Ltmp1:
0xad: {  	(v2sf) =	vpush v0, $0x3;
	(pc) =	sbr.rel @p0 .LBB2_4-.Ltmp1, $2  }
0xae: {  	(v2sf) =	vpush v0, $0x4;
	_ =	sdelay $0x2  }
0xaf: {  	s19 =	sadd.s32 $0x10, s19  }
0xb0: {  	(v2sf) =	vpush v0, $0x5;
	_ =	sdelay $0x1  }
0xb1: {  	s17 =	sshra.s32 s17, $0x2;
	(v2sf) =	vpush v0, $0x6  }
0xb2: {  	s0 =	sadd.s32 $0x8480, s17;
	s2 =	sadd.s32 $0x8400, s17  }
0xb3: {  	s20 =	sadd.s32 $0x8980, s17;
	s19 =	sadd.s32 $0x8A00, s17;
	s18 =	sadd.s32 $0x8A80, s17;
	(v2sf) =	vpush v0, $0x7  }
0xb4: {  	s4 =	sadd.s32 $0x8800, s17;
	s5 =	sadd.s32 $0x8880, s17;
	s6 =	sadd.s32 $0x8900, s17  }
0xb5: {  	s10 =	sadd.s32 $0x8700, s17;
	s15 =	sadd.s32 $0x8780, s17;
	s21 =	spop (v2sf);
	(v2sf) =	vpush v0, $0x8  }
0xb6: {  	s22 =	sadd.s32 $0x8500, s17;
	s21 =	sand.u32 $0x1FFFFFF0, s21;
	s23 =	spop (v2sf)  }
0xb7: {  	s24 =	sadd.s32 $0x8680, s17;
	s21 =	sadd.s32 s3, s21;
	s25 =	spop (v2sf);
	(v2sf) =	vpush v0, $0x9  }
0xb8: {  	[tilespmem:s2], [sflag:$0x2] =	stream.linear.gather [hbm4b:s21+s1], $0x80, $0x38;
	[tilespmem:$0x10400] =	vst v63  }
0xb9: {  	s30 =	sand.u32 $0x1FFFFFF0, s23;
	s29 =	sand.u32 $0x1FFFFFF0, s25;
	s31 =	spop (v2sf);
	(v2sf) =	vpush v0, $0xA  }
0xba: {  	s25 =	sadd.s32 $0x8600, s17;
	s2 =	sadd.s32 s3, s29;
	s26 =	spop (v2sf)  }
0xbb: {  	[tilespmem:s0], [sflag:$0x2] =	stream.linear.gather [hbm4b:s2+s1], $0x80, $0x38;
	(v2sf) =	vpush v0, $0xB;
	[tilespmem:$0x10400] =	vst v63  }
0xbc: {  	s21 =	sadd.s32 s3, s30;
	s30 =	sadd.s32 $0x8580, s17;
	s28 =	sand.u32 $0x1FFFFFF0, s31  }
0xbd: {  	(v2sf) =	vpush v0, $0xC;
	[tilespmem:s22], [sflag:$0x2] =	stream.linear.gather [hbm4b:s21+s1], $0x80, $0x38;
	[tilespmem:$0x10400] =	vst v63  }
0xbe: {  	s29 =	sand.u32 $0x1FFFFFF0, s26;
	s2 =	sadd.s32 s3, s28;
	s31 =	spop (v2sf)  }
0xbf: {  	[tilespmem:s30], [sflag:$0x2] =	stream.linear.gather [hbm4b:s2+s1], $0x80, $0x38;
	(v2sf) =	vpush v0, $0xD;
	[tilespmem:$0x10400] =	vst v63  }
0xc0: {  	s21 =	sadd.s32 s3, s29;
	s22 =	sand.u32 $0x1FFFFFF0, s31;
	s23 =	spop (v2sf)  }
0xc1: {  	(v2sf) =	vpush v0, $0xE;
	[tilespmem:s25], [sflag:$0x2] =	stream.linear.gather [hbm4b:s21+s1], $0x80, $0x38;
	[tilespmem:$0x10400] =	vst v63  }
0xc2: {  	s25 =	sadd.s32 s3, s22;
	s26 =	sand.u32 $0x1FFFFFF0, s23;
	s28 =	spop (v2sf)  }
0xc3: {  	(v2sf) =	vpush v0, $0xF;
	[tilespmem:s24], [sflag:$0x2] =	stream.linear.gather [hbm4b:s25+s1], $0x80, $0x38;
	[tilespmem:$0x10400] =	vst v63  }
0xc4: {  	s29 =	sadd.s32 s3, s26;
	s30 =	sand.u32 $0x1FFFFFF0, s28;
	s31 =	spop (v2sf)  }
0xc5: {  	[tilespmem:s10], [sflag:$0x2] =	stream.linear.gather [hbm4b:s29+s1], $0x80, $0x38;
	[tilespmem:$0x10400] =	vst v63  }
0xc6: {  	s22 =	sadd.s32 s3, s30;
	s23 =	sand.u32 $0x1FFFFFF0, s31;
	s24 =	spop (v2sf)  }
0xc7: {  	[tilespmem:s15], [sflag:$0x2] =	stream.linear.gather [hbm4b:s22+s1], $0x80, $0x38;
	[tilespmem:$0x10400] =	vst v63  }
0xc8: {  	s25 =	sadd.s32 s3, s23;
	s26 =	sand.u32 $0x1FFFFFF0, s24;
	s28 =	spop (v2sf)  }
0xc9: {  	[tilespmem:s4], [sflag:$0x2] =	stream.linear.gather [hbm4b:s25+s1], $0x80, $0x38;
	[tilespmem:$0x10400] =	vst v63  }
0xca: {  	s29 =	sadd.s32 s3, s26;
	s30 =	sand.u32 $0x1FFFFFF0, s28;
	s31 =	spop (v2sf)  }
0xcb: {  	[tilespmem:s5], [sflag:$0x2] =	stream.linear.gather [hbm4b:s29+s1], $0x80, $0x38;
	[tilespmem:$0x10400] =	vst v63  }
0xcc: {  	s2 =	sadd.s32 s3, s30;
	s4 =	sand.u32 $0x1FFFFFF0, s31;
	s5 =	spop (v2sf)  }
0xcd: {  	[tilespmem:s6], [sflag:$0x2] =	stream.linear.gather [hbm4b:s2+s1], $0x80, $0x38;
	[tilespmem:$0x10400] =	vst v63  }
0xce: {  	s10 =	sand.u32 $0x1FFFFFF0, s5;
	s6 =	sadd.s32 s3, s4;
	s15 =	spop (v2sf)  }
0xcf: {  	[tilespmem:s20], [sflag:$0x2] =	stream.linear.gather [hbm4b:s6+s1], $0x80, $0x38;
	[tilespmem:$0x10400] =	vst v63  }
0xd0: {  	s20 =	sadd.s32 s3, s10;
	s21 =	sand.u32 $0x1FFFFFF0, s15;
	s22 =	spop (v2sf)  }
0xd1: {  	[tilespmem:s19], [sflag:$0x2] =	stream.linear.gather [hbm4b:s20+s1], $0x80, $0x38;
	[tilespmem:$0x10400] =	vst v63  }
0xd2: {  	s23 =	sadd.s32 s3, s21;
	s24 =	sand.u32 $0x1FFFFFF0, s22;
	s25 =	spop (v2sf)  }
0xd3: {  	[tilespmem:s18], [sflag:$0x2] =	stream.linear.gather [hbm4b:s23+s1], $0x80, $0x38;
	[tilespmem:$0x10400] =	vst v63  }
0xd4: {  	s26 =	sadd.s32 $0x8B00, s17;
	s2 =	sadd.s32 s3, s24;
	s4 =	sand.u32 $0x1FFFFFF0, s25  }
0xd5: {  	[tilespmem:s26], [sflag:$0x2] =	stream.linear.gather [hbm4b:s2+s1], $0x80, $0x38;
	[tilespmem:$0x10400] =	vst v63  }
0xd6: {  	s28 =	sadd.s32 $0x8B80, s17;
	s29 =	sadd.s32 s3, s4  }
0xd7: {  	[tilespmem:s28], [sflag:$0x2] =	stream.linear.gather [hbm4b:s29+s1], $0x80, $0x38;
	[tilespmem:$0x10400] =	vst v63  }
0xd8: {  	_ =	swait.ge [sflag:s13], $0x8000  }
0xd9: {  	[sflag:s13] =	ssyncset.done $0x0  }
0xda: {  	s17 =	simm.s32 $0x0;
	s30 =	rddreg [dreg:$0x4];
	[sflag:s13] =	ssyncadd.s32 $0xFFFF8000  }
0xdb: {  	[hbm4b:s30+s17] =	stream.linear.scatter [tilespmem:s11], [sflag:$0x3], $0x8000, $0x38;
	[tilespmem:$0x10400] =	vst v63  }
0xdc: {  	_ =	swait.ge [sflag:s12], $0x8000  }
0xdd: {  	[sflag:s12] =	ssyncset.done $0x0  }
0xde: {  	[sflag:s12] =	ssyncadd.s32 $0xFFFF8000  }
0xdf: {  	_ =	swait.ge [sflag:s14], $0x8000  }
0xe0: {  	[sflag:s14] =	ssyncset.done $0x0  }
0xe1: {  	s31 =	rddreg [dreg:$0x5];
	[sflag:s14] =	ssyncadd.s32 $0xFFFF8000  }
0xe2: {  	[hbm4b:s31+s17] =	stream.linear.scatter [tilespmem:s7], [sflag:$0x3], $0x8000, $0x38;
	[tilespmem:$0x10400] =	vst v63  }
0xe3: {  	_ =	swait.ge [sflag:s12], $0x8000  }
0xe4: {  	[sflag:s12] =	ssyncset.done $0x0  }
0xe5: {  	s18 =	sand.u32 $0xF0, s17;
	[sflag:s12] =	ssyncadd.s32 $0xFFFF8000  }
0xe6: {  	v0 =	vld [tilespmem:s18+$0x100];
	_ =	sdelay $0x4  }
0xe7: {  	v0 =	vshll.u32 v0, $0x4  }
0xe8: {  	(v2sf) =	vpush v0, $0x0  }
0xe9: {  	(v2sf) =	vpush v0, $0x2  }
0xea: {  	(v2sf) =	vpush v0, $0x1;
	_ =	sdelay $0x1  }
0xeb: {  	(v2sf) =	vpush v0, $0x3  }
0xec: {  	(v2sf) =	vpush v0, $0x4;
	_ =	sdelay $0x2  }
0xed: {  	s21 =	simm.s32 $0x10;
	s19 =	simm.s32 $0x2000;
	s20 =	simm.s32 $0x0  }
.LBB2_6:
0xee: {  	p0 =	sne.s32 s19, $0x1E000;
	(v2sf) =	vpush v0, $0x5;
	s0 =	smov.u32 s19;
	s19 =	sadd.s32 $0x2000, s19  }
0xef: {  	s22 =	sshra.s32 s20, $0x2;
	s20 =	smov.u32 s0  }
0xf0: {  	s0 =	sadd.s32 $0x480, s22;
	(v2sf) =	vpush v0, $0x6  }
0xf1: {  	s2 =	sadd.s32 $0x400, s22  }
0xf2: {  	s25 =	sadd.s32 $0x980, s22;
	s24 =	sadd.s32 $0xA00, s22;
	s23 =	sadd.s32 $0xA80, s22;
	(v2sf) =	vpush v0, $0x7  }
0xf3: {  	s29 =	sadd.s32 $0x800, s22;
	s28 =	sadd.s32 $0x880, s22;
	s26 =	sadd.s32 $0x900, s22  }
0xf4: {  	s4 =	sadd.s32 $0x700, s22;
	s30 =	sadd.s32 $0x780, s22;
	s5 =	spop (v2sf);
	(v2sf) =	vpush v0, $0x8  }
0xf5: {  	s6 =	sadd.s32 $0x500, s22;
	s5 =	sand.u32 $0x1FFFFFF0, s5;
	s10 =	spop (v2sf)  }
0xf6: {  	s15 =	sadd.s32 $0x680, s22;
	s5 =	sadd.s32 s3, s5;
	s31 =	spop (v2sf);
	(v2sf) =	vpush v0, $0x9  }
0xf7: {  	[tilespmem:s2], [sflag:$0x1] =	stream.linear.gather [hbm4b:s5+s17], $0x80, $0x38;
	[tilespmem:$0x10400] =	vst v63  }
0xf8: {  	s2 =	sand.u32 $0x1FFFFFF0, s31;
	s5 =	sand.u32 $0x1FFFFFF0, s10;
	s10 =	spop (v2sf);
	(v2sf) =	vpush v0, $0xA  }
0xf9: {  	s31 =	sadd.s32 $0x600, s22;
	s2 =	sadd.s32 s3, s2;
	s7 =	spop (v2sf)  }
0xfa: {  	[tilespmem:s0], [sflag:$0x1] =	stream.linear.gather [hbm4b:s2+s17], $0x80, $0x38;
	(v2sf) =	vpush v0, $0xB;
	[tilespmem:$0x10400] =	vst v63  }
0xfb: {  	s0 =	sadd.s32 s3, s5;
	s2 =	sand.u32 $0x1FFFFFF0, s10;
	s5 =	sand.u32 $0x1FFFFFF0, s7  }
0xfc: {  	[tilespmem:s6], [sflag:$0x1] =	stream.linear.gather [hbm4b:s0+s17], $0x80, $0x38;
	(v2sf) =	vpush v0, $0xC;
	[tilespmem:$0x10400] =	vst v63  }
0xfd: {  	s2 =	sadd.s32 s3, s2;
	s0 =	sadd.s32 $0x580, s22;
	s6 =	spop (v2sf)  }
0xfe: {  	[tilespmem:s0], [sflag:$0x1] =	stream.linear.gather [hbm4b:s2+s17], $0x80, $0x38;
	(v2sf) =	vpush v0, $0xD;
	[tilespmem:$0x10400] =	vst v63  }
0xff: {  	s0 =	sadd.s32 s3, s5;
	s2 =	sand.u32 $0x1FFFFFF0, s6;
	s5 =	spop (v2sf)  }
0x100: {  	[tilespmem:s31], [sflag:$0x1] =	stream.linear.gather [hbm4b:s0+s17], $0x80, $0x38;
	(v2sf) =	vpush v0, $0xE;
	[tilespmem:$0x10400] =	vst v63  }
0x101: {  	s0 =	sadd.s32 s3, s2;
	s2 =	sand.u32 $0x1FFFFFF0, s5;
	s5 =	spop (v2sf)  }
0x102: {  	[tilespmem:s15], [sflag:$0x1] =	stream.linear.gather [hbm4b:s0+s17], $0x80, $0x38;
	(v2sf) =	vpush v0, $0xF;
	[tilespmem:$0x10400] =	vst v63  }
0x103: {  	s0 =	sadd.s32 s3, s2;
	s2 =	sand.u32 $0x1FFFFFF0, s5;
	s5 =	spop (v2sf)  }
0x104: {  	[tilespmem:s4], [sflag:$0x1] =	stream.linear.gather [hbm4b:s0+s17], $0x80, $0x38;
	[tilespmem:$0x10400] =	vst v63  }
0x105: {  	s0 =	sadd.s32 s3, s2;
	s2 =	sand.u32 $0x1FFFFFF0, s5;
	s4 =	spop (v2sf)  }
0x106: {  	[tilespmem:s30], [sflag:$0x1] =	stream.linear.gather [hbm4b:s0+s17], $0x80, $0x38;
	[tilespmem:$0x10400] =	vst v63  }
0x107: {  	s0 =	sadd.s32 s3, s2;
	s2 =	sand.u32 $0x1FFFFFF0, s4;
	s4 =	spop (v2sf)  }
0x108: {  	[tilespmem:s29], [sflag:$0x1] =	stream.linear.gather [hbm4b:s0+s17], $0x80, $0x38;
	[tilespmem:$0x10400] =	vst v63  }
0x109: {  	s0 =	sadd.s32 s3, s2;
	s2 =	sand.u32 $0x1FFFFFF0, s4;
	s4 =	spop (v2sf)  }
0x10a: {  	[tilespmem:s28], [sflag:$0x1] =	stream.linear.gather [hbm4b:s0+s17], $0x80, $0x38;
	[tilespmem:$0x10400] =	vst v63  }
0x10b: {  	s0 =	sadd.s32 s3, s2;
	s2 =	sand.u32 $0x1FFFFFF0, s4;
	s4 =	spop (v2sf)  }
0x10c: {  	[tilespmem:s26], [sflag:$0x1] =	stream.linear.gather [hbm4b:s0+s17], $0x80, $0x38;
	[tilespmem:$0x10400] =	vst v63  }
0x10d: {  	s0 =	sadd.s32 s3, s2;
	s2 =	sand.u32 $0x1FFFFFF0, s4;
	s4 =	spop (v2sf)  }
0x10e: {  	[tilespmem:s25], [sflag:$0x1] =	stream.linear.gather [hbm4b:s0+s17], $0x80, $0x38;
	[tilespmem:$0x10400] =	vst v63  }
0x10f: {  	s0 =	sadd.s32 s3, s2;
	s2 =	sand.u32 $0x1FFFFFF0, s4;
	s4 =	spop (v2sf)  }
0x110: {  	[tilespmem:s24], [sflag:$0x1] =	stream.linear.gather [hbm4b:s0+s17], $0x80, $0x38;
	[tilespmem:$0x10400] =	vst v63  }
0x111: {  	s0 =	sadd.s32 s3, s2;
	s2 =	sand.u32 $0x1FFFFFF0, s4;
	s4 =	spop (v2sf)  }
0x112: {  	[tilespmem:s23], [sflag:$0x1] =	stream.linear.gather [hbm4b:s0+s17], $0x80, $0x38;
	[tilespmem:$0x10400] =	vst v63  }
0x113: {  	s2 =	sadd.s32 s3, s2;
	s0 =	sadd.s32 $0xB00, s22;
	s4 =	sand.u32 $0x1FFFFFF0, s4  }
0x114: {  	[tilespmem:s0], [sflag:$0x1] =	stream.linear.gather [hbm4b:s2+s17], $0x80, $0x38;
	[tilespmem:$0x10400] =	vst v63  }
0x115: {  	s4 =	sadd.s32 s3, s4;
	s0 =	sand.u32 $0xF0, s21;
	s2 =	sadd.s32 $0xB80, s22  }
0x116: {  	[tilespmem:s2], [sflag:$0x1] =	stream.linear.gather [hbm4b:s4+s17], $0x80, $0x38;
	[tilespmem:$0x10400] =	vst v63  }
0x117: {  	v0 =	vld [tilespmem:s0+$0x100];
	_ =	sdelay $0x4  }
0x118: {  	v0 =	vshll.u32 v0, $0x4  }
0x119: {  	(v2sf) =	vpush v0, $0x0  }
0x11a: {  	(v2sf) =	vpush v0, $0x2  }
0x11b: {  	(v2sf) =	vpush v0, $0x1;
	_ =	sdelay $0x1  }
.Ltmp2:
0x11c: {  	(v2sf) =	vpush v0, $0x3;
	(pc) =	sbr.rel @p0 .LBB2_6-.Ltmp2, $2  }
0x11d: {  	(v2sf) =	vpush v0, $0x4;
	_ =	sdelay $0x2  }
0x11e: {  	s21 =	sadd.s32 $0x10, s21  }
0x11f: {  	(v2sf) =	vpush v0, $0x5;
	_ =	sdelay $0x1  }
0x120: {  	s19 =	sshra.s32 s20, $0x2;
	(v2sf) =	vpush v0, $0x6  }
0x121: {  	s0 =	sadd.s32 $0x480, s19;
	s2 =	sadd.s32 $0x400, s19  }
0x122: {  	s22 =	sadd.s32 $0x980, s19;
	s21 =	sadd.s32 $0xA00, s19;
	s20 =	sadd.s32 $0xA80, s19;
	(v2sf) =	vpush v0, $0x7  }
0x123: {  	s4 =	sadd.s32 $0x800, s19;
	s5 =	sadd.s32 $0x880, s19;
	s6 =	sadd.s32 $0x900, s19  }
0x124: {  	s7 =	sadd.s32 $0x700, s19;
	s10 =	sadd.s32 $0x780, s19;
	s15 =	spop (v2sf);
	(v2sf) =	vpush v0, $0x8  }
0x125: {  	s23 =	sadd.s32 $0x500, s19;
	s15 =	sand.u32 $0x1FFFFFF0, s15;
	s24 =	spop (v2sf)  }
0x126: {  	s25 =	sadd.s32 $0x680, s19;
	s15 =	sadd.s32 s3, s15;
	s26 =	spop (v2sf);
	(v2sf) =	vpush v0, $0x9  }
0x127: {  	[tilespmem:s2], [sflag:$0x1] =	stream.linear.gather [hbm4b:s15+s17], $0x80, $0x38;
	[tilespmem:$0x10400] =	vst v63  }
0x128: {  	s30 =	sand.u32 $0x1FFFFFF0, s24;
	s29 =	sand.u32 $0x1FFFFFF0, s26;
	s31 =	spop (v2sf);
	(v2sf) =	vpush v0, $0xA  }
0x129: {  	s26 =	sadd.s32 $0x600, s19;
	s2 =	sadd.s32 s3, s29;
	s28 =	spop (v2sf)  }
0x12a: {  	[tilespmem:s0], [sflag:$0x1] =	stream.linear.gather [hbm4b:s2+s17], $0x80, $0x38;
	(v2sf) =	vpush v0, $0xB;
	[tilespmem:$0x10400] =	vst v63  }
0x12b: {  	s15 =	sadd.s32 s3, s30;
	s30 =	sadd.s32 $0x580, s19;
	s24 =	sand.u32 $0x1FFFFFF0, s31  }
0x12c: {  	(v2sf) =	vpush v0, $0xC;
	[tilespmem:s23], [sflag:$0x1] =	stream.linear.gather [hbm4b:s15+s17], $0x80, $0x38;
	[tilespmem:$0x10400] =	vst v63  }
0x12d: {  	s29 =	sand.u32 $0x1FFFFFF0, s28;
	s2 =	sadd.s32 s3, s24;
	s31 =	spop (v2sf)  }
0x12e: {  	[tilespmem:s30], [sflag:$0x1] =	stream.linear.gather [hbm4b:s2+s17], $0x80, $0x38;
	(v2sf) =	vpush v0, $0xD;
	[tilespmem:$0x10400] =	vst v63  }
0x12f: {  	s2 =	sadd.s32 s3, s29;
	s15 =	sand.u32 $0x1FFFFFF0, s31;
	s23 =	spop (v2sf)  }
0x130: {  	(v2sf) =	vpush v0, $0xE;
	[tilespmem:s26], [sflag:$0x1] =	stream.linear.gather [hbm4b:s2+s17], $0x80, $0x38;
	[tilespmem:$0x10400] =	vst v63  }
0x131: {  	s24 =	sadd.s32 s3, s15;
	s26 =	sand.u32 $0x1FFFFFF0, s23;
	s28 =	spop (v2sf)  }
0x132: {  	(v2sf) =	vpush v0, $0xF;
	[tilespmem:s25], [sflag:$0x1] =	stream.linear.gather [hbm4b:s24+s17], $0x80, $0x38;
	[tilespmem:$0x10400] =	vst v63  }
0x133: {  	s29 =	sadd.s32 s3, s26;
	s30 =	sand.u32 $0x1FFFFFF0, s28;
	s31 =	spop (v2sf)  }
0x134: {  	[tilespmem:s7], [sflag:$0x1] =	stream.linear.gather [hbm4b:s29+s17], $0x80, $0x38;
	[tilespmem:$0x10400] =	vst v63  }
0x135: {  	s7 =	sadd.s32 s3, s30;
	s23 =	sand.u32 $0x1FFFFFF0, s31;
	s24 =	spop (v2sf)  }
0x136: {  	[tilespmem:s10], [sflag:$0x1] =	stream.linear.gather [hbm4b:s7+s17], $0x80, $0x38;
	[tilespmem:$0x10400] =	vst v63  }
0x137: {  	s25 =	sadd.s32 s3, s23;
	s26 =	sand.u32 $0x1FFFFFF0, s24;
	s28 =	spop (v2sf)  }
0x138: {  	[tilespmem:s4], [sflag:$0x1] =	stream.linear.gather [hbm4b:s25+s17], $0x80, $0x38;
	[tilespmem:$0x10400] =	vst v63  }
0x139: {  	s29 =	sadd.s32 s3, s26;
	s30 =	sand.u32 $0x1FFFFFF0, s28;
	s31 =	spop (v2sf)  }
0x13a: {  	[tilespmem:s5], [sflag:$0x1] =	stream.linear.gather [hbm4b:s29+s17], $0x80, $0x38;
	[tilespmem:$0x10400] =	vst v63  }
0x13b: {  	s2 =	sadd.s32 s3, s30;
	s4 =	sand.u32 $0x1FFFFFF0, s31;
	s5 =	spop (v2sf)  }
0x13c: {  	[tilespmem:s6], [sflag:$0x1] =	stream.linear.gather [hbm4b:s2+s17], $0x80, $0x38;
	[tilespmem:$0x10400] =	vst v63  }
0x13d: {  	s7 =	sadd.s32 s3, s4;
	s10 =	sand.u32 $0x1FFFFFF0, s5;
	s15 =	spop (v2sf)  }
0x13e: {  	[tilespmem:s22], [sflag:$0x1] =	stream.linear.gather [hbm4b:s7+s17], $0x80, $0x38;
	[tilespmem:$0x10400] =	vst v63  }
0x13f: {  	s22 =	sadd.s32 s3, s10;
	s23 =	sand.u32 $0x1FFFFFF0, s15;
	s24 =	spop (v2sf)  }
0x140: {  	[tilespmem:s21], [sflag:$0x1] =	stream.linear.gather [hbm4b:s22+s17], $0x80, $0x38;
	[tilespmem:$0x10400] =	vst v63  }
0x141: {  	s25 =	sadd.s32 s3, s23;
	s26 =	sand.u32 $0x1FFFFFF0, s24;
	s28 =	spop (v2sf)  }
0x142: {  	[tilespmem:s20], [sflag:$0x1] =	stream.linear.gather [hbm4b:s25+s17], $0x80, $0x38;
	[tilespmem:$0x10400] =	vst v63  }
0x143: {  	s29 =	sadd.s32 $0xB00, s19;
	s2 =	sadd.s32 s3, s26;
	s4 =	sand.u32 $0x1FFFFFF0, s28  }
0x144: {  	[tilespmem:s29], [sflag:$0x1] =	stream.linear.gather [hbm4b:s2+s17], $0x80, $0x38;
	[tilespmem:$0x10400] =	vst v63  }
0x145: {  	s30 =	sadd.s32 $0xB80, s19;
	s31 =	sadd.s32 s3, s4  }
0x146: {  	[tilespmem:s30], [sflag:$0x1] =	stream.linear.gather [hbm4b:s31+s17], $0x80, $0x38;
	[tilespmem:$0x10400] =	vst v63  }
0x147: {  	v0 =	vld [tilespmem:s18+$0x300];
	_ =	sdelay $0x4  }
0x148: {  	v0 =	vshll.u32 v0, $0x4  }
0x149: {  	(v2sf) =	vpush v0, $0x0  }
0x14a: {  	(v2sf) =	vpush v0, $0x2  }
0x14b: {  	(v2sf) =	vpush v0, $0x1;
	_ =	sdelay $0x1  }
0x14c: {  	(v2sf) =	vpush v0, $0x3  }
0x14d: {  	(v2sf) =	vpush v0, $0x4;
	_ =	sdelay $0x2  }
0x14e: {  	s19 =	simm.s32 $0x10;
	s18 =	simm.s32 $0x2000  }
.LBB2_8:
0x14f: {  	p0 =	sne.s32 s18, $0x1E000;
	(v2sf) =	vpush v0, $0x5;
	s0 =	smov.u32 s18;
	s18 =	sadd.s32 $0x2000, s18  }
0x150: {  	s20 =	sshra.s32 s17, $0x2;
	s17 =	smov.u32 s0  }
0x151: {  	s0 =	sadd.s32 $0x8480, s20;
	(v2sf) =	vpush v0, $0x6  }
0x152: {  	s2 =	sadd.s32 $0x8400, s20  }
0x153: {  	s23 =	sadd.s32 $0x8980, s20;
	s22 =	sadd.s32 $0x8A00, s20;
	s21 =	sadd.s32 $0x8A80, s20;
	(v2sf) =	vpush v0, $0x7  }
0x154: {  	s26 =	sadd.s32 $0x8800, s20;
	s25 =	sadd.s32 $0x8880, s20;
	s24 =	sadd.s32 $0x8900, s20  }
0x155: {  	s4 =	sadd.s32 $0x8700, s20;
	s28 =	sadd.s32 $0x8780, s20;
	s5 =	spop (v2sf);
	(v2sf) =	vpush v0, $0x8  }
0x156: {  	s6 =	sadd.s32 $0x8500, s20;
	s5 =	sand.u32 $0x1FFFFFF0, s5;
	s7 =	spop (v2sf)  }
0x157: {  	s10 =	sadd.s32 $0x8680, s20;
	s5 =	sadd.s32 s3, s5;
	s15 =	spop (v2sf);
	(v2sf) =	vpush v0, $0x9  }
0x158: {  	[tilespmem:s2], [sflag:$0x2] =	stream.linear.gather [hbm4b:s5+s1], $0x80, $0x38;
	[tilespmem:$0x10400] =	vst v63  }
0x159: {  	s2 =	sand.u32 $0x1FFFFFF0, s15;
	s5 =	sand.u32 $0x1FFFFFF0, s7;
	s7 =	spop (v2sf);
	(v2sf) =	vpush v0, $0xA  }
0x15a: {  	s15 =	sadd.s32 $0x8600, s20;
	s2 =	sadd.s32 s3, s2;
	s29 =	spop (v2sf)  }
0x15b: {  	[tilespmem:s0], [sflag:$0x2] =	stream.linear.gather [hbm4b:s2+s1], $0x80, $0x38;
	(v2sf) =	vpush v0, $0xB;
	[tilespmem:$0x10400] =	vst v63  }
0x15c: {  	s0 =	sadd.s32 s3, s5;
	s2 =	sand.u32 $0x1FFFFFF0, s7;
	s5 =	sand.u32 $0x1FFFFFF0, s29  }
0x15d: {  	[tilespmem:s6], [sflag:$0x2] =	stream.linear.gather [hbm4b:s0+s1], $0x80, $0x38;
	(v2sf) =	vpush v0, $0xC;
	[tilespmem:$0x10400] =	vst v63  }
0x15e: {  	s2 =	sadd.s32 s3, s2;
	s0 =	sadd.s32 $0x8580, s20;
	s6 =	spop (v2sf)  }
0x15f: {  	[tilespmem:s0], [sflag:$0x2] =	stream.linear.gather [hbm4b:s2+s1], $0x80, $0x38;
	(v2sf) =	vpush v0, $0xD;
	[tilespmem:$0x10400] =	vst v63  }
0x160: {  	s0 =	sadd.s32 s3, s5;
	s2 =	sand.u32 $0x1FFFFFF0, s6;
	s5 =	spop (v2sf)  }
0x161: {  	[tilespmem:s15], [sflag:$0x2] =	stream.linear.gather [hbm4b:s0+s1], $0x80, $0x38;
	(v2sf) =	vpush v0, $0xE;
	[tilespmem:$0x10400] =	vst v63  }
0x162: {  	s0 =	sadd.s32 s3, s2;
	s2 =	sand.u32 $0x1FFFFFF0, s5;
	s5 =	spop (v2sf)  }
0x163: {  	[tilespmem:s10], [sflag:$0x2] =	stream.linear.gather [hbm4b:s0+s1], $0x80, $0x38;
	(v2sf) =	vpush v0, $0xF;
	[tilespmem:$0x10400] =	vst v63  }
0x164: {  	s0 =	sadd.s32 s3, s2;
	s2 =	sand.u32 $0x1FFFFFF0, s5;
	s5 =	spop (v2sf)  }
0x165: {  	[tilespmem:s4], [sflag:$0x2] =	stream.linear.gather [hbm4b:s0+s1], $0x80, $0x38;
	[tilespmem:$0x10400] =	vst v63  }
0x166: {  	s0 =	sadd.s32 s3, s2;
	s2 =	sand.u32 $0x1FFFFFF0, s5;
	s4 =	spop (v2sf)  }
0x167: {  	[tilespmem:s28], [sflag:$0x2] =	stream.linear.gather [hbm4b:s0+s1], $0x80, $0x38;
	[tilespmem:$0x10400] =	vst v63  }
0x168: {  	s0 =	sadd.s32 s3, s2;
	s2 =	sand.u32 $0x1FFFFFF0, s4;
	s4 =	spop (v2sf)  }
0x169: {  	[tilespmem:s26], [sflag:$0x2] =	stream.linear.gather [hbm4b:s0+s1], $0x80, $0x38;
	[tilespmem:$0x10400] =	vst v63  }
0x16a: {  	s0 =	sadd.s32 s3, s2;
	s2 =	sand.u32 $0x1FFFFFF0, s4;
	s4 =	spop (v2sf)  }
0x16b: {  	[tilespmem:s25], [sflag:$0x2] =	stream.linear.gather [hbm4b:s0+s1], $0x80, $0x38;
	[tilespmem:$0x10400] =	vst v63  }
0x16c: {  	s0 =	sadd.s32 s3, s2;
	s2 =	sand.u32 $0x1FFFFFF0, s4;
	s4 =	spop (v2sf)  }
0x16d: {  	[tilespmem:s24], [sflag:$0x2] =	stream.linear.gather [hbm4b:s0+s1], $0x80, $0x38;
	[tilespmem:$0x10400] =	vst v63  }
0x16e: {  	s0 =	sadd.s32 s3, s2;
	s2 =	sand.u32 $0x1FFFFFF0, s4;
	s4 =	spop (v2sf)  }
0x16f: {  	[tilespmem:s23], [sflag:$0x2] =	stream.linear.gather [hbm4b:s0+s1], $0x80, $0x38;
	[tilespmem:$0x10400] =	vst v63  }
0x170: {  	s0 =	sadd.s32 s3, s2;
	s2 =	sand.u32 $0x1FFFFFF0, s4;
	s4 =	spop (v2sf)  }
0x171: {  	[tilespmem:s22], [sflag:$0x2] =	stream.linear.gather [hbm4b:s0+s1], $0x80, $0x38;
	[tilespmem:$0x10400] =	vst v63  }
0x172: {  	s0 =	sadd.s32 s3, s2;
	s2 =	sand.u32 $0x1FFFFFF0, s4;
	s4 =	spop (v2sf)  }
0x173: {  	[tilespmem:s21], [sflag:$0x2] =	stream.linear.gather [hbm4b:s0+s1], $0x80, $0x38;
	[tilespmem:$0x10400] =	vst v63  }
0x174: {  	s2 =	sadd.s32 s3, s2;
	s0 =	sadd.s32 $0x8B00, s20;
	s4 =	sand.u32 $0x1FFFFFF0, s4  }
0x175: {  	[tilespmem:s0], [sflag:$0x2] =	stream.linear.gather [hbm4b:s2+s1], $0x80, $0x38;
	[tilespmem:$0x10400] =	vst v63  }
0x176: {  	s4 =	sadd.s32 s3, s4;
	s0 =	sand.u32 $0xF0, s19;
	s2 =	sadd.s32 $0x8B80, s20  }
0x177: {  	[tilespmem:s2], [sflag:$0x2] =	stream.linear.gather [hbm4b:s4+s1], $0x80, $0x38;
	[tilespmem:$0x10400] =	vst v63  }
0x178: {  	v0 =	vld [tilespmem:s0+$0x300];
	_ =	sdelay $0x4  }
0x179: {  	v0 =	vshll.u32 v0, $0x4  }
0x17a: {  	(v2sf) =	vpush v0, $0x0  }
0x17b: {  	(v2sf) =	vpush v0, $0x2  }
0x17c: {  	(v2sf) =	vpush v0, $0x1;
	_ =	sdelay $0x1  }
.Ltmp3:
0x17d: {  	(v2sf) =	vpush v0, $0x3;
	(pc) =	sbr.rel @p0 .LBB2_8-.Ltmp3, $2  }
0x17e: {  	(v2sf) =	vpush v0, $0x4;
	_ =	sdelay $0x2  }
0x17f: {  	s19 =	sadd.s32 $0x10, s19  }
0x180: {  	_ =	sdelay $0x5  }
0x181: {  	s0 =	spop (v2sf)  }
0x182: {  	s4 =	spop (v2sf);
	(v2sf) =	vpush v0, $0x5;
	_ =	sdelay $0x1  }
0x183: {  	s19 =	spop (v2sf);
	(v2sf) =	vpush v0, $0x6;
	_ =	sdelay $0x2  }
0x184: {  	s23 =	spop (v2sf);
	(v2sf) =	vpush v0, $0x7  }
0x185: {  	s17 =	sshra.s32 s17, $0x2;
	s0 =	sand.u32 $0x1FFFFFF0, s0  }
0x186: {  	s2 =	sadd.s32 $0x8400, s17;
	s0 =	sadd.s32 s3, s0  }
0x187: {  	[tilespmem:s2], [sflag:$0x2] =	stream.linear.gather [hbm4b:s0+s1], $0x80, $0x38;
	[tilespmem:$0x10400] =	vst v63  }
0x188: {  	s0 =	sand.u32 $0x1FFFFFF0, s19;
	s25 =	spop (v2sf);
	(v2sf) =	vpush v0, $0x8  }
0x189: {  	s20 =	sadd.s32 $0x8480, s17;
	s21 =	sand.u32 $0x1FFFFFF0, s4;
	s0 =	sadd.s32 s3, s0  }
0x18a: {  	[tilespmem:s20], [sflag:$0x2] =	stream.linear.gather [hbm4b:s0+s1], $0x80, $0x38;
	[tilespmem:$0x10400] =	vst v63  }
0x18b: {  	s22 =	sadd.s32 $0x8500, s17;
	s0 =	sadd.s32 s3, s21  }
0x18c: {  	[tilespmem:s22], [sflag:$0x2] =	stream.linear.gather [hbm4b:s0+s1], $0x80, $0x38;
	[tilespmem:$0x10400] =	vst v63  }
0x18d: {  	s0 =	sand.u32 $0x1FFFFFF0, s23  }
0x18e: {  	s24 =	sadd.s32 $0x8580, s17;
	s0 =	sadd.s32 s3, s0;
	s28 =	spop (v2sf);
	(v2sf) =	vpush v0, $0x9  }
0x18f: {  	[tilespmem:s24], [sflag:$0x2] =	stream.linear.gather [hbm4b:s0+s1], $0x80, $0x38;
	[tilespmem:$0x10400] =	vst v63  }
0x190: {  	s0 =	sand.u32 $0x1FFFFFF0, s25;
	s30 =	spop (v2sf);
	(v2sf) =	vpush v0, $0xA  }
0x191: {  	s26 =	sadd.s32 $0x8600, s17;
	s0 =	sadd.s32 s3, s0  }
0x192: {  	[tilespmem:s26], [sflag:$0x2] =	stream.linear.gather [hbm4b:s0+s1], $0x80, $0x38;
	[tilespmem:$0x10400] =	vst v63  }
0x193: {  	s0 =	sand.u32 $0x1FFFFFF0, s28;
	s4 =	spop (v2sf);
	(v2sf) =	vpush v0, $0xB  }
0x194: {  	s29 =	sadd.s32 $0x8680, s17;
	s0 =	sadd.s32 s3, s0  }
0x195: {  	[tilespmem:s29], [sflag:$0x2] =	stream.linear.gather [hbm4b:s0+s1], $0x80, $0x38;
	[tilespmem:$0x10400] =	vst v63  }
0x196: {  	s0 =	sand.u32 $0x1FFFFFF0, s30  }
0x197: {  	s31 =	sadd.s32 $0x8700, s17;
	s0 =	sadd.s32 s3, s0;
	s6 =	spop (v2sf)  }
0x198: {  	(v2sf) =	vpush v0, $0xC;
	[tilespmem:s31], [sflag:$0x2] =	stream.linear.gather [hbm4b:s0+s1], $0x80, $0x38;
	[tilespmem:$0x10400] =	vst v63  }
0x199: {  	s0 =	sand.u32 $0x1FFFFFF0, s4  }
0x19a: {  	s5 =	sadd.s32 $0x8780, s17;
	s0 =	sadd.s32 s3, s0  }
0x19b: {  	[tilespmem:s5], [sflag:$0x2] =	stream.linear.gather [hbm4b:s0+s1], $0x80, $0x38;
	[tilespmem:$0x10400] =	vst v63  }
0x19c: {  	s0 =	sand.u32 $0x1FFFFFF0, s6  }
0x19d: {  	s7 =	sadd.s32 $0x8800, s17;
	s0 =	sadd.s32 s3, s0;
	s10 =	spop (v2sf);
	(v2sf) =	vpush v0, $0xD  }
0x19e: {  	[tilespmem:s7], [sflag:$0x2] =	stream.linear.gather [hbm4b:s0+s1], $0x80, $0x38;
	[tilespmem:$0x10400] =	vst v63  }
0x19f: {  	s0 =	sand.u32 $0x1FFFFFF0, s10;
	s18 =	spop (v2sf);
	(v2sf) =	vpush v0, $0xE  }
0x1a0: {  	s15 =	sadd.s32 $0x8880, s17;
	s0 =	sadd.s32 s3, s0  }
0x1a1: {  	[tilespmem:s15], [sflag:$0x2] =	stream.linear.gather [hbm4b:s0+s1], $0x80, $0x38;
	[tilespmem:$0x10400] =	vst v63  }
0x1a2: {  	s20 =	spop (v2sf);
	(v2sf) =	vpush v0, $0xF  }
0x1a3: {  	s0 =	sand.u32 $0x1FFFFFF0, s18  }
0x1a4: {  	s19 =	sadd.s32 $0x8900, s17;
	s0 =	sadd.s32 s3, s0  }
0x1a5: {  	[tilespmem:s19], [sflag:$0x2] =	stream.linear.gather [hbm4b:s0+s1], $0x80, $0x38;
	[tilespmem:$0x10400] =	vst v63  }
0x1a6: {  	s0 =	sand.u32 $0x1FFFFFF0, s20  }
0x1a7: {  	s21 =	sadd.s32 $0x8980, s17;
	s22 =	spop (v2sf);
	s0 =	sadd.s32 s3, s0  }
0x1a8: {  	[tilespmem:s21], [sflag:$0x2] =	stream.linear.gather [hbm4b:s0+s1], $0x80, $0x38;
	[tilespmem:$0x10400] =	vst v63  }
0x1a9: {  	s0 =	sand.u32 $0x1FFFFFF0, s22  }
0x1aa: {  	s23 =	sadd.s32 $0x8A00, s17;
	s0 =	sadd.s32 s3, s0  }
0x1ab: {  	[tilespmem:s23], [sflag:$0x2] =	stream.linear.gather [hbm4b:s0+s1], $0x80, $0x38;
	[tilespmem:$0x10400] =	vst v63  }
0x1ac: {  	s24 =	spop (v2sf)  }
0x1ad: {  	s0 =	sand.u32 $0x1FFFFFF0, s24  }
0x1ae: {  	s25 =	sadd.s32 $0x8A80, s17;
	s26 =	spop (v2sf);
	s0 =	sadd.s32 s3, s0  }
0x1af: {  	[tilespmem:s25], [sflag:$0x2] =	stream.linear.gather [hbm4b:s0+s1], $0x80, $0x38;
	[tilespmem:$0x10400] =	vst v63  }
0x1b0: {  	s0 =	sand.u32 $0x1FFFFFF0, s26  }
0x1b1: {  	s28 =	sadd.s32 $0x8B00, s17;
	s29 =	spop (v2sf);
	s0 =	sadd.s32 s3, s0  }
0x1b2: {  	[tilespmem:s28], [sflag:$0x2] =	stream.linear.gather [hbm4b:s0+s1], $0x80, $0x38;
	[tilespmem:$0x10400] =	vst v63  }
0x1b3: {  	s0 =	sand.u32 $0x1FFFFFF0, s29  }
0x1b4: {  	s30 =	sadd.s32 $0x8B80, s17;
	s0 =	sadd.s32 s3, s0  }
0x1b5: {  	[tilespmem:s30], [sflag:$0x2] =	stream.linear.gather [hbm4b:s0+s1], $0x80, $0x38;
	[tilespmem:$0x10400] =	vst v63  }
0x1b6: {  	_ =	swait.ge [sflag:s13], $0x8000  }
0x1b7: {  	[sflag:s13] =	ssyncset.done $0x0  }
0x1b8: {  	s31 =	rddreg [dreg:$0x6];
	[sflag:s13] =	ssyncadd.s32 $0xFFFF8000  }
0x1b9: {  	[hbm4b:s31+s1] =	stream.linear.scatter [tilespmem:s11], [sflag:$0x3], $0x8000, $0x38;
	[tilespmem:$0x10400] =	vst v63  }
0x1ba: {  	_ =	swait.ge [sflag:s12], $0x8000  }
0x1bb: {  	[sflag:s12] =	ssyncset.done $0x0  }
0x1bc: {  	[sflag:s12] =	ssyncadd.s32 $0xFFFF8000  }
0x1bd: {  	s16 =	sadd.s32 $0x1, s16;
	_ =	swait.ge [sflag:s14], $0x8000  }
0x1be: {  	p0 =	sne.s32 s16, s9;
	[sflag:s14] =	ssyncset.done $0x0  }
.Ltmp4:
0x1bf: {  	s7 =	simm.s32 $0x8400;
	[sflag:s14] =	ssyncadd.s32 $0xFFFF8000;
	(pc) =	sbr.rel @p0 .LBB2_1-.Ltmp4, $4  }
0x1c0: {  	[hbm4b:s8+s1] =	stream.linear.scatter [tilespmem:s7], [sflag:$0x3], $0x8000, $0x38;
	[tilespmem:$0x10400] =	vst v63  }
0x1c1: {  	_ =	swait.ge [sflag:s12], $0x8000  }
0x1c2: {  	[sflag:s12] =	ssyncset.done $0x0  }
0x1c3: {  	[sflag:s12] =	ssyncadd.s32 $0xFFFF8000  }
0x1c4: {  	_ =	sfence.sel $0x180000  }
0x1c5: {  	[bflag:$0x0] =	sbarrier.arrive $0xFFFF  }
0x1c6: {  	_ =	strace $0x90000047  }
0x1c7: {  	s0 =	stileid.u32;
	[bflag:$0x2] =	sbarrier.arrive $0xFFFF  }
0x1c8: {  	p0 =	sne.s32 s0, $0x0;
	s0 =	rddreg [dreg:$0x2]  }
0x1c9: {  	s0 =	sadd.s32 @!p0 $0x100000, s0  }
0x1ca: {  	[sflag:s0] =	ssyncadd.tile.s32 @!p0 $0x1;
	_ =	shalt  }
.Lfunc_end2:
_tile_overlayer_lowered:
.L_overlay_start_2:
0x1cb: {  	(tag) =	ssettag $0x2  }
0x1cc: {  	s0 =	rddreg [dreg:$0x0];
	s2 =	stileid.u32  }
0x1cd: {  	s1 =	rddreg [dreg:$0x1];
	p0 =	sne.s32 s2, $0x0  }
0x1ce: {  	s3 =	rddreg [dreg:$0x2];
	[bflag:$0x3] =	sbarrier.arrive $0xFFFF;
	s2 =	simm.s32 @!p0 $0x1C03  }
0x1cf: {  	[timem:s3], [sflag:s2] =	dma.local @!p0 [hbm:s0], s1  }
0x1d0: {  	s0 =	simm.s32 @!p0 $0x3  }
0x1d1: {  	_ =	swait.ge @!p0 [sflag:s0], s1  }
0x1d2: {  	s1 =	ssub.s32 @!p0 $0x0, s1;
	[sflag:s0] =	ssyncset.done @!p0 $0x0  }
0x1d3: {  	[sflag:s0] =	ssyncadd.s32 @!p0 s1  }
0x1d4: {  	[bflag:$0x3] =	sbarrier.arrive $0xFFFF  }
0x1d5: {  	_ =	shalt  }

// kernel: _sbpr.7.cloned.1.call-start
scs
__scs_entry_jumppad:
0x0: {  	(pc) =	sbr.rel $0x88, $3  }
0x1: {  	(tag) =	ssettag $0x0;
	lr =	simm.s32 $0x1  }
0x2: {  	[smem:$0x3F9D] =	sst lr;
	_ =	strace $0xD0000000  }
0x3: {  	_ = 	snop  }
0x4: {  	_ = 	snop  }
0x5: {  	_ = 	snop  }
0x6: {  	_ = 	snop  }
0x7: {  	_ = 	snop  }
__scs_overlays_trampoline_lowered:
0x8: {  	[smem:$0x3FAC] =	sst s0  }
0x9: {  	[smem:$0x3FAD] =	sst s1  }
0xa: {  	[smem:$0x3FAE] =	sst s2  }
0xb: {  	[smem:$0x3FAF] =	sst s3  }
0xc: {  	[smem:$0x3FB0] =	sst s4  }
0xd: {  	[smem:$0x3FB1] =	sst s5  }
0xe: {  	[smem:$0x3FB2] =	sst s6  }
0xf: {  	[smem:$0x3FB3] =	sst s7  }
0x10: {  	[smem:$0x3FB4] =	sst s8  }
0x11: {  	[smem:$0x3FB5] =	sst s9;
	s0 =	simm.s32 @!p0 $0x0  }
0x12: {  	s1 =	sld [smem:$0x3F9B];
	s0 =	simm.s32 @p0 $0x1  }
0x13: {  	[smem:$0x3FB6] =	sst s0;
	s0 =	simm.s32 @!p1 $0x0  }
0x14: {  	s2 =	sld [smem:$0x3F9A];
	s0 =	simm.s32 @p1 $0x1  }
0x15: {  	[smem:$0x3FB7] =	sst s0;
	s0 =	simm.s32 @!p2 $0x0  }
0x16: {  	s3 =	sld [smem:$0x3FDB];
	s0 =	simm.s32 @p2 $0x1  }
0x17: {  	s4 =	simm.s32 $0x1BF5;
	[smem:$0x3FB9] =	sst s0  }
0x18: {  	s0 =	sld [smem:$0x3F9C];
	_ =	swait.ge [sflag:s4], $0x0  }
0x19: {  	s7 =	sld [smem:$0x3F9D]  }
0x1a: {  	s8 =	sadd.s32 $0xFFFFE003, lr  }
0x1b: {  	s9 =	sadd.s32 $0xFFFFFEF7, lr;
	s5 =	simm.s32 $0xFFFFFFFF;
	p2 =	slt.u32 s8, $0xFFFFF086  }
0x1c: {  	p1 =	slt.u32 s9, $0xF7A;
	s5 =	simm.s32 @!p2 $0x0  }
0x1d: {  	s5 =	simm.s32 @p1 $0x1;
	p0 =	seq.s32 s7, s2  }
0x1e: {  	s7 =	smul.u32 @!p0 $0xF7A, s2;
	p2 =	seq.s32 @!p0 s5, $0x0  }
0x1f: {  	s9 =	smul.u32 $0xF7A, s1;
	s8 =	simm.s32 @!p0 $0x1BF5;
	p2 =	por !p2, p0  }
0x20: {  	[sflag:s8] =	ssyncset.s32 @!p0 $0xFFFFF086;
	s6 =	sadd.s32 @!p0 s3, s7;
	s7 =	simm.s32 @!p0 $0x108  }
0x21: {  	s3 =	sadd.s32 s3, s9;
	s6 =	sadd.s32 @!p0 $0x88, s6;
	s7 =	simm.s32 @p2 $0x1082  }
0x22: {  	[simem:s7], [sflag:s8] =	dma.local @!p0 [hbm:s6], $0xF7A  }
0x23: {  	s9 =	sor.u32 $0xD0000000, s2;
	s6 =	simm.s32 $0x108;
	_ =	swait.ge @!p0 [sflag:s8], $0x0  }
0x24: {  	s3 =	sadd.s32 $0x88, s3;
	s6 =	simm.s32 @!p1 $0x1082;
	[sflag:s4] =	ssyncset.s32 $0xFFFFF086  }
0x25: {  	[simem:s6], [sflag:s4] =	dma.local [hbm:s3], $0xF7A  }
0x26: {  	[smem:$0x3F9D] =	sst s1;
	(tag) =	ssettag s2;
	_ =	strace s9  }
0x27: {  	s1 =	sld [smem:$0x3FAD]  }
0x28: {  	s2 =	sld [smem:$0x3FAE]  }
0x29: {  	s4 =	sld [smem:$0x3FB0]  }
0x2a: {  	p0 =	seq.s32 s5, $0x0;
	s5 =	sld [smem:$0x3FB1]  }
0x2b: {  	s6 =	sld [smem:$0x3FB2]  }
0x2c: {  	s7 =	sld [smem:$0x3FB3]  }
0x2d: {  	s3 =	simm.s32 $0x108;
	s8 =	sld [smem:$0x3FB4]  }
0x2e: {  	s3 =	simm.s32 @!p0 $0x1082;
	s9 =	sld [smem:$0x3FB5]  }
0x2f: {  	lr =	sadd.s32 s0, s3;
	s0 =	sld [smem:$0x3FAC]  }
0x30: {  	s3 =	sld [smem:$0x3FAF]  }
0x31: {  	[smem:$0x3FB8] =	sst s10  }
0x32: {  	s10 =	sld [smem:$0x3FB6];
	_ =	sdelay $0x3  }
0x33: {  	p0 =	seq.s32 s10, $0x1;
	s10 =	sld [smem:$0x3FB8];
	_ =	sdelay $0x3  }
0x34: {  	[smem:$0x3FB8] =	sst s10  }
0x35: {  	s10 =	sld [smem:$0x3FB7];
	_ =	sdelay $0x3  }
0x36: {  	p1 =	seq.s32 s10, $0x1;
	s10 =	sld [smem:$0x3FB8];
	_ =	sdelay $0x3  }
0x37: {  	[smem:$0x3FB8] =	sst s10  }
0x38: {  	s10 =	sld [smem:$0x3FB9]  }
0x39: {  	_ = 	snop;
	(pc) =	sbr.ind lr, $3  }
0x3a: {  	_ = 	snop  }
0x3b: {  	_ = 	snop  }
0x3c: {  	p2 =	seq.s32 s10, $0x1;
	s10 =	sld [smem:$0x3FB8]  }
0x3d: {  	_ =	shalt  }
0x3e: {  	_ =	shalt  }
0x3f: {  	_ =	shalt  }
0x40: {  	_ =	shalt  }
0x41: {  	_ =	shalt  }
0x42: {  	_ =	shalt  }
0x43: {  	_ =	shalt  }
0x44: {  	_ =	shalt  }
0x45: {  	_ =	shalt  }
0x46: {  	_ =	shalt  }
0x47: {  	_ =	shalt  }
0x48: {  	_ =	shalt  }
0x49: {  	_ =	shalt  }
0x4a: {  	_ =	shalt  }
0x4b: {  	_ =	shalt  }
0x4c: {  	_ =	shalt  }
0x4d: {  	_ =	shalt  }
0x4e: {  	_ =	shalt  }
0x4f: {  	_ =	shalt  }
0x50: {  	_ =	shalt  }
0x51: {  	_ =	shalt  }
0x52: {  	_ =	shalt  }
0x53: {  	_ =	shalt  }
0x54: {  	_ =	shalt  }
0x55: {  	_ =	shalt  }
0x56: {  	_ =	shalt  }
0x57: {  	_ =	shalt  }
0x58: {  	_ =	shalt  }
0x59: {  	_ =	shalt  }
0x5a: {  	_ =	shalt  }
0x5b: {  	_ =	shalt  }
0x5c: {  	_ =	shalt  }
0x5d: {  	_ =	shalt  }
0x5e: {  	_ =	shalt  }
0x5f: {  	_ =	shalt  }
0x60: {  	_ =	shalt  }
0x61: {  	_ =	shalt  }
0x62: {  	_ =	shalt  }
0x63: {  	_ =	shalt  }
0x64: {  	_ =	shalt  }
0x65: {  	_ =	shalt  }
0x66: {  	_ =	shalt  }
0x67: {  	_ =	shalt  }
0x68: {  	_ =	shalt  }
0x69: {  	_ =	shalt  }
0x6a: {  	_ =	shalt  }
0x6b: {  	_ =	shalt  }
0x6c: {  	_ =	shalt  }
0x6d: {  	_ =	shalt  }
0x6e: {  	_ =	shalt  }
0x6f: {  	_ =	shalt  }
0x70: {  	_ =	shalt  }
0x71: {  	_ =	shalt  }
0x72: {  	_ =	shalt  }
0x73: {  	_ =	shalt  }
0x74: {  	_ =	shalt  }
0x75: {  	_ =	shalt  }
0x76: {  	_ =	shalt  }
0x77: {  	_ =	shalt  }
0x78: {  	_ =	shalt  }
0x79: {  	_ =	shalt  }
0x7a: {  	_ =	shalt  }
0x7b: {  	_ =	shalt  }
0x7c: {  	_ =	shalt  }
0x7d: {  	_ =	shalt  }
0x7e: {  	_ =	shalt  }
0x7f: {  	_ =	shalt  }
0x80: {  	_ =	shalt  }
0x81: {  	_ =	shalt  }
0x82: {  	_ =	shalt  }
0x83: {  	_ =	shalt  }
0x84: {  	_ =	shalt  }
0x85: {  	_ =	shalt  }
0x86: {  	_ =	shalt  }
0x87: {  	_ =	shalt  }
.Lfunc_end0:
.L_simem_size_0:
called_computation.1_lowered:
.L_overlay_start_0:
0x88: {  	s2 =	sld [smem:$0x3FD9]  }
0x89: {  	s3 =	sld [smem:$0x3FFE];
	_ =	sdelay $0x1  }
0x8a: {  	s1 =	srdreg.scid  }
0x8b: {  	s0 =	sand.u32 $0x1, s1  }
0x8c: {  	s15 =	sshll.u32 s0, $0xA;
	s2 =	sadd.s32 s3, s2  }
0x8d: {  	s2 =	sadd.s32 s2, s15  }
0x8e: {  	[smem:$0x3FC4] =	sst s2  }
0x8f: {  	_ = 	snop  }
0x90: {  	s16 =	sld [smem:$0x3FD0];
	_ =	sdelay $0x2  }
0x91: {  	s4 =	simm.s32 $0xB;
	s5 =	simm.s32 $0x10;
	s2 =	sld [smem:$0x3FC9]  }
0x92: {  	[smem:s5], [sflag:s4] =	dma.local [hbm:s16], $0x1  }
0x93: {  	_ =	swait.eq [sflag:s4], $0x1  }
0x94: {  	[sflag:s4] =	ssyncset.done $0x0  }
0x95: {  	[sflag:s4] =	ssyncadd.s32 $0xFFFFFFFF  }
0x96: {  	s17 =	sld [smem:$0x10];
	(tm) =	ssettm $0x1  }
0x97: {  	s18 =	sld [smem:$0x3FFB];
	_ =	sdelay $0x3  }
0x98: {  	_ =	strace s18  }
0x99: {  	s3 =	sld [smem:$0x3FFC];
	_ =	sdelay $0x3  }
0x9a: {  	_ =	strace s3  }
0x9b: {  	s3 =	sld [smem:$0x3FFD];
	_ =	sdelay $0x3  }
0x9c: {  	_ =	strace s3  }
0x9d: {  	_ =	strace $0x8FFFFFFF  }
0x9e: {  	s19 =	sld [smem:$0x3FDB];
	_ =	sdelay $0x1  }
0x9f: {  	s20 =	simm.s32 $_scs_section_size  }
0xa0: {  	s6 =	simm.s32 $_size__tile_overlayer_lowered;
	s7 =	simm.s32 $_tile_overlayer_lowered  }
0xa1: {  	s8 =	simm.s32 $0x1BFF;
	s21 =	sshll.u32 s7, $0x1;
	s5 =	sadd.s32 s20, s19  }
0xa2: {  	s22 =	simm.s32 $0x0;
	s6 =	sshll.u32 s6, $0x1;
	s7 =	sadd.s32 s21, s5  }
0xa3: {  	[timem:s22], [sflag:s8] =	dma.local [hbm:s7], s6  }
0xa4: {  	_ =	swait.ge [sflag:s8], s6  }
0xa5: {  	s6 =	ssub.s32 $0x0, s6;
	[sflag:s8] =	ssyncset.done $0x0  }
0xa6: {  	[sflag:s8] =	ssyncadd.s32 s6;
	_ =	sdelay $0x1  }
0xa7: {  	s23 =	simm.s32 $0x1B8B  }
0xa8: {  	_ =	swait.ge [sflag:s23], $0x1  }
0xa9: {  	[sflag:s23] =	ssyncset.done $0x0  }
0xaa: {  	[sflag:s23] =	ssyncadd.s32 $0xFFFFFFFF  }
0xab: {  	s6 =	sld [smem:$0x0]  }
0xac: {  	s7 =	sand.u32 $0xFFFFFFFE, s1  }
0xad: {  	p0 =	sne.s32 s1, s7  }
0xae: {  	s7 =	sshll.u32 @p0 s7, $0xE  }
0xaf: {  	s7 =	sadd.s32 @p0 $0x11B8D, s7;
	s8 =	sshll.u32 @p0 s6, $0x11  }
0xb0: {  	s7 =	sor.u32 @p0 s8, s7  }
0xb1: {  	[sflag:s7] =	ssyncadd.remote.s32 @p0 $0x1;
	_ =	sdelay $0x1  }
0xb2: {  	s7 =	simm.s32 @p0 $0x1B8D  }
0xb3: {  	_ =	swait.eq @p0 [sflag:s7], $0x1  }
0xb4: {  	[sflag:s7] =	ssyncadd.s32 @p0 $0xFFFFFFFF  }
0xb5: {  	s8 =	sshll.u32 @!p0 s1, $0xE  }
0xb6: {  	s8 =	sor.u32 @!p0 $0x4000, s8;
	s7 =	simm.s32 @!p0 $0x1B8D  }
0xb7: {  	s6 =	sshll.u32 @!p0 s6, $0x11;
	s8 =	sadd.s32 @!p0 $0x11B8D, s8;
	_ =	swait.eq @!p0 [sflag:s7], $0x1  }
0xb8: {  	s6 =	sor.u32 @!p0 s6, s8;
	[sflag:s7] =	ssyncadd.s32 @!p0 $0xFFFFFFFF  }
0xb9: {  	s25 =	simm.s32 $0x1B8E;
	s24 =	sld [smem:$0x3FFE];
	[sflag:s6] =	ssyncadd.remote.s32 @!p0 $0x1  }
0xba: {  	s26 =	simm.s32 $execute0_lowered;
	[smem:$0x3FD2] =	sst s25  }
0xbb: {  	s7 =	sshll.u32 s26, $0x1;
	_ =	strace $0x80000049;
	[dreg:$0x1] =	wrdreg $0xFFFFFFFF  }
0xbc: {  	s28 =	simm.s32 $_size_execute0_lowered;
	s5 =	sadd.s32 s5, s7;
	[dreg:$0x0] =	wrdreg $0x0  }
0xbd: {  	s7 =	sshll.u32 s28, $0x1;
	[dreg:$0x2] =	wrdreg s5  }
0xbe: {  	[dreg:$0x3] =	wrdreg s7  }
0xbf: {  	[dreg:$0x4] =	wrdreg $0xC0  }
0xc0: {  	_ =	task [dreg:s22], $0x5FFFF  }
0xc1: {  	[dreg:$0x1] =	wrdreg $0xFFFFFFFF  }
0xc2: {  	[dreg:$0x0] =	wrdreg $0x60  }
0xc3: {  	[dreg:$0x2] =	wrdreg s2  }
0xc4: {  	[dreg:$0x3] =	wrdreg s24  }
0xc5: {  	[dreg:$0x4] =	wrdreg s17  }
0xc6: {  	[dreg:$0x5] =	wrdreg $0xA  }
0xc7: {  	_ =	task.clear_ibuf [dreg:s22], $0x6FFFF;
	_ =	strace $0x90000049  }
0xc8: {  	s29 =	simm.s32 $0xA;
	_ =	strace $0x8000004B  }
0xc9: {  	_ =	swait.ge [sflag:s29], $0x1  }
0xca: {  	[sflag:s29] =	ssyncadd.s32 $0xFFFFFFFF  }
0xcb: {  	_ =	strace $0x9000004B  }
0xcc: {  	_ =	sfence  }
0xcd: {  	s30 =	sld [smem:$0x0];
	_ =	sdelay $0x2  }
0xce: {  	s31 =	sshll.u32 s1, $0xD;
	s1 =	sshrl.u32 s1, $0x2  }
0xcf: {  	s4 =	sand.u32 $0x4000, s31;
	s1 =	sadd.s32 s1, s30  }
0xd0: {  	s0 =	sor.u32 s4, s0;
	s1 =	sshll.u32 s1, $0x11  }
0xd1: {  	s0 =	sor.u32 s1, s0  }
0xd2: {  	s0 =	sadd.s32 $0x8F2B, s0  }
0xd3: {  	[sflag:s0] =	ssyncadd.remote.s32 $0x1  }
0xd4: {  	_ =	sfence.sel $0xFFFF  }
0xd5: {  	[dreg:$0x0] =	wrdreg $0xFFFFFFFF;
	(pc) =	sbr.abs _section_cstart, $3  }
0xd6: {  	[dreg:$0x1] =	wrdreg $0xFFFFFFFF  }
0xd7: {  	_ =	task.clear_ibuf [dreg:s22], $0x2FFFF;
	_ =	strace $0x9FFFFFFF  }
0xd8: {  	(tm) =	ssettm $0x7FFFFFFF  }
0xd9: {  	_ =	shalt  }
tec
execute0_lowered:
.L_overlay_start_1:
0x0: {  	(tag) =	ssettag $0x1  }
0x1: {  	s3 =	rddreg [dreg:$0x0];
	s1 =	srdreg.scid  }
0x2: {  	s5 =	rddreg [dreg:$0x1];
	s0 =	stileid.u32;
	s14 =	sand.u32 $0x1, s1  }
0x3: {  	s15 =	rddreg [dreg:$0x2];
	s4 =	sshll.u32 s0, $0xA;
	s6 =	sshll.u32 s14, $0x9  }
0x4: {  	s2 =	simm.s32 $0x0;
	s1 =	rddreg [dreg:$0x3];
	s16 =	sor.u32 s6, s4  }
0x5: {  	[smem:$0x7FF] =	sst s2;
	s4 =	sshrl.u32 s16, $0x3  }
0x6: {  	_ =	strace $0x8000004A;
	s4 =	sadd.s32 s3, s4;
	s3 =	simm.s32 $0x2  }
0x7: {  	[tilespmem:s2], [sflag:$0x2] =	stream.linear.gather [hbm4b:s4+s2], $0x200, $0x38;
	[tilespmem:$0x8200] =	vst v63  }
0x8: {  	_ =	swait.ge [sflag:s3], $0x200  }
0x9: {  	s7 =	simm.s32 $0x200;
	[sflag:s3] =	ssyncset.done $0x0  }
0xa: {  	s5 =	sadd.s32 $0x1149C00, s5;
	s6 =	simm.s32 $0x80;
	[sflag:s3] =	ssyncadd.s32 $0xFFFFFE00  }
0xb: {  	[tilespmem:s7], [sflag:$0x1] =	stream.indirect.gather [hbm4b:s5+s6], $0x40, s2, s6, $0xb8;
	[tilespmem:$0x8200] =	vst v63  }
0xc: {  	s8 =	simm.s32 $0x2200  }
0xd: {  	[tilespmem:s8], [sflag:$0x1] =	stream.indirect.gather [hbm4b:s5+s6], $0x40, s6, s6, $0xb8;
	[tilespmem:$0x8200] =	vst v63  }
0xe: {  	s9 =	simm.s32 $0x100;
	s10 =	simm.s32 $0x4200  }
0xf: {  	[tilespmem:s10], [sflag:$0x1] =	stream.indirect.gather [hbm4b:s5+s6], $0x40, s9, s6, $0xb8;
	[tilespmem:$0x8200] =	vst v63  }
0x10: {  	s11 =	simm.s32 $0x180;
	s12 =	simm.s32 $0x6200;
	s13 =	simm.s32 $0x1  }
0x11: {  	[tilespmem:s12], [sflag:$0x1] =	stream.indirect.gather [hbm4b:s5+s6], $0x40, s11, s6, $0xb8;
	[tilespmem:$0x8200] =	vst v63  }
0x12: {  	_ =	swait.ge [sflag:s13], $0x2000  }
0x13: {  	[sflag:s13] =	ssyncset.done $0x0  }
0x14: {  	[sflag:s13] =	ssyncadd.s32 $0xFFFFE000  }
0x15: {  	_ =	swait.ge [sflag:s13], $0x2000  }
0x16: {  	[sflag:s13] =	ssyncset.done $0x0  }
0x17: {  	s14 =	ssub.s32 $0x2, s14;
	[sflag:s13] =	ssyncadd.s32 $0xFFFFE000  }
0x18: {  	s17 =	sshrl.u32 s14, $0x1;
	_ =	swait.ge [sflag:s13], $0x2000  }
0x19: {  	s17 =	ssub.s32 s14, s17;
	[sflag:s13] =	ssyncset.done $0x0  }
0x1a: {  	s31 =	smax.u32 s17, $0x1;
	[sflag:s13] =	ssyncadd.s32 $0xFFFFE000  }
0x1b: {  	p0 =	sne.s32 s31, $0x1;
	_ =	swait.ge [sflag:s13], $0x2000  }
.Ltmp0:
0x1c: {  	s30 =	sshll.u32 s16, $0x3;
	[sflag:s13] =	ssyncset.done $0x0;
	(pc) =	sbr.rel @!p0 .LBB2_2-.Ltmp0, $4  }
0x1d: {  	s14 =	sadd.s32 s15, s30;
	[sflag:s13] =	ssyncadd.s32 $0xFFFFE000  }
0x1e: {  	[hbm4b:s14+s2] =	stream.linear.scatter [tilespmem:s7], [sflag:$0x2], $0x8000, $0x38;
	[tilespmem:$0x8200] =	vst v63  }
0x1f: {  	_ =	swait.ge [sflag:s3], $0x8000  }
0x20: {  	s15 =	sadd.s32 $0xFFFFFFFF, s31;
	[sflag:s3] =	ssyncset.done $0x0  }
.LBB2_1:
0x21: {  	p0 =	sne.s32 s15, $0x1;
	s15 =	sadd.s32 $0xFFFFFFFF, s15;
	[sflag:s3] =	ssyncadd.s32 $0xFFFF8000  }
0x22: {  	[tilespmem:s2], [sflag:$0x2] =	stream.linear.gather [hbm4b:s4+s2], $0x200, $0x38;
	[tilespmem:$0x8200] =	vst v63  }
0x23: {  	_ =	swait.ge [sflag:s3], $0x200  }
0x24: {  	[sflag:s3] =	ssyncset.done $0x0  }
0x25: {  	[sflag:s3] =	ssyncadd.s32 $0xFFFFFE00  }
0x26: {  	[tilespmem:s7], [sflag:$0x1] =	stream.indirect.gather [hbm4b:s5+s6], $0x40, s2, s6, $0xb8;
	[tilespmem:$0x8200] =	vst v63  }
0x27: {  	_ = 	snop  }
0x28: {  	[tilespmem:s8], [sflag:$0x1] =	stream.indirect.gather [hbm4b:s5+s6], $0x40, s6, s6, $0xb8;
	[tilespmem:$0x8200] =	vst v63  }
0x29: {  	_ = 	snop  }
0x2a: {  	[tilespmem:s10], [sflag:$0x1] =	stream.indirect.gather [hbm4b:s5+s6], $0x40, s9, s6, $0xb8;
	[tilespmem:$0x8200] =	vst v63  }
0x2b: {  	_ = 	snop  }
0x2c: {  	[tilespmem:s12], [sflag:$0x1] =	stream.indirect.gather [hbm4b:s5+s6], $0x40, s11, s6, $0xb8;
	[tilespmem:$0x8200] =	vst v63  }
0x2d: {  	_ =	swait.ge [sflag:s13], $0x2000  }
0x2e: {  	[sflag:s13] =	ssyncset.done $0x0  }
0x2f: {  	[sflag:s13] =	ssyncadd.s32 $0xFFFFE000  }
0x30: {  	_ =	swait.ge [sflag:s13], $0x2000  }
0x31: {  	[sflag:s13] =	ssyncset.done $0x0  }
0x32: {  	[sflag:s13] =	ssyncadd.s32 $0xFFFFE000  }
0x33: {  	_ =	swait.ge [sflag:s13], $0x2000  }
0x34: {  	[sflag:s13] =	ssyncset.done $0x0  }
0x35: {  	[sflag:s13] =	ssyncadd.s32 $0xFFFFE000  }
0x36: {  	_ =	swait.ge [sflag:s13], $0x2000  }
.Ltmp1:
0x37: {  	[sflag:s13] =	ssyncset.done $0x0;
	(pc) =	sbr.rel @p0 .LBB2_1-.Ltmp1, $4  }
0x38: {  	[sflag:s13] =	ssyncadd.s32 $0xFFFFE000  }
0x39: {  	[hbm4b:s14+s2] =	stream.linear.scatter [tilespmem:s7], [sflag:$0x2], $0x8000, $0x38;
	[tilespmem:$0x8200] =	vst v63  }
0x3a: {  	_ =	swait.ge [sflag:s3], $0x8000  }
0x3b: {  	[sflag:s3] =	ssyncset.done $0x0  }
.LBB2_2:
0x3c: {  	[sflag:s3] =	ssyncadd.s32 $0xFFFF8000  }
0x3d: {  	_ =	sfence.sel $0x180000  }
0x3e: {  	[bflag:$0x0] =	sbarrier.arrive $0xFFFF  }
0x3f: {  	p0 =	sne.s32 s0, $0x0;
	_ =	strace $0x9000004A  }
0x40: {  	s0 =	sadd.s32 @!p0 $0x100000, s1;
	[bflag:$0x2] =	sbarrier.arrive $0xFFFF  }
0x41: {  	[sflag:s0] =	ssyncadd.tile.s32 @!p0 $0x1;
	_ =	shalt  }
.Lfunc_end2:
_tile_overlayer_lowered:
.L_overlay_start_2:
0x42: {  	(tag) =	ssettag $0x2  }
0x43: {  	s0 =	rddreg [dreg:$0x0];
	s2 =	stileid.u32  }
0x44: {  	s1 =	rddreg [dreg:$0x1];
	p0 =	sne.s32 s2, $0x0  }
0x45: {  	s3 =	rddreg [dreg:$0x2];
	[bflag:$0x3] =	sbarrier.arrive $0xFFFF;
	s2 =	simm.s32 @!p0 $0x1C02  }
0x46: {  	[timem:s3], [sflag:s2] =	dma.local @!p0 [hbm:s0], s1  }
0x47: {  	s0 =	simm.s32 @!p0 $0x2  }
0x48: {  	_ =	swait.ge @!p0 [sflag:s0], s1  }
0x49: {  	s1 =	ssub.s32 @!p0 $0x0, s1;
	[sflag:s0] =	ssyncset.done @!p0 $0x0  }
0x4a: {  	[sflag:s0] =	ssyncadd.s32 @!p0 s1  }
0x4b: {  	[bflag:$0x3] =	sbarrier.arrive $0xFFFF  }
0x4c: {  	_ =	shalt  }

</sc_bundles>
